<compile_context>
chip_gen: v7x
topology: tpu7x:2x2x1
jax: 0.10.2.dev20260603
libtpu: 0.0.44.dev20260713+nightly
codegen_flags: <defaults>
</compile_context>

<pallas_src>
import functools

import jax
import jax.numpy as jnp
from jax import lax
from jax.experimental import pallas as pl
from jax.experimental.pallas import tpu as pltpu
from jax.experimental.pallas import tpu_sc as plsc

N = 10000
E = 160000
D = 256
HD = 128
NC, NS = 2, 16
EPS = 1e-5

EC = 80
NCHUNK = E // NS // EC
WIN = 25
NWIN = NCHUNK // WIN
DC = 40
NDCHUNK = E // NC // NS // DC

_BN = 2000
_GRID = N // _BN

_mesh = plsc.VectorSubcoreMesh(core_axis_name="c", subcore_axis_name="s",
                               num_cores=NC, num_subcores=NS)



@functools.partial(
    pl.kernel,
    out_type=jax.ShapeDtypeStruct((NC, N, HD), jnp.float32),
    mesh=_mesh,
    scratch_types=[
        pltpu.VMEM((NDCHUNK, DC), jnp.int32),
        pltpu.VMEM((DC, HD), jnp.float32),
        pltpu.VMEM_SHARED((N, HD), jnp.float32),
        pltpu.SemaphoreType.DMA,
    ],
)
def _deg_kernel(dst_hbm, ones_hbm, zeros_hbm, out_hbm, idx_v, ones_v, deg_sp,
                dsem):
    c = lax.axis_index("c")
    s = lax.axis_index("s")

    @pl.when(s < 10)
    def _zero():
        pltpu.sync_copy(zeros_hbm, deg_sp.at[pl.ds(s * 1000, 1000)])

    pltpu.sync_copy(ones_hbm, ones_v)
    pltpu.sync_copy(dst_hbm.at[c, s], idx_v)
    plsc.subcore_barrier()

    def chunk(i, carry):
        for b in range(5):
            pltpu.async_copy(ones_v, deg_sp.at[idx_v.at[5 * i + b]], dsem,
                             add=True)
        for b in range(5):
            pltpu.make_async_copy(ones_v, deg_sp.at[idx_v.at[0]],
                                  dsem).wait()
        return carry

    lax.fori_loop(0, NDCHUNK // 5, chunk, 0)
    plsc.subcore_barrier()

    @pl.when(s < 10)
    def _write():
        pltpu.sync_copy(deg_sp.at[pl.ds(s * 1000, 1000)],
                        out_hbm.at[c, pl.ds(s * 1000, 1000)])



@functools.partial(
    pl.kernel,
    out_type=jax.ShapeDtypeStruct((NC, N, HD), jnp.float32),
    mesh=_mesh,
    scratch_types=[
        pltpu.VMEM((WIN, EC), jnp.int32),
        pltpu.VMEM((WIN, EC), jnp.int32),
        pltpu.VMEM((EC, HD), jnp.float32),
        pltpu.VMEM((EC, HD), jnp.float32),
        pltpu.VMEM((EC, HD), jnp.float32),
        pltpu.VMEM_SHARED((N, HD), jnp.float32),
        pltpu.SemaphoreType.DMA,
        pltpu.SemaphoreType.DMA,
        pltpu.SemaphoreType.DMA,
        pltpu.SemaphoreType.DMA,
        pltpu.SemaphoreType.DMA,
        pltpu.SemaphoreType.DMA,
    ],
)
def _edge_kernel(y_hbm, src_hbm, dst_hbm, zeros_hbm, out_hbm,
                 src_v, dst_v, rows0, rows1, rows2, acc_sp,
                 gsem0, gsem1, gsem2, ssem0, ssem1, ssem2):
    c = lax.axis_index("c")
    s = lax.axis_index("s")
    rows = (rows0, rows1, rows2)
    gsem = (gsem0, gsem1, gsem2)
    ssem = (ssem0, ssem1, ssem2)

    @pl.when(s < 10)
    def _zero():
        pltpu.sync_copy(zeros_hbm, acc_sp.at[pl.ds(s * 1000, 1000)])

    plsc.subcore_barrier()

    def start_gather(b, j):
        pltpu.async_copy(y_hbm.at[src_v.at[j]], rows[b], gsem[b])

    def wait_gather(b):
        pltpu.make_async_copy(y_hbm.at[src_v.at[0]], rows[b], gsem[b]).wait()

    def start_scatter(b, j):
        pltpu.async_copy(rows[b], acc_sp.at[dst_v.at[j]], ssem[b], add=True)

    def wait_scatter(b):
        pltpu.make_async_copy(rows[b], acc_sp.at[dst_v.at[0]],
                              ssem[b]).wait()

    def window(w, carry):
        pltpu.sync_copy(src_hbm.at[c, s, w], src_v)
        pltpu.sync_copy(dst_hbm.at[s, w], dst_v)
        start_gather(0, 0)
        start_gather(1, 1)

        def triple(i, cc):
            for b in (0, 1, 2):
                k = 3 * i + b
                bp = (b + 2) % 3

                @pl.when(k >= 1)
                def _free():
                    wait_scatter(bp)

                @pl.when(k + 2 <= WIN - 1)
                def _prefetch():
                    start_gather(bp, k + 2)

                wait_gather(b)
                start_scatter(b, k)
            return cc

        lax.fori_loop(0, (WIN - 1) // 3, triple, 0)
        wait_scatter(2)
        wait_gather(0)
        start_scatter(0, WIN - 1)
        wait_scatter(0)
        return carry

    lax.fori_loop(0, NWIN, window, 0)
    plsc.subcore_barrier()

    @pl.when(s < 10)
    def _write():
        pltpu.sync_copy(acc_sp.at[pl.ds(s * 1000, 1000)],
                        out_hbm.at[c, pl.ds(s * 1000, 1000)])



def _k1_body(x_ref, w_ref, degp_ref, y_ref):
    d = degp_ref[...]
    dinv = lax.rsqrt(d[0, :, 0:1] + d[1, :, 0:1] + 1.0)
    y = jnp.dot(x_ref[...], w_ref[...],
                preferred_element_type=jnp.float32) * dinv
    y_ref[0] = y[:, :HD]
    y_ref[1] = y[:, HD:]


def _k1(x, w, degp):
    return pl.pallas_call(
        _k1_body,
        grid=(_GRID,),
        in_specs=[
            pl.BlockSpec((_BN, D), lambda i: (i, 0)),
            pl.BlockSpec((D, D), lambda i: (0, 0)),
            pl.BlockSpec((NC, _BN, HD), lambda i: (0, i, 0)),
        ],
        out_specs=pl.BlockSpec((NC, _BN, HD), lambda i: (0, i, 0)),
        out_shape=jax.ShapeDtypeStruct((NC, N, HD), jnp.float32),
    )(x, w, degp)


def _k2_body(acc_ref, y_ref, degp_ref, b_ref, z_ref, stats_ref):
    i = pl.program_id(0)
    d = degp_ref[...]
    dinv = lax.rsqrt(d[0, :, 0:1] + d[1, :, 0:1] + 1.0)
    acc = jnp.concatenate([acc_ref[0], acc_ref[1]], axis=1)
    y = jnp.concatenate([y_ref[0], y_ref[1]], axis=1)
    z = dinv * (acc + y) + b_ref[...]
    z_ref[...] = z
    st = jnp.concatenate([jnp.sum(z, 0, keepdims=True),
                          jnp.sum(z * z, 0, keepdims=True)], axis=0)

    @pl.when(i == 0)
    def _init():
        stats_ref[...] = st

    @pl.when(i > 0)
    def _acc():
        stats_ref[...] += st


def _k2(acc, y, degp, b):
    return pl.pallas_call(
        _k2_body,
        grid=(_GRID,),
        in_specs=[
            pl.BlockSpec((NC, _BN, HD), lambda i: (0, i, 0)),
            pl.BlockSpec((NC, _BN, HD), lambda i: (0, i, 0)),
            pl.BlockSpec((NC, _BN, HD), lambda i: (0, i, 0)),
            pl.BlockSpec((1, D), lambda i: (0, 0)),
        ],
        out_specs=[
            pl.BlockSpec((_BN, D), lambda i: (i, 0)),
            pl.BlockSpec((2, D), lambda i: (0, 0)),
        ],
        out_shape=[
            jax.ShapeDtypeStruct((N, D), jnp.float32),
            jax.ShapeDtypeStruct((2, D), jnp.float32),
        ],
    )(acc, y, degp, b)


def _k3_body(z_ref, stats_ref, g_ref, bt_ref, w_ref, degp_ref, y_ref):
    mu = stats_ref[0:1] / N
    var = stats_ref[1:2] / N - mu * mu
    scale = g_ref[...] * lax.rsqrt(var + EPS)
    h = jnp.maximum((z_ref[...] - mu) * scale + bt_ref[...], 0.0)
    d = degp_ref[...]
    dinv = lax.rsqrt(d[0, :, 0:1] + d[1, :, 0:1] + 1.0)
    y = jnp.dot(h, w_ref[...], preferred_element_type=jnp.float32) * dinv
    y_ref[0] = y[:, :HD]
    y_ref[1] = y[:, HD:]


def _k3(z, stats, gamma, beta, w, degp):
    return pl.pallas_call(
        _k3_body,
        grid=(_GRID,),
        in_specs=[
            pl.BlockSpec((_BN, D), lambda i: (i, 0)),
            pl.BlockSpec((2, D), lambda i: (0, 0)),
            pl.BlockSpec((1, D), lambda i: (0, 0)),
            pl.BlockSpec((1, D), lambda i: (0, 0)),
            pl.BlockSpec((D, D), lambda i: (0, 0)),
            pl.BlockSpec((NC, _BN, HD), lambda i: (0, i, 0)),
        ],
        out_specs=pl.BlockSpec((NC, _BN, HD), lambda i: (0, i, 0)),
        out_shape=jax.ShapeDtypeStruct((NC, N, HD), jnp.float32),
    )(z, stats, gamma, beta, w, degp)


def _k5_body(z_ref, stats_ref, g_ref, bt_ref, x_ref, out_ref):
    mu = stats_ref[0:1] / N
    var = stats_ref[1:2] / N - mu * mu
    scale = g_ref[...] * lax.rsqrt(var + EPS)
    out_ref[...] = jnp.maximum((z_ref[...] - mu) * scale + bt_ref[...]
                               + x_ref[...], 0.0)


def _k5(z, stats, gamma, beta, x):
    return pl.pallas_call(
        _k5_body,
        grid=(_GRID,),
        in_specs=[
            pl.BlockSpec((_BN, D), lambda i: (i, 0)),
            pl.BlockSpec((2, D), lambda i: (0, 0)),
            pl.BlockSpec((1, D), lambda i: (0, 0)),
            pl.BlockSpec((1, D), lambda i: (0, 0)),
            pl.BlockSpec((_BN, D), lambda i: (i, 0)),
        ],
        out_specs=pl.BlockSpec((_BN, D), lambda i: (i, 0)),
        out_shape=jax.ShapeDtypeStruct((N, D), jnp.float32),
    )(z, stats, gamma, beta, x)



def kernel(x, edge_index, W1, b1, gamma1, beta1, W2, b2, gamma2, beta2):
    src = edge_index[0].astype(jnp.int32)
    dst = edge_index[1].astype(jnp.int32)

    dst_deg = dst.reshape(NC, NS, NDCHUNK, DC)
    src2 = jnp.stack([src, src + N]).reshape(NC, NS, NWIN, WIN, EC)
    dst_sc = dst.reshape(NS, NWIN, WIN, EC)

    ones128 = jnp.ones((DC, HD), jnp.float32)
    zeros1k = jnp.zeros((1000, HD), jnp.float32)
    zerosrows = jnp.zeros((1000, HD), jnp.float32)

    degp3 = _deg_kernel(dst_deg, ones128, zeros1k)

    b1r = b1.reshape(1, D)
    b2r = b2.reshape(1, D)
    g1 = gamma1.reshape(1, D)
    g2 = gamma2.reshape(1, D)
    bt1 = beta1.reshape(1, D)
    bt2 = beta2.reshape(1, D)

    y1 = _k1(x, W1, degp3)
    acc1 = _edge_kernel(y1.reshape(NC * N, HD), src2, dst_sc, zerosrows)
    z1, st1 = _k2(acc1, y1, degp3, b1r)
    y2 = _k3(z1, st1, g1, bt1, W2, degp3)
    acc2 = _edge_kernel(y2.reshape(NC * N, HD), src2, dst_sc, zerosrows)
    z2, st2 = _k2(acc2, y2, degp3, b2r)
    return _k5(z2, st2, g2, bt2, x)

# --- scband reference (transcript-rebuilt; emitter-appended) ---
"""Pipeline reference for scband-residual-block-31868657336592 (READ-ONLY COPY).

The authoritative reference and input builder live on the scoring server;
editing this copy changes nothing except your own understanding.
"""

import jax, jax.numpy as jnp
import numpy as np

N = 10000
E = 160000
D = 256


def setup_inputs(seed: int = 0) -> dict:
    key = jax.random.key(seed)
    ks = jax.random.split(key, 8)
    x = jax.random.normal(ks[0], (N, D), dtype=jnp.float32)
    edge_index = jax.random.randint(ks[1], (2, E), 0, N, dtype=jnp.int64)
    s = 1.0 / np.sqrt(D)
    W1 = jax.random.normal(ks[2], (D, D), dtype=jnp.float32) * s
    b1 = jnp.zeros((D,), dtype=jnp.float32)
    W2 = jax.random.normal(ks[3], (D, D), dtype=jnp.float32) * s
    b2 = jnp.zeros((D,), dtype=jnp.float32)
    gamma1 = jnp.ones((D,), dtype=jnp.float32)
    beta1 = jnp.zeros((D,), dtype=jnp.float32)
    gamma2 = jnp.ones((D,), dtype=jnp.float32)
    beta2 = jnp.zeros((D,), dtype=jnp.float32)
    return {"x": x, "edge_index": edge_index, "W1": W1, "b1": b1,
            "gamma1": gamma1, "beta1": beta1, "W2": W2, "b2": b2,
            "gamma2": gamma2, "beta2": beta2}


def _gcn_conv(x, edge_index, W, b):
    # GCNConv with symmetric normalization and self-loops (PyG default).
    n = x.shape[0]
    loop = jnp.arange(n, dtype=edge_index.dtype)
    src = jnp.concatenate([edge_index[0], loop])
    dst = jnp.concatenate([edge_index[1], loop])
    deg = jnp.zeros((n,), dtype=x.dtype).at[dst].add(1.0)
    dinv = jnp.where(deg > 0, deg ** -0.5, 0.0)
    norm = dinv[src] * dinv[dst]
    xw = x @ W
    msg = jnp.take(xw, src, axis=0) * norm[:, None]
    out = jnp.zeros_like(xw).at[dst].add(msg)
    return out + b


def _batchnorm(h, gamma, beta, eps=1e-5):
    mu = jnp.mean(h, axis=0)
    var = jnp.var(h, axis=0)
    return gamma * (h - mu) * jax.lax.rsqrt(var + eps) + beta


def reference(x, edge_index, W1, b1, gamma1, beta1, W2, b2, gamma2, beta2):
    identity = x
    out = _gcn_conv(x, edge_index, W1, b1)
    out = _batchnorm(out, gamma1, beta1)
    out = jax.nn.relu(out)
    # dropout is identity in eval / deterministic reference
    out = _gcn_conv(out, edge_index, W2, b2)
    out = _batchnorm(out, gamma2, beta2)
    out = out + identity
    out = jax.nn.relu(out)
    return out

if __name__ == "__main__":
    import jax
    _d = setup_inputs()
    print(jax.jit(kernel)(*tuple(_d.values())))

</pallas_src>

<mosaic_0001>
#map = affine_map<(d0, d1) -> (0, 0, 0, 0)>
#map1 = affine_map<(d0, d1) -> (0, 0)>
#map2 = affine_map<(d0, d1) -> (0, 0, 0)>
module attributes {stable_mosaic.version = 14 : i64} {
  func.func @_deg_kernel(%arg0: i32, %arg1: i32, %arg2: memref<2x16x125x40xi32, #tpu.memory_space<hbm>>, %arg3: memref<40x128xf32, #tpu.memory_space<hbm>>, %arg4: memref<1000x128xf32, #tpu.memory_space<hbm>>, %arg5: memref<2x10000x128xf32, #tpu.memory_space<hbm>>, %arg6: memref<125x40xi32, #tpu.memory_space<vmem>>, %arg7: memref<40x128xf32, #tpu.memory_space<vmem>>, %arg8: memref<10000x128xf32, #tpu.memory_space<vmem_shared>>, %arg9: memref<!tpu.dma_semaphore, #tpu.memory_space<semaphore_mem>>) attributes {dimension_semantics = [#tpu.dimension_semantics<core_parallel>, #tpu.dimension_semantics<subcore_parallel>], iteration_bounds = array<i64: 2, 16>, scalar_prefetch = 0 : i64, scratch_operands = 4 : i64, tpu.core_type = #tpu.core_type<sc_vector_subcore>, window_params = [{transform_indices = #map}, {transform_indices = #map1}, {transform_indices = #map1}, {transform_indices = #map2}]} {
    %lt3A = arith.constant 10 : i32
    %lt3A_0 = arith.cmpi slt, %arg1, %lt3A : i32
    %convert_element_type3A = arith.extui %lt3A_0 : i1 to i32
    %cond3A = arith.constant 0 : i32
    %cond3A_1 = arith.cmpi ne, %convert_element_type3A, %cond3A : i32
    scf.if %cond3A_1 {
      %mul3A = arith.constant 1000 : i32
      %mul3A_13 = arith.muli %arg1, %mul3A : i32
      "tpu.region"() ({
        %run_scoped3A = tpu.sem_alloc : memref<!tpu.dma_semaphore, #tpu.memory_space<semaphore_mem>>
        %dma_start3A = arith.constant 0 : i32
        %dma_start3A_14 = tpu.memref_slice %arg8[%mul3A_13, %dma_start3A] : memref<10000x128xf32, #tpu.memory_space<vmem_shared>> -> memref<1000x128xf32, #tpu.memory_space<vmem_shared>>
        tpu.enqueue_dma source(%arg4 : memref<1000x128xf32, #tpu.memory_space<hbm>>) target(%dma_start3A_14 : memref<1000x128xf32, #tpu.memory_space<vmem_shared>>) target_semaphore(%run_scoped3A : memref<!tpu.dma_semaphore, #tpu.memory_space<semaphore_mem>>)
        %dma_wait3A = arith.constant 0 : i32
        %dma_wait3A_15 = tpu.memref_slice %arg8[%mul3A_13, %dma_wait3A] : memref<10000x128xf32, #tpu.memory_space<vmem_shared>> -> memref<1000x128xf32, #tpu.memory_space<vmem_shared>>
        tpu.wait_dma2 semaphore(%run_scoped3A : memref<!tpu.dma_semaphore, #tpu.memory_space<semaphore_mem>>) src(%arg4 : memref<1000x128xf32, #tpu.memory_space<hbm>>) dst(%dma_wait3A_15 : memref<1000x128xf32, #tpu.memory_space<vmem_shared>>)
        tpu.yield
      }) : () -> ()
    } else {
    }
    "tpu.region"() ({
      %run_scoped3A = tpu.sem_alloc : memref<!tpu.dma_semaphore, #tpu.memory_space<semaphore_mem>>
      tpu.enqueue_dma source(%arg3 : memref<40x128xf32, #tpu.memory_space<hbm>>) target(%arg7 : memref<40x128xf32, #tpu.memory_space<vmem>>) target_semaphore(%run_scoped3A : memref<!tpu.dma_semaphore, #tpu.memory_space<semaphore_mem>>)
      tpu.wait_dma2 semaphore(%run_scoped3A : memref<!tpu.dma_semaphore, #tpu.memory_space<semaphore_mem>>) src(%arg3 : memref<40x128xf32, #tpu.memory_space<hbm>>) dst(%arg7 : memref<40x128xf32, #tpu.memory_space<vmem>>)
      tpu.yield
    }) : () -> ()
    "tpu.region"() ({
      %run_scoped3A = tpu.sem_alloc : memref<!tpu.dma_semaphore, #tpu.memory_space<semaphore_mem>>
      %dma_start3A = arith.constant 0 : i32
      %dma_start3A_13 = arith.constant 0 : i32
      %dma_start3A_14 = tpu.memref_slice %arg2[%arg0, %arg1, %dma_start3A, %dma_start3A_13] : memref<2x16x125x40xi32, #tpu.memory_space<hbm>> -> memref<1x1x125x40xi32, #tpu.memory_space<hbm>>
      %dma_start3A_15 = tpu.memref_squeeze %dma_start3A_14 : memref<1x1x125x40xi32, #tpu.memory_space<hbm>> -> memref<125x40xi32, #tpu.memory_space<hbm>>
      %dma_start3A_16 = arith.constant 0 : i32
      %dma_start3A_17 = arith.constant 0 : i32
      %dma_start3A_18 = tpu.memref_slice %arg2[%arg0, %arg1, %dma_start3A_16, %dma_start3A_17] : memref<2x16x125x40xi32, #tpu.memory_space<hbm>> -> memref<1x1x125x40xi32, #tpu.memory_space<hbm>>
      %dma_start3A_19 = tpu.memref_squeeze %dma_start3A_18 : memref<1x1x125x40xi32, #tpu.memory_space<hbm>> -> memref<125x40xi32, #tpu.memory_space<hbm>>
      tpu.enqueue_dma source(%dma_start3A_19 : memref<125x40xi32, #tpu.memory_space<hbm>>) target(%arg6 : memref<125x40xi32, #tpu.memory_space<vmem>>) target_semaphore(%run_scoped3A : memref<!tpu.dma_semaphore, #tpu.memory_space<semaphore_mem>>)
      %dma_wait3A = arith.constant 0 : i32
      %dma_wait3A_20 = arith.constant 0 : i32
      %dma_wait3A_21 = tpu.memref_slice %arg2[%arg0, %arg1, %dma_wait3A, %dma_wait3A_20] : memref<2x16x125x40xi32, #tpu.memory_space<hbm>> -> memref<1x1x125x40xi32, #tpu.memory_space<hbm>>
      %dma_wait3A_22 = tpu.memref_squeeze %dma_wait3A_21 : memref<1x1x125x40xi32, #tpu.memory_space<hbm>> -> memref<125x40xi32, #tpu.memory_space<hbm>>
      %dma_wait3A_23 = arith.constant 0 : i32
      %dma_wait3A_24 = arith.constant 0 : i32
      %dma_wait3A_25 = tpu.memref_slice %arg2[%arg0, %arg1, %dma_wait3A_23, %dma_wait3A_24] : memref<2x16x125x40xi32, #tpu.memory_space<hbm>> -> memref<1x1x125x40xi32, #tpu.memory_space<hbm>>
      %dma_wait3A_26 = tpu.memref_squeeze %dma_wait3A_25 : memref<1x1x125x40xi32, #tpu.memory_space<hbm>> -> memref<125x40xi32, #tpu.memory_space<hbm>>
      tpu.wait_dma2 semaphore(%run_scoped3A : memref<!tpu.dma_semaphore, #tpu.memory_space<semaphore_mem>>) src(%dma_wait3A_26 : memref<125x40xi32, #tpu.memory_space<hbm>>) dst(%arg6 : memref<125x40xi32, #tpu.memory_space<vmem>>)
      tpu.yield
    }) : () -> ()
    %barrier3A = arith.constant 0 : index
    tpu.barrier barrier_id(%barrier3A)
    %scan3A = arith.constant 0 : i32
    %scan3A_2 = arith.constant 0 : i32
    %scan3A_3 = arith.constant 25 : i32
    %scan3A_4 = arith.addi %scan3A_2, %scan3A_3 : i32
    %scan3A_5 = arith.constant 1 : i32
    scf.for %scan3A_13 = %scan3A_2 to %scan3A_4 step %scan3A_5  : i32 {
      %mul3A = arith.constant 5 : i32
      %mul3A_14 = arith.muli %mul3A, %scan3A_13 : i32
      %add3A = arith.constant 0 : i32
      %add3A_15 = arith.addi %mul3A_14, %add3A : i32
      %dma_start3A = arith.constant 0 : i32
      %dma_start3A_16 = tpu.memref_slice %arg6[%add3A_15, %dma_start3A] : memref<125x40xi32, #tpu.memory_space<vmem>> -> memref<1x40xi32, #tpu.memory_space<vmem>>
      %dma_start3A_17 = tpu.memref_squeeze %dma_start3A_16 : memref<1x40xi32, #tpu.memory_space<vmem>> -> memref<40xi32, #tpu.memory_space<vmem>>
      %dma_start3A_18 = arith.constant 0 : i32
      %dma_start3A_19 = arith.constant 0 : i32
      %dma_start3A_20 = tpu.memref_slice %arg8[%dma_start3A_18, %dma_start3A_19] : memref<10000x128xf32, #tpu.memory_space<vmem_shared>> -> memref<10000x128xf32, #tpu.memory_space<vmem_shared>>
      tpu.enqueue_indirect_dma source(%arg7 : memref<40x128xf32, #tpu.memory_space<vmem>>) target(%dma_start3A_20 : memref<10000x128xf32, #tpu.memory_space<vmem_shared>>) offsets(%dma_start3A_17 : memref<40xi32, #tpu.memory_space<vmem>>) semaphore(%arg9 : memref<!tpu.dma_semaphore, #tpu.memory_space<semaphore_mem>>) {add = true}
      %mul3A_21 = arith.constant 5 : i32
      %mul3A_22 = arith.muli %mul3A_21, %scan3A_13 : i32
      %add3A_23 = arith.constant 1 : i32
      %add3A_24 = arith.addi %mul3A_22, %add3A_23 : i32
      %dma_start3A_25 = arith.constant 0 : i32
      %dma_start3A_26 = tpu.memref_slice %arg6[%add3A_24, %dma_start3A_25] : memref<125x40xi32, #tpu.memory_space<vmem>> -> memref<1x40xi32, #tpu.memory_space<vmem>>
      %dma_start3A_27 = tpu.memref_squeeze %dma_start3A_26 : memref<1x40xi32, #tpu.memory_space<vmem>> -> memref<40xi32, #tpu.memory_space<vmem>>
      %dma_start3A_28 = arith.constant 0 : i32
      %dma_start3A_29 = arith.constant 0 : i32
      %dma_start3A_30 = tpu.memref_slice %arg8[%dma_start3A_28, %dma_start3A_29] : memref<10000x128xf32, #tpu.memory_space<vmem_shared>> -> memref<10000x128xf32, #tpu.memory_space<vmem_shared>>
      tpu.enqueue_indirect_dma source(%arg7 : memref<40x128xf32, #tpu.memory_space<vmem>>) target(%dma_start3A_30 : memref<10000x128xf32, #tpu.memory_space<vmem_shared>>) offsets(%dma_start3A_27 : memref<40xi32, #tpu.memory_space<vmem>>) semaphore(%arg9 : memref<!tpu.dma_semaphore, #tpu.memory_space<semaphore_mem>>) {add = true}
      %mul3A_31 = arith.constant 5 : i32
      %mul3A_32 = arith.muli %mul3A_31, %scan3A_13 : i32
      %add3A_33 = arith.constant 2 : i32
      %add3A_34 = arith.addi %mul3A_32, %add3A_33 : i32
      %dma_start3A_35 = arith.constant 0 : i32
      %dma_start3A_36 = tpu.memref_slice %arg6[%add3A_34, %dma_start3A_35] : memref<125x40xi32, #tpu.memory_space<vmem>> -> memref<1x40xi32, #tpu.memory_space<vmem>>
      %dma_start3A_37 = tpu.memref_squeeze %dma_start3A_36 : memref<1x40xi32, #tpu.memory_space<vmem>> -> memref<40xi32, #tpu.memory_space<vmem>>
      %dma_start3A_38 = arith.constant 0 : i32
      %dma_start3A_39 = arith.constant 0 : i32
      %dma_start3A_40 = tpu.memref_slice %arg8[%dma_start3A_38, %dma_start3A_39] : memref<10000x128xf32, #tpu.memory_space<vmem_shared>> -> memref<10000x128xf32, #tpu.memory_space<vmem_shared>>
      tpu.enqueue_indirect_dma source(%arg7 : memref<40x128xf32, #tpu.memory_space<vmem>>) target(%dma_start3A_40 : memref<10000x128xf32, #tpu.memory_space<vmem_shared>>) offsets(%dma_start3A_37 : memref<40xi32, #tpu.memory_space<vmem>>) semaphore(%arg9 : memref<!tpu.dma_semaphore, #tpu.memory_space<semaphore_mem>>) {add = true}
      %mul3A_41 = arith.constant 5 : i32
      %mul3A_42 = arith.muli %mul3A_41, %scan3A_13 : i32
      %add3A_43 = arith.constant 3 : i32
      %add3A_44 = arith.addi %mul3A_42, %add3A_43 : i32
      %dma_start3A_45 = arith.constant 0 : i32
      %dma_start3A_46 = tpu.memref_slice %arg6[%add3A_44, %dma_start3A_45] : memref<125x40xi32, #tpu.memory_space<vmem>> -> memref<1x40xi32, #tpu.memory_space<vmem>>
      %dma_start3A_47 = tpu.memref_squeeze %dma_start3A_46 : memref<1x40xi32, #tpu.memory_space<vmem>> -> memref<40xi32, #tpu.memory_space<vmem>>
      %dma_start3A_48 = arith.constant 0 : i32
      %dma_start3A_49 = arith.constant 0 : i32
      %dma_start3A_50 = tpu.memref_slice %arg8[%dma_start3A_48, %dma_start3A_49] : memref<10000x128xf32, #tpu.memory_space<vmem_shared>> -> memref<10000x128xf32, #tpu.memory_space<vmem_shared>>
      tpu.enqueue_indirect_dma source(%arg7 : memref<40x128xf32, #tpu.memory_space<vmem>>) target(%dma_start3A_50 : memref<10000x128xf32, #tpu.memory_space<vmem_shared>>) offsets(%dma_start3A_47 : memref<40xi32, #tpu.memory_space<vmem>>) semaphore(%arg9 : memref<!tpu.dma_semaphore, #tpu.memory_space<semaphore_mem>>) {add = true}
      %mul3A_51 = arith.constant 5 : i32
      %mul3A_52 = arith.muli %mul3A_51, %scan3A_13 : i32
      %add3A_53 = arith.constant 4 : i32
      %add3A_54 = arith.addi %mul3A_52, %add3A_53 : i32
      %dma_start3A_55 = arith.constant 0 : i32
      %dma_start3A_56 = tpu.memref_slice %arg6[%add3A_54, %dma_start3A_55] : memref<125x40xi32, #tpu.memory_space<vmem>> -> memref<1x40xi32, #tpu.memory_space<vmem>>
      %dma_start3A_57 = tpu.memref_squeeze %dma_start3A_56 : memref<1x40xi32, #tpu.memory_space<vmem>> -> memref<40xi32, #tpu.memory_space<vmem>>
      %dma_start3A_58 = arith.constant 0 : i32
      %dma_start3A_59 = arith.constant 0 : i32
      %dma_start3A_60 = tpu.memref_slice %arg8[%dma_start3A_58, %dma_start3A_59] : memref<10000x128xf32, #tpu.memory_space<vmem_shared>> -> memref<10000x128xf32, #tpu.memory_space<vmem_shared>>
      tpu.enqueue_indirect_dma source(%arg7 : memref<40x128xf32, #tpu.memory_space<vmem>>) target(%dma_start3A_60 : memref<10000x128xf32, #tpu.memory_space<vmem_shared>>) offsets(%dma_start3A_57 : memref<40xi32, #tpu.memory_space<vmem>>) semaphore(%arg9 : memref<!tpu.dma_semaphore, #tpu.memory_space<semaphore_mem>>) {add = true}
      %dma_wait3A = arith.constant 0 : i32
      %dma_wait3A_61 = arith.constant 0 : i32
      %dma_wait3A_62 = tpu.memref_slice %arg6[%dma_wait3A, %dma_wait3A_61] : memref<125x40xi32, #tpu.memory_space<vmem>> -> memref<1x40xi32, #tpu.memory_space<vmem>>
      %dma_wait3A_63 = tpu.memref_squeeze %dma_wait3A_62 : memref<1x40xi32, #tpu.memory_space<vmem>> -> memref<40xi32, #tpu.memory_space<vmem>>
      %dma_wait3A_64 = arith.constant 0 : i32
      %dma_wait3A_65 = arith.constant 0 : i32
      %dma_wait3A_66 = tpu.memref_slice %arg8[%dma_wait3A_64, %dma_wait3A_65] : memref<10000x128xf32, #tpu.memory_space<vmem_shared>> -> memref<10000x128xf32, #tpu.memory_space<vmem_shared>>
      tpu.wait_indirect_dma semaphore(%arg9 : memref<!tpu.dma_semaphore, #tpu.memory_space<semaphore_mem>>) src(%arg7 : memref<40x128xf32, #tpu.memory_space<vmem>>) dst(%dma_wait3A_66 : memref<10000x128xf32, #tpu.memory_space<vmem_shared>>)
      %dma_wait3A_67 = arith.constant 0 : i32
      %dma_wait3A_68 = arith.constant 0 : i32
      %dma_wait3A_69 = tpu.memref_slice %arg6[%dma_wait3A_67, %dma_wait3A_68] : memref<125x40xi32, #tpu.memory_space<vmem>> -> memref<1x40xi32, #tpu.memory_space<vmem>>
      %dma_wait3A_70 = tpu.memref_squeeze %dma_wait3A_69 : memref<1x40xi32, #tpu.memory_space<vmem>> -> memref<40xi32, #tpu.memory_space<vmem>>
      %dma_wait3A_71 = arith.constant 0 : i32
      %dma_wait3A_72 = arith.constant 0 : i32
      %dma_wait3A_73 = tpu.memref_slice %arg8[%dma_wait3A_71, %dma_wait3A_72] : memref<10000x128xf32, #tpu.memory_space<vmem_shared>> -> memref<10000x128xf32, #tpu.memory_space<vmem_shared>>
      tpu.wait_indirect_dma semaphore(%arg9 : memref<!tpu.dma_semaphore, #tpu.memory_space<semaphore_mem>>) src(%arg7 : memref<40x128xf32, #tpu.memory_space<vmem>>) dst(%dma_wait3A_73 : memref<10000x128xf32, #tpu.memory_space<vmem_shared>>)
      %dma_wait3A_74 = arith.constant 0 : i32
      %dma_wait3A_75 = arith.constant 0 : i32
      %dma_wait3A_76 = tpu.memref_slice %arg6[%dma_wait3A_74, %dma_wait3A_75] : memref<125x40xi32, #tpu.memory_space<vmem>> -> memref<1x40xi32, #tpu.memory_space<vmem>>
      %dma_wait3A_77 = tpu.memref_squeeze %dma_wait3A_76 : memref<1x40xi32, #tpu.memory_space<vmem>> -> memref<40xi32, #tpu.memory_space<vmem>>
      %dma_wait3A_78 = arith.constant 0 : i32
      %dma_wait3A_79 = arith.constant 0 : i32
      %dma_wait3A_80 = tpu.memref_slice %arg8[%dma_wait3A_78, %dma_wait3A_79] : memref<10000x128xf32, #tpu.memory_space<vmem_shared>> -> memref<10000x128xf32, #tpu.memory_space<vmem_shared>>
      tpu.wait_indirect_dma semaphore(%arg9 : memref<!tpu.dma_semaphore, #tpu.memory_space<semaphore_mem>>) src(%arg7 : memref<40x128xf32, #tpu.memory_space<vmem>>) dst(%dma_wait3A_80 : memref<10000x128xf32, #tpu.memory_space<vmem_shared>>)
      %dma_wait3A_81 = arith.constant 0 : i32
      %dma_wait3A_82 = arith.constant 0 : i32
      %dma_wait3A_83 = tpu.memref_slice %arg6[%dma_wait3A_81, %dma_wait3A_82] : memref<125x40xi32, #tpu.memory_space<vmem>> -> memref<1x40xi32, #tpu.memory_space<vmem>>
      %dma_wait3A_84 = tpu.memref_squeeze %dma_wait3A_83 : memref<1x40xi32, #tpu.memory_space<vmem>> -> memref<40xi32, #tpu.memory_space<vmem>>
      %dma_wait3A_85 = arith.constant 0 : i32
      %dma_wait3A_86 = arith.constant 0 : i32
      %dma_wait3A_87 = tpu.memref_slice %arg8[%dma_wait3A_85, %dma_wait3A_86] : memref<10000x128xf32, #tpu.memory_space<vmem_shared>> -> memref<10000x128xf32, #tpu.memory_space<vmem_shared>>
      tpu.wait_indirect_dma semaphore(%arg9 : memref<!tpu.dma_semaphore, #tpu.memory_space<semaphore_mem>>) src(%arg7 : memref<40x128xf32, #tpu.memory_space<vmem>>) dst(%dma_wait3A_87 : memref<10000x128xf32, #tpu.memory_space<vmem_shared>>)
      %dma_wait3A_88 = arith.constant 0 : i32
      %dma_wait3A_89 = arith.constant 0 : i32
      %dma_wait3A_90 = tpu.memref_slice %arg6[%dma_wait3A_88, %dma_wait3A_89] : memref<125x40xi32, #tpu.memory_space<vmem>> -> memref<1x40xi32, #tpu.memory_space<vmem>>
      %dma_wait3A_91 = tpu.memref_squeeze %dma_wait3A_90 : memref<1x40xi32, #tpu.memory_space<vmem>> -> memref<40xi32, #tpu.memory_space<vmem>>
      %dma_wait3A_92 = arith.constant 0 : i32
      %dma_wait3A_93 = arith.constant 0 : i32
      %dma_wait3A_94 = tpu.memref_slice %arg8[%dma_wait3A_92, %dma_wait3A_93] : memref<10000x128xf32, #tpu.memory_space<vmem_shared>> -> memref<10000x128xf32, #tpu.memory_space<vmem_shared>>
      tpu.wait_indirect_dma semaphore(%arg9 : memref<!tpu.dma_semaphore, #tpu.memory_space<semaphore_mem>>) src(%arg7 : memref<40x128xf32, #tpu.memory_space<vmem>>) dst(%dma_wait3A_94 : memref<10000x128xf32, #tpu.memory_space<vmem_shared>>)
    }
    %scan3A_6 = arith.constant 25 : i32
    %barrier3A_7 = arith.constant 0 : index
    tpu.barrier barrier_id(%barrier3A_7)
    %lt3A_8 = arith.constant 10 : i32
    %lt3A_9 = arith.cmpi slt, %arg1, %lt3A_8 : i32
    %convert_element_type3A_10 = arith.extui %lt3A_9 : i1 to i32
    %cond3A_11 = arith.constant 0 : i32
    %cond3A_12 = arith.cmpi ne, %convert_element_type3A_10, %cond3A_11 : i32
    scf.if %cond3A_12 {
      %mul3A = arith.constant 1000 : i32
      %mul3A_13 = arith.muli %arg1, %mul3A : i32
      %mul3A_14 = arith.constant 1000 : i32
      %mul3A_15 = arith.muli %arg1, %mul3A_14 : i32
      "tpu.region"() ({
        %run_scoped3A = tpu.sem_alloc : memref<!tpu.dma_semaphore, #tpu.memory_space<semaphore_mem>>
        %dma_start3A = arith.constant 0 : i32
        %dma_start3A_16 = tpu.memref_slice %arg5[%arg0, %mul3A_15, %dma_start3A] : memref<2x10000x128xf32, #tpu.memory_space<hbm>> -> memref<1x1000x128xf32, #tpu.memory_space<hbm>>
        %dma_start3A_17 = tpu.memref_squeeze %dma_start3A_16 : memref<1x1000x128xf32, #tpu.memory_space<hbm>> -> memref<1000x128xf32, #tpu.memory_space<hbm>>
        %dma_start3A_18 = arith.constant 0 : i32
        %dma_start3A_19 = tpu.memref_slice %arg8[%mul3A_13, %dma_start3A_18] : memref<10000x128xf32, #tpu.memory_space<vmem_shared>> -> memref<1000x128xf32, #tpu.memory_space<vmem_shared>>
        tpu.enqueue_dma source(%dma_start3A_19 : memref<1000x128xf32, #tpu.memory_space<vmem_shared>>) target(%dma_start3A_17 : memref<1000x128xf32, #tpu.memory_space<hbm>>) target_semaphore(%run_scoped3A : memref<!tpu.dma_semaphore, #tpu.memory_space<semaphore_mem>>)
        %dma_wait3A = arith.constant 0 : i32
        %dma_wait3A_20 = tpu.memref_slice %arg5[%arg0, %mul3A_15, %dma_wait3A] : memref<2x10000x128xf32, #tpu.memory_space<hbm>> -> memref<1x1000x128xf32, #tpu.memory_space<hbm>>
        %dma_wait3A_21 = tpu.memref_squeeze %dma_wait3A_20 : memref<1x1000x128xf32, #tpu.memory_space<hbm>> -> memref<1000x128xf32, #tpu.memory_space<hbm>>
        %dma_wait3A_22 = arith.constant 0 : i32
        %dma_wait3A_23 = tpu.memref_slice %arg8[%mul3A_13, %dma_wait3A_22] : memref<10000x128xf32, #tpu.memory_space<vmem_shared>> -> memref<1000x128xf32, #tpu.memory_space<vmem_shared>>
        tpu.wait_dma2 semaphore(%run_scoped3A : memref<!tpu.dma_semaphore, #tpu.memory_space<semaphore_mem>>) src(%dma_wait3A_23 : memref<1000x128xf32, #tpu.memory_space<vmem_shared>>) dst(%dma_wait3A_21 : memref<1000x128xf32, #tpu.memory_space<hbm>>)
        tpu.yield
      }) : () -> ()
    } else {
    }
    return
  }
}

#map = affine_map<(d0, d1) -> (0, 0)>
#map1 = affine_map<(d0, d1) -> (0, 0, 0, 0, 0)>
#map2 = affine_map<(d0, d1) -> (0, 0, 0, 0)>
#map3 = affine_map<(d0, d1) -> (0, 0, 0)>
module attributes {stable_mosaic.version = 14 : i64} {
  func.func @_edge_kernel(%arg0: i32, %arg1: i32, %arg2: memref<20000x128xf32, #tpu.memory_space<hbm>>, %arg3: memref<2x16x5x25x80xi32, #tpu.memory_space<hbm>>, %arg4: memref<16x5x25x80xi32, #tpu.memory_space<hbm>>, %arg5: memref<1000x128xf32, #tpu.memory_space<hbm>>, %arg6: memref<2x10000x128xf32, #tpu.memory_space<hbm>>, %arg7: memref<25x80xi32, #tpu.memory_space<vmem>>, %arg8: memref<25x80xi32, #tpu.memory_space<vmem>>, %arg9: memref<80x128xf32, #tpu.memory_space<vmem>>, %arg10: memref<80x128xf32, #tpu.memory_space<vmem>>, %arg11: memref<80x128xf32, #tpu.memory_space<vmem>>, %arg12: memref<10000x128xf32, #tpu.memory_space<vmem_shared>>, %arg13: memref<!tpu.dma_semaphore, #tpu.memory_space<semaphore_mem>>, %arg14: memref<!tpu.dma_semaphore, #tpu.memory_space<semaphore_mem>>, %arg15: memref<!tpu.dma_semaphore, #tpu.memory_space<semaphore_mem>>, %arg16: memref<!tpu.dma_semaphore, #tpu.memory_space<semaphore_mem>>, %arg17: memref<!tpu.dma_semaphore, #tpu.memory_space<semaphore_mem>>, %arg18: memref<!tpu.dma_semaphore, #tpu.memory_space<semaphore_mem>>) attributes {dimension_semantics = [#tpu.dimension_semantics<core_parallel>, #tpu.dimension_semantics<subcore_parallel>], iteration_bounds = array<i64: 2, 16>, scalar_prefetch = 0 : i64, scratch_operands = 12 : i64, tpu.core_type = #tpu.core_type<sc_vector_subcore>, window_params = [{transform_indices = #map}, {transform_indices = #map1}, {transform_indices = #map2}, {transform_indices = #map}, {transform_indices = #map3}]} {
    %lt3A = arith.constant 10 : i32
    %lt3A_0 = arith.cmpi slt, %arg1, %lt3A : i32
    %convert_element_type3A = arith.extui %lt3A_0 : i1 to i32
    %cond3A = arith.constant 0 : i32
    %cond3A_1 = arith.cmpi ne, %convert_element_type3A, %cond3A : i32
    scf.if %cond3A_1 {
      %mul3A = arith.constant 1000 : i32
      %mul3A_13 = arith.muli %arg1, %mul3A : i32
      "tpu.region"() ({
        %run_scoped3A = tpu.sem_alloc : memref<!tpu.dma_semaphore, #tpu.memory_space<semaphore_mem>>
        %dma_start3A = arith.constant 0 : i32
        %dma_start3A_14 = tpu.memref_slice %arg12[%mul3A_13, %dma_start3A] : memref<10000x128xf32, #tpu.memory_space<vmem_shared>> -> memref<1000x128xf32, #tpu.memory_space<vmem_shared>>
        tpu.enqueue_dma source(%arg5 : memref<1000x128xf32, #tpu.memory_space<hbm>>) target(%dma_start3A_14 : memref<1000x128xf32, #tpu.memory_space<vmem_shared>>) target_semaphore(%run_scoped3A : memref<!tpu.dma_semaphore, #tpu.memory_space<semaphore_mem>>)
        %dma_wait3A = arith.constant 0 : i32
        %dma_wait3A_15 = tpu.memref_slice %arg12[%mul3A_13, %dma_wait3A] : memref<10000x128xf32, #tpu.memory_space<vmem_shared>> -> memref<1000x128xf32, #tpu.memory_space<vmem_shared>>
        tpu.wait_dma2 semaphore(%run_scoped3A : memref<!tpu.dma_semaphore, #tpu.memory_space<semaphore_mem>>) src(%arg5 : memref<1000x128xf32, #tpu.memory_space<hbm>>) dst(%dma_wait3A_15 : memref<1000x128xf32, #tpu.memory_space<vmem_shared>>)
        tpu.yield
      }) : () -> ()
    } else {
    }
    %barrier3A = arith.constant 0 : index
    tpu.barrier barrier_id(%barrier3A)
    %scan3A = arith.constant 0 : i32
    %scan3A_2 = arith.constant 0 : i32
    %scan3A_3 = arith.constant 5 : i32
    %scan3A_4 = arith.addi %scan3A_2, %scan3A_3 : i32
    %scan3A_5 = arith.constant 1 : i32
    scf.for %scan3A_13 = %scan3A_2 to %scan3A_4 step %scan3A_5  : i32 {
      "tpu.region"() ({
        %run_scoped3A = tpu.sem_alloc : memref<!tpu.dma_semaphore, #tpu.memory_space<semaphore_mem>>
        %dma_start3A_60 = arith.constant 0 : i32
        %dma_start3A_61 = arith.constant 0 : i32
        %dma_start3A_62 = tpu.memref_slice %arg3[%arg0, %arg1, %scan3A_13, %dma_start3A_60, %dma_start3A_61] : memref<2x16x5x25x80xi32, #tpu.memory_space<hbm>> -> memref<1x1x1x25x80xi32, #tpu.memory_space<hbm>>
        %dma_start3A_63 = tpu.memref_squeeze %dma_start3A_62 : memref<1x1x1x25x80xi32, #tpu.memory_space<hbm>> -> memref<25x80xi32, #tpu.memory_space<hbm>>
        %dma_start3A_64 = arith.constant 0 : i32
        %dma_start3A_65 = arith.constant 0 : i32
        %dma_start3A_66 = tpu.memref_slice %arg3[%arg0, %arg1, %scan3A_13, %dma_start3A_64, %dma_start3A_65] : memref<2x16x5x25x80xi32, #tpu.memory_space<hbm>> -> memref<1x1x1x25x80xi32, #tpu.memory_space<hbm>>
        %dma_start3A_67 = tpu.memref_squeeze %dma_start3A_66 : memref<1x1x1x25x80xi32, #tpu.memory_space<hbm>> -> memref<25x80xi32, #tpu.memory_space<hbm>>
        tpu.enqueue_dma source(%dma_start3A_67 : memref<25x80xi32, #tpu.memory_space<hbm>>) target(%arg7 : memref<25x80xi32, #tpu.memory_space<vmem>>) target_semaphore(%run_scoped3A : memref<!tpu.dma_semaphore, #tpu.memory_space<semaphore_mem>>)
        %dma_wait3A_68 = arith.constant 0 : i32
        %dma_wait3A_69 = arith.constant 0 : i32
        %dma_wait3A_70 = tpu.memref_slice %arg3[%arg0, %arg1, %scan3A_13, %dma_wait3A_68, %dma_wait3A_69] : memref<2x16x5x25x80xi32, #tpu.memory_space<hbm>> -> memref<1x1x1x25x80xi32, #tpu.memory_space<hbm>>
        %dma_wait3A_71 = tpu.memref_squeeze %dma_wait3A_70 : memref<1x1x1x25x80xi32, #tpu.memory_space<hbm>> -> memref<25x80xi32, #tpu.memory_space<hbm>>
        %dma_wait3A_72 = arith.constant 0 : i32
        %dma_wait3A_73 = arith.constant 0 : i32
        %dma_wait3A_74 = tpu.memref_slice %arg3[%arg0, %arg1, %scan3A_13, %dma_wait3A_72, %dma_wait3A_73] : memref<2x16x5x25x80xi32, #tpu.memory_space<hbm>> -> memref<1x1x1x25x80xi32, #tpu.memory_space<hbm>>
        %dma_wait3A_75 = tpu.memref_squeeze %dma_wait3A_74 : memref<1x1x1x25x80xi32, #tpu.memory_space<hbm>> -> memref<25x80xi32, #tpu.memory_space<hbm>>
        tpu.wait_dma2 semaphore(%run_scoped3A : memref<!tpu.dma_semaphore, #tpu.memory_space<semaphore_mem>>) src(%dma_wait3A_75 : memref<25x80xi32, #tpu.memory_space<hbm>>) dst(%arg7 : memref<25x80xi32, #tpu.memory_space<vmem>>)
        tpu.yield
      }) : () -> ()
      "tpu.region"() ({
        %run_scoped3A = tpu.sem_alloc : memref<!tpu.dma_semaphore, #tpu.memory_space<semaphore_mem>>
        %dma_start3A_60 = arith.constant 0 : i32
        %dma_start3A_61 = arith.constant 0 : i32
        %dma_start3A_62 = tpu.memref_slice %arg4[%arg1, %scan3A_13, %dma_start3A_60, %dma_start3A_61] : memref<16x5x25x80xi32, #tpu.memory_space<hbm>> -> memref<1x1x25x80xi32, #tpu.memory_space<hbm>>
        %dma_start3A_63 = tpu.memref_squeeze %dma_start3A_62 : memref<1x1x25x80xi32, #tpu.memory_space<hbm>> -> memref<25x80xi32, #tpu.memory_space<hbm>>
        %dma_start3A_64 = arith.constant 0 : i32
        %dma_start3A_65 = arith.constant 0 : i32
        %dma_start3A_66 = tpu.memref_slice %arg4[%arg1, %scan3A_13, %dma_start3A_64, %dma_start3A_65] : memref<16x5x25x80xi32, #tpu.memory_space<hbm>> -> memref<1x1x25x80xi32, #tpu.memory_space<hbm>>
        %dma_start3A_67 = tpu.memref_squeeze %dma_start3A_66 : memref<1x1x25x80xi32, #tpu.memory_space<hbm>> -> memref<25x80xi32, #tpu.memory_space<hbm>>
        tpu.enqueue_dma source(%dma_start3A_67 : memref<25x80xi32, #tpu.memory_space<hbm>>) target(%arg8 : memref<25x80xi32, #tpu.memory_space<vmem>>) target_semaphore(%run_scoped3A : memref<!tpu.dma_semaphore, #tpu.memory_space<semaphore_mem>>)
        %dma_wait3A_68 = arith.constant 0 : i32
        %dma_wait3A_69 = arith.constant 0 : i32
        %dma_wait3A_70 = tpu.memref_slice %arg4[%arg1, %scan3A_13, %dma_wait3A_68, %dma_wait3A_69] : memref<16x5x25x80xi32, #tpu.memory_space<hbm>> -> memref<1x1x25x80xi32, #tpu.memory_space<hbm>>
        %dma_wait3A_71 = tpu.memref_squeeze %dma_wait3A_70 : memref<1x1x25x80xi32, #tpu.memory_space<hbm>> -> memref<25x80xi32, #tpu.memory_space<hbm>>
        %dma_wait3A_72 = arith.constant 0 : i32
        %dma_wait3A_73 = arith.constant 0 : i32
        %dma_wait3A_74 = tpu.memref_slice %arg4[%arg1, %scan3A_13, %dma_wait3A_72, %dma_wait3A_73] : memref<16x5x25x80xi32, #tpu.memory_space<hbm>> -> memref<1x1x25x80xi32, #tpu.memory_space<hbm>>
        %dma_wait3A_75 = tpu.memref_squeeze %dma_wait3A_74 : memref<1x1x25x80xi32, #tpu.memory_space<hbm>> -> memref<25x80xi32, #tpu.memory_space<hbm>>
        tpu.wait_dma2 semaphore(%run_scoped3A : memref<!tpu.dma_semaphore, #tpu.memory_space<semaphore_mem>>) src(%dma_wait3A_75 : memref<25x80xi32, #tpu.memory_space<hbm>>) dst(%arg8 : memref<25x80xi32, #tpu.memory_space<vmem>>)
        tpu.yield
      }) : () -> ()
      %dma_start3A = arith.constant 0 : i32
      %dma_start3A_14 = arith.constant 0 : i32
      %dma_start3A_15 = tpu.memref_slice %arg7[%dma_start3A, %dma_start3A_14] : memref<25x80xi32, #tpu.memory_space<vmem>> -> memref<1x80xi32, #tpu.memory_space<vmem>>
      %dma_start3A_16 = tpu.memref_squeeze %dma_start3A_15 : memref<1x80xi32, #tpu.memory_space<vmem>> -> memref<80xi32, #tpu.memory_space<vmem>>
      %dma_start3A_17 = arith.constant 0 : i32
      %dma_start3A_18 = arith.constant 0 : i32
      %dma_start3A_19 = tpu.memref_slice %arg2[%dma_start3A_17, %dma_start3A_18] : memref<20000x128xf32, #tpu.memory_space<hbm>> -> memref<20000x128xf32, #tpu.memory_space<hbm>>
      tpu.enqueue_indirect_dma source(%dma_start3A_19 : memref<20000x128xf32, #tpu.memory_space<hbm>>) target(%arg9 : memref<80x128xf32, #tpu.memory_space<vmem>>) offsets(%dma_start3A_16 : memref<80xi32, #tpu.memory_space<vmem>>) semaphore(%arg13 : memref<!tpu.dma_semaphore, #tpu.memory_space<semaphore_mem>>)
      %dma_start3A_20 = arith.constant 1 : i32
      %dma_start3A_21 = arith.constant 0 : i32
      %dma_start3A_22 = tpu.memref_slice %arg7[%dma_start3A_20, %dma_start3A_21] : memref<25x80xi32, #tpu.memory_space<vmem>> -> memref<1x80xi32, #tpu.memory_space<vmem>>
      %dma_start3A_23 = tpu.memref_squeeze %dma_start3A_22 : memref<1x80xi32, #tpu.memory_space<vmem>> -> memref<80xi32, #tpu.memory_space<vmem>>
      %dma_start3A_24 = arith.constant 0 : i32
      %dma_start3A_25 = arith.constant 0 : i32
      %dma_start3A_26 = tpu.memref_slice %arg2[%dma_start3A_24, %dma_start3A_25] : memref<20000x128xf32, #tpu.memory_space<hbm>> -> memref<20000x128xf32, #tpu.memory_space<hbm>>
      tpu.enqueue_indirect_dma source(%dma_start3A_26 : memref<20000x128xf32, #tpu.memory_space<hbm>>) target(%arg10 : memref<80x128xf32, #tpu.memory_space<vmem>>) offsets(%dma_start3A_23 : memref<80xi32, #tpu.memory_space<vmem>>) semaphore(%arg14 : memref<!tpu.dma_semaphore, #tpu.memory_space<semaphore_mem>>)
      %scan3A_27 = arith.constant 0 : i32
      %scan3A_28 = arith.constant 0 : i32
      %scan3A_29 = arith.constant 8 : i32
      %scan3A_30 = arith.addi %scan3A_28, %scan3A_29 : i32
      %scan3A_31 = arith.constant 1 : i32
      scf.for %scan3A_60 = %scan3A_28 to %scan3A_30 step %scan3A_31  : i32 {
        %mul3A = arith.constant 3 : i32
        %mul3A_61 = arith.muli %mul3A, %scan3A_60 : i32
        %add3A = arith.constant 0 : i32
        %add3A_62 = arith.addi %mul3A_61, %add3A : i32
        %ge3A = arith.constant 1 : i32
        %ge3A_63 = arith.cmpi sge, %add3A_62, %ge3A : i32
        %convert_element_type3A_64 = arith.extui %ge3A_63 : i1 to i32
        %cond3A_65 = arith.constant 0 : i32
        %cond3A_66 = arith.cmpi ne, %convert_element_type3A_64, %cond3A_65 : i32
        scf.if %cond3A_66 {
          %dma_wait3A_144 = arith.constant 0 : i32
          %dma_wait3A_145 = arith.constant 0 : i32
          %dma_wait3A_146 = tpu.memref_slice %arg8[%dma_wait3A_144, %dma_wait3A_145] : memref<25x80xi32, #tpu.memory_space<vmem>> -> memref<1x80xi32, #tpu.memory_space<vmem>>
          %dma_wait3A_147 = tpu.memref_squeeze %dma_wait3A_146 : memref<1x80xi32, #tpu.memory_space<vmem>> -> memref<80xi32, #tpu.memory_space<vmem>>
          %dma_wait3A_148 = arith.constant 0 : i32
          %dma_wait3A_149 = arith.constant 0 : i32
          %dma_wait3A_150 = tpu.memref_slice %arg12[%dma_wait3A_148, %dma_wait3A_149] : memref<10000x128xf32, #tpu.memory_space<vmem_shared>> -> memref<10000x128xf32, #tpu.memory_space<vmem_shared>>
          tpu.wait_indirect_dma semaphore(%arg18 : memref<!tpu.dma_semaphore, #tpu.memory_space<semaphore_mem>>) src(%arg11 : memref<80x128xf32, #tpu.memory_space<vmem>>) dst(%dma_wait3A_150 : memref<10000x128xf32, #tpu.memory_space<vmem_shared>>)
        } else {
        }
        %add3A_67 = arith.constant 2 : i32
        %add3A_68 = arith.addi %add3A_62, %add3A_67 : i32
        %le3A = arith.constant 24 : i32
        %le3A_69 = arith.cmpi sle, %add3A_68, %le3A : i32
        %convert_element_type3A_70 = arith.extui %le3A_69 : i1 to i32
        %cond3A_71 = arith.constant 0 : i32
        %cond3A_72 = arith.cmpi ne, %convert_element_type3A_70, %cond3A_71 : i32
        scf.if %cond3A_72 {
          %add3A_144 = arith.constant 2 : i32
          %add3A_145 = arith.addi %add3A_62, %add3A_144 : i32
          %dma_start3A_146 = arith.constant 0 : i32
          %dma_start3A_147 = tpu.memref_slice %arg7[%add3A_145, %dma_start3A_146] : memref<25x80xi32, #tpu.memory_space<vmem>> -> memref<1x80xi32, #tpu.memory_space<vmem>>
          %dma_start3A_148 = tpu.memref_squeeze %dma_start3A_147 : memref<1x80xi32, #tpu.memory_space<vmem>> -> memref<80xi32, #tpu.memory_space<vmem>>
          %dma_start3A_149 = arith.constant 0 : i32
          %dma_start3A_150 = arith.constant 0 : i32
          %dma_start3A_151 = tpu.memref_slice %arg2[%dma_start3A_149, %dma_start3A_150] : memref<20000x128xf32, #tpu.memory_space<hbm>> -> memref<20000x128xf32, #tpu.memory_space<hbm>>
          tpu.enqueue_indirect_dma source(%dma_start3A_151 : memref<20000x128xf32, #tpu.memory_space<hbm>>) target(%arg11 : memref<80x128xf32, #tpu.memory_space<vmem>>) offsets(%dma_start3A_148 : memref<80xi32, #tpu.memory_space<vmem>>) semaphore(%arg15 : memref<!tpu.dma_semaphore, #tpu.memory_space<semaphore_mem>>)
        } else {
        }
        %dma_wait3A_73 = arith.constant 0 : i32
        %dma_wait3A_74 = arith.constant 0 : i32
        %dma_wait3A_75 = tpu.memref_slice %arg7[%dma_wait3A_73, %dma_wait3A_74] : memref<25x80xi32, #tpu.memory_space<vmem>> -> memref<1x80xi32, #tpu.memory_space<vmem>>
        %dma_wait3A_76 = tpu.memref_squeeze %dma_wait3A_75 : memref<1x80xi32, #tpu.memory_space<vmem>> -> memref<80xi32, #tpu.memory_space<vmem>>
        %dma_wait3A_77 = arith.constant 0 : i32
        %dma_wait3A_78 = arith.constant 0 : i32
        %dma_wait3A_79 = tpu.memref_slice %arg2[%dma_wait3A_77, %dma_wait3A_78] : memref<20000x128xf32, #tpu.memory_space<hbm>> -> memref<20000x128xf32, #tpu.memory_space<hbm>>
        tpu.wait_indirect_dma semaphore(%arg13 : memref<!tpu.dma_semaphore, #tpu.memory_space<semaphore_mem>>) src(%dma_wait3A_79 : memref<20000x128xf32, #tpu.memory_space<hbm>>) dst(%arg9 : memref<80x128xf32, #tpu.memory_space<vmem>>)
        %dma_start3A_80 = arith.constant 0 : i32
        %dma_start3A_81 = tpu.memref_slice %arg8[%add3A_62, %dma_start3A_80] : memref<25x80xi32, #tpu.memory_space<vmem>> -> memref<1x80xi32, #tpu.memory_space<vmem>>
        %dma_start3A_82 = tpu.memref_squeeze %dma_start3A_81 : memref<1x80xi32, #tpu.memory_space<vmem>> -> memref<80xi32, #tpu.memory_space<vmem>>
        %dma_start3A_83 = arith.constant 0 : i32
        %dma_start3A_84 = arith.constant 0 : i32
        %dma_start3A_85 = tpu.memref_slice %arg12[%dma_start3A_83, %dma_start3A_84] : memref<10000x128xf32, #tpu.memory_space<vmem_shared>> -> memref<10000x128xf32, #tpu.memory_space<vmem_shared>>
        tpu.enqueue_indirect_dma source(%arg9 : memref<80x128xf32, #tpu.memory_space<vmem>>) target(%dma_start3A_85 : memref<10000x128xf32, #tpu.memory_space<vmem_shared>>) offsets(%dma_start3A_82 : memref<80xi32, #tpu.memory_space<vmem>>) semaphore(%arg16 : memref<!tpu.dma_semaphore, #tpu.memory_space<semaphore_mem>>) {add = true}
        %mul3A_86 = arith.constant 3 : i32
        %mul3A_87 = arith.muli %mul3A_86, %scan3A_60 : i32
        %add3A_88 = arith.constant 1 : i32
        %add3A_89 = arith.addi %mul3A_87, %add3A_88 : i32
        %ge3A_90 = arith.constant 1 : i32
        %ge3A_91 = arith.cmpi sge, %add3A_89, %ge3A_90 : i32
        %convert_element_type3A_92 = arith.extui %ge3A_91 : i1 to i32
        %cond3A_93 = arith.constant 0 : i32
        %cond3A_94 = arith.cmpi ne, %convert_element_type3A_92, %cond3A_93 : i32
        scf.if %cond3A_94 {
          %dma_wait3A_144 = arith.constant 0 : i32
          %dma_wait3A_145 = arith.constant 0 : i32
          %dma_wait3A_146 = tpu.memref_slice %arg8[%dma_wait3A_144, %dma_wait3A_145] : memref<25x80xi32, #tpu.memory_space<vmem>> -> memref<1x80xi32, #tpu.memory_space<vmem>>
          %dma_wait3A_147 = tpu.memref_squeeze %dma_wait3A_146 : memref<1x80xi32, #tpu.memory_space<vmem>> -> memref<80xi32, #tpu.memory_space<vmem>>
          %dma_wait3A_148 = arith.constant 0 : i32
          %dma_wait3A_149 = arith.constant 0 : i32
          %dma_wait3A_150 = tpu.memref_slice %arg12[%dma_wait3A_148, %dma_wait3A_149] : memref<10000x128xf32, #tpu.memory_space<vmem_shared>> -> memref<10000x128xf32, #tpu.memory_space<vmem_shared>>
          tpu.wait_indirect_dma semaphore(%arg16 : memref<!tpu.dma_semaphore, #tpu.memory_space<semaphore_mem>>) src(%arg9 : memref<80x128xf32, #tpu.memory_space<vmem>>) dst(%dma_wait3A_150 : memref<10000x128xf32, #tpu.memory_space<vmem_shared>>)
        } else {
        }
        %add3A_95 = arith.constant 2 : i32
        %add3A_96 = arith.addi %add3A_89, %add3A_95 : i32
        %le3A_97 = arith.constant 24 : i32
        %le3A_98 = arith.cmpi sle, %add3A_96, %le3A_97 : i32
        %convert_element_type3A_99 = arith.extui %le3A_98 : i1 to i32
        %cond3A_100 = arith.constant 0 : i32
        %cond3A_101 = arith.cmpi ne, %convert_element_type3A_99, %cond3A_100 : i32
        scf.if %cond3A_101 {
          %add3A_144 = arith.constant 2 : i32
          %add3A_145 = arith.addi %add3A_89, %add3A_144 : i32
          %dma_start3A_146 = arith.constant 0 : i32
          %dma_start3A_147 = tpu.memref_slice %arg7[%add3A_145, %dma_start3A_146] : memref<25x80xi32, #tpu.memory_space<vmem>> -> memref<1x80xi32, #tpu.memory_space<vmem>>
          %dma_start3A_148 = tpu.memref_squeeze %dma_start3A_147 : memref<1x80xi32, #tpu.memory_space<vmem>> -> memref<80xi32, #tpu.memory_space<vmem>>
          %dma_start3A_149 = arith.constant 0 : i32
          %dma_start3A_150 = arith.constant 0 : i32
          %dma_start3A_151 = tpu.memref_slice %arg2[%dma_start3A_149, %dma_start3A_150] : memref<20000x128xf32, #tpu.memory_space<hbm>> -> memref<20000x128xf32, #tpu.memory_space<hbm>>
          tpu.enqueue_indirect_dma source(%dma_start3A_151 : memref<20000x128xf32, #tpu.memory_space<hbm>>) target(%arg9 : memref<80x128xf32, #tpu.memory_space<vmem>>) offsets(%dma_start3A_148 : memref<80xi32, #tpu.memory_space<vmem>>) semaphore(%arg13 : memref<!tpu.dma_semaphore, #tpu.memory_space<semaphore_mem>>)
        } else {
        }
        %dma_wait3A_102 = arith.constant 0 : i32
        %dma_wait3A_103 = arith.constant 0 : i32
        %dma_wait3A_104 = tpu.memref_slice %arg7[%dma_wait3A_102, %dma_wait3A_103] : memref<25x80xi32, #tpu.memory_space<vmem>> -> memref<1x80xi32, #tpu.memory_space<vmem>>
        %dma_wait3A_105 = tpu.memref_squeeze %dma_wait3A_104 : memref<1x80xi32, #tpu.memory_space<vmem>> -> memref<80xi32, #tpu.memory_space<vmem>>
        %dma_wait3A_106 = arith.constant 0 : i32
        %dma_wait3A_107 = arith.constant 0 : i32
        %dma_wait3A_108 = tpu.memref_slice %arg2[%dma_wait3A_106, %dma_wait3A_107] : memref<20000x128xf32, #tpu.memory_space<hbm>> -> memref<20000x128xf32, #tpu.memory_space<hbm>>
        tpu.wait_indirect_dma semaphore(%arg14 : memref<!tpu.dma_semaphore, #tpu.memory_space<semaphore_mem>>) src(%dma_wait3A_108 : memref<20000x128xf32, #tpu.memory_space<hbm>>) dst(%arg10 : memref<80x128xf32, #tpu.memory_space<vmem>>)
        %dma_start3A_109 = arith.constant 0 : i32
        %dma_start3A_110 = tpu.memref_slice %arg8[%add3A_89, %dma_start3A_109] : memref<25x80xi32, #tpu.memory_space<vmem>> -> memref<1x80xi32, #tpu.memory_space<vmem>>
        %dma_start3A_111 = tpu.memref_squeeze %dma_start3A_110 : memref<1x80xi32, #tpu.memory_space<vmem>> -> memref<80xi32, #tpu.memory_space<vmem>>
        %dma_start3A_112 = arith.constant 0 : i32
        %dma_start3A_113 = arith.constant 0 : i32
        %dma_start3A_114 = tpu.memref_slice %arg12[%dma_start3A_112, %dma_start3A_113] : memref<10000x128xf32, #tpu.memory_space<vmem_shared>> -> memref<10000x128xf32, #tpu.memory_space<vmem_shared>>
        tpu.enqueue_indirect_dma source(%arg10 : memref<80x128xf32, #tpu.memory_space<vmem>>) target(%dma_start3A_114 : memref<10000x128xf32, #tpu.memory_space<vmem_shared>>) offsets(%dma_start3A_111 : memref<80xi32, #tpu.memory_space<vmem>>) semaphore(%arg17 : memref<!tpu.dma_semaphore, #tpu.memory_space<semaphore_mem>>) {add = true}
        %mul3A_115 = arith.constant 3 : i32
        %mul3A_116 = arith.muli %mul3A_115, %scan3A_60 : i32
        %add3A_117 = arith.constant 2 : i32
        %add3A_118 = arith.addi %mul3A_116, %add3A_117 : i32
        %ge3A_119 = arith.constant 1 : i32
        %ge3A_120 = arith.cmpi sge, %add3A_118, %ge3A_119 : i32
        %convert_element_type3A_121 = arith.extui %ge3A_120 : i1 to i32
        %cond3A_122 = arith.constant 0 : i32
        %cond3A_123 = arith.cmpi ne, %convert_element_type3A_121, %cond3A_122 : i32
        scf.if %cond3A_123 {
          %dma_wait3A_144 = arith.constant 0 : i32
          %dma_wait3A_145 = arith.constant 0 : i32
          %dma_wait3A_146 = tpu.memref_slice %arg8[%dma_wait3A_144, %dma_wait3A_145] : memref<25x80xi32, #tpu.memory_space<vmem>> -> memref<1x80xi32, #tpu.memory_space<vmem>>
          %dma_wait3A_147 = tpu.memref_squeeze %dma_wait3A_146 : memref<1x80xi32, #tpu.memory_space<vmem>> -> memref<80xi32, #tpu.memory_space<vmem>>
          %dma_wait3A_148 = arith.constant 0 : i32
          %dma_wait3A_149 = arith.constant 0 : i32
          %dma_wait3A_150 = tpu.memref_slice %arg12[%dma_wait3A_148, %dma_wait3A_149] : memref<10000x128xf32, #tpu.memory_space<vmem_shared>> -> memref<10000x128xf32, #tpu.memory_space<vmem_shared>>
          tpu.wait_indirect_dma semaphore(%arg17 : memref<!tpu.dma_semaphore, #tpu.memory_space<semaphore_mem>>) src(%arg10 : memref<80x128xf32, #tpu.memory_space<vmem>>) dst(%dma_wait3A_150 : memref<10000x128xf32, #tpu.memory_space<vmem_shared>>)
        } else {
        }
        %add3A_124 = arith.constant 2 : i32
        %add3A_125 = arith.addi %add3A_118, %add3A_124 : i32
        %le3A_126 = arith.constant 24 : i32
        %le3A_127 = arith.cmpi sle, %add3A_125, %le3A_126 : i32
        %convert_element_type3A_128 = arith.extui %le3A_127 : i1 to i32
        %cond3A_129 = arith.constant 0 : i32
        %cond3A_130 = arith.cmpi ne, %convert_element_type3A_128, %cond3A_129 : i32
        scf.if %cond3A_130 {
          %add3A_144 = arith.constant 2 : i32
          %add3A_145 = arith.addi %add3A_118, %add3A_144 : i32
          %dma_start3A_146 = arith.constant 0 : i32
          %dma_start3A_147 = tpu.memref_slice %arg7[%add3A_145, %dma_start3A_146] : memref<25x80xi32, #tpu.memory_space<vmem>> -> memref<1x80xi32, #tpu.memory_space<vmem>>
          %dma_start3A_148 = tpu.memref_squeeze %dma_start3A_147 : memref<1x80xi32, #tpu.memory_space<vmem>> -> memref<80xi32, #tpu.memory_space<vmem>>
          %dma_start3A_149 = arith.constant 0 : i32
          %dma_start3A_150 = arith.constant 0 : i32
          %dma_start3A_151 = tpu.memref_slice %arg2[%dma_start3A_149, %dma_start3A_150] : memref<20000x128xf32, #tpu.memory_space<hbm>> -> memref<20000x128xf32, #tpu.memory_space<hbm>>
          tpu.enqueue_indirect_dma source(%dma_start3A_151 : memref<20000x128xf32, #tpu.memory_space<hbm>>) target(%arg10 : memref<80x128xf32, #tpu.memory_space<vmem>>) offsets(%dma_start3A_148 : memref<80xi32, #tpu.memory_space<vmem>>) semaphore(%arg14 : memref<!tpu.dma_semaphore, #tpu.memory_space<semaphore_mem>>)
        } else {
        }
        %dma_wait3A_131 = arith.constant 0 : i32
        %dma_wait3A_132 = arith.constant 0 : i32
        %dma_wait3A_133 = tpu.memref_slice %arg7[%dma_wait3A_131, %dma_wait3A_132] : memref<25x80xi32, #tpu.memory_space<vmem>> -> memref<1x80xi32, #tpu.memory_space<vmem>>
        %dma_wait3A_134 = tpu.memref_squeeze %dma_wait3A_133 : memref<1x80xi32, #tpu.memory_space<vmem>> -> memref<80xi32, #tpu.memory_space<vmem>>
        %dma_wait3A_135 = arith.constant 0 : i32
        %dma_wait3A_136 = arith.constant 0 : i32
        %dma_wait3A_137 = tpu.memref_slice %arg2[%dma_wait3A_135, %dma_wait3A_136] : memref<20000x128xf32, #tpu.memory_space<hbm>> -> memref<20000x128xf32, #tpu.memory_space<hbm>>
        tpu.wait_indirect_dma semaphore(%arg15 : memref<!tpu.dma_semaphore, #tpu.memory_space<semaphore_mem>>) src(%dma_wait3A_137 : memref<20000x128xf32, #tpu.memory_space<hbm>>) dst(%arg11 : memref<80x128xf32, #tpu.memory_space<vmem>>)
        %dma_start3A_138 = arith.constant 0 : i32
        %dma_start3A_139 = tpu.memref_slice %arg8[%add3A_118, %dma_start3A_138] : memref<25x80xi32, #tpu.memory_space<vmem>> -> memref<1x80xi32, #tpu.memory_space<vmem>>
        %dma_start3A_140 = tpu.memref_squeeze %dma_start3A_139 : memref<1x80xi32, #tpu.memory_space<vmem>> -> memref<80xi32, #tpu.memory_space<vmem>>
        %dma_start3A_141 = arith.constant 0 : i32
        %dma_start3A_142 = arith.constant 0 : i32
        %dma_start3A_143 = tpu.memref_slice %arg12[%dma_start3A_141, %dma_start3A_142] : memref<10000x128xf32, #tpu.memory_space<vmem_shared>> -> memref<10000x128xf32, #tpu.memory_space<vmem_shared>>
        tpu.enqueue_indirect_dma source(%arg11 : memref<80x128xf32, #tpu.memory_space<vmem>>) target(%dma_start3A_143 : memref<10000x128xf32, #tpu.memory_space<vmem_shared>>) offsets(%dma_start3A_140 : memref<80xi32, #tpu.memory_space<vmem>>) semaphore(%arg18 : memref<!tpu.dma_semaphore, #tpu.memory_space<semaphore_mem>>) {add = true}
      }
      %scan3A_32 = arith.constant 8 : i32
      %dma_wait3A = arith.constant 0 : i32
      %dma_wait3A_33 = arith.constant 0 : i32
      %dma_wait3A_34 = tpu.memref_slice %arg8[%dma_wait3A, %dma_wait3A_33] : memref<25x80xi32, #tpu.memory_space<vmem>> -> memref<1x80xi32, #tpu.memory_space<vmem>>
      %dma_wait3A_35 = tpu.memref_squeeze %dma_wait3A_34 : memref<1x80xi32, #tpu.memory_space<vmem>> -> memref<80xi32, #tpu.memory_space<vmem>>
      %dma_wait3A_36 = arith.constant 0 : i32
      %dma_wait3A_37 = arith.constant 0 : i32
      %dma_wait3A_38 = tpu.memref_slice %arg12[%dma_wait3A_36, %dma_wait3A_37] : memref<10000x128xf32, #tpu.memory_space<vmem_shared>> -> memref<10000x128xf32, #tpu.memory_space<vmem_shared>>
      tpu.wait_indirect_dma semaphore(%arg18 : memref<!tpu.dma_semaphore, #tpu.memory_space<semaphore_mem>>) src(%arg11 : memref<80x128xf32, #tpu.memory_space<vmem>>) dst(%dma_wait3A_38 : memref<10000x128xf32, #tpu.memory_space<vmem_shared>>)
      %dma_wait3A_39 = arith.constant 0 : i32
      %dma_wait3A_40 = arith.constant 0 : i32
      %dma_wait3A_41 = tpu.memref_slice %arg7[%dma_wait3A_39, %dma_wait3A_40] : memref<25x80xi32, #tpu.memory_space<vmem>> -> memref<1x80xi32, #tpu.memory_space<vmem>>
      %dma_wait3A_42 = tpu.memref_squeeze %dma_wait3A_41 : memref<1x80xi32, #tpu.memory_space<vmem>> -> memref<80xi32, #tpu.memory_space<vmem>>
      %dma_wait3A_43 = arith.constant 0 : i32
      %dma_wait3A_44 = arith.constant 0 : i32
      %dma_wait3A_45 = tpu.memref_slice %arg2[%dma_wait3A_43, %dma_wait3A_44] : memref<20000x128xf32, #tpu.memory_space<hbm>> -> memref<20000x128xf32, #tpu.memory_space<hbm>>
      tpu.wait_indirect_dma semaphore(%arg13 : memref<!tpu.dma_semaphore, #tpu.memory_space<semaphore_mem>>) src(%dma_wait3A_45 : memref<20000x128xf32, #tpu.memory_space<hbm>>) dst(%arg9 : memref<80x128xf32, #tpu.memory_space<vmem>>)
      %dma_start3A_46 = arith.constant 24 : i32
      %dma_start3A_47 = arith.constant 0 : i32
      %dma_start3A_48 = tpu.memref_slice %arg8[%dma_start3A_46, %dma_start3A_47] : memref<25x80xi32, #tpu.memory_space<vmem>> -> memref<1x80xi32, #tpu.memory_space<vmem>>
      %dma_start3A_49 = tpu.memref_squeeze %dma_start3A_48 : memref<1x80xi32, #tpu.memory_space<vmem>> -> memref<80xi32, #tpu.memory_space<vmem>>
      %dma_start3A_50 = arith.constant 0 : i32
      %dma_start3A_51 = arith.constant 0 : i32
      %dma_start3A_52 = tpu.memref_slice %arg12[%dma_start3A_50, %dma_start3A_51] : memref<10000x128xf32, #tpu.memory_space<vmem_shared>> -> memref<10000x128xf32, #tpu.memory_space<vmem_shared>>
      tpu.enqueue_indirect_dma source(%arg9 : memref<80x128xf32, #tpu.memory_space<vmem>>) target(%dma_start3A_52 : memref<10000x128xf32, #tpu.memory_space<vmem_shared>>) offsets(%dma_start3A_49 : memref<80xi32, #tpu.memory_space<vmem>>) semaphore(%arg16 : memref<!tpu.dma_semaphore, #tpu.memory_space<semaphore_mem>>) {add = true}
      %dma_wait3A_53 = arith.constant 0 : i32
      %dma_wait3A_54 = arith.constant 0 : i32
      %dma_wait3A_55 = tpu.memref_slice %arg8[%dma_wait3A_53, %dma_wait3A_54] : memref<25x80xi32, #tpu.memory_space<vmem>> -> memref<1x80xi32, #tpu.memory_space<vmem>>
      %dma_wait3A_56 = tpu.memref_squeeze %dma_wait3A_55 : memref<1x80xi32, #tpu.memory_space<vmem>> -> memref<80xi32, #tpu.memory_space<vmem>>
      %dma_wait3A_57 = arith.constant 0 : i32
      %dma_wait3A_58 = arith.constant 0 : i32
      %dma_wait3A_59 = tpu.memref_slice %arg12[%dma_wait3A_57, %dma_wait3A_58] : memref<10000x128xf32, #tpu.memory_space<vmem_shared>> -> memref<10000x128xf32, #tpu.memory_space<vmem_shared>>
      tpu.wait_indirect_dma semaphore(%arg16 : memref<!tpu.dma_semaphore, #tpu.memory_space<semaphore_mem>>) src(%arg9 : memref<80x128xf32, #tpu.memory_space<vmem>>) dst(%dma_wait3A_59 : memref<10000x128xf32, #tpu.memory_space<vmem_shared>>)
    }
    %scan3A_6 = arith.constant 5 : i32
    %barrier3A_7 = arith.constant 0 : index
    tpu.barrier barrier_id(%barrier3A_7)
    %lt3A_8 = arith.constant 10 : i32
    %lt3A_9 = arith.cmpi slt, %arg1, %lt3A_8 : i32
    %convert_element_type3A_10 = arith.extui %lt3A_9 : i1 to i32
    %cond3A_11 = arith.constant 0 : i32
    %cond3A_12 = arith.cmpi ne, %convert_element_type3A_10, %cond3A_11 : i32
    scf.if %cond3A_12 {
      %mul3A = arith.constant 1000 : i32
      %mul3A_13 = arith.muli %arg1, %mul3A : i32
      %mul3A_14 = arith.constant 1000 : i32
      %mul3A_15 = arith.muli %arg1, %mul3A_14 : i32
      "tpu.region"() ({
        %run_scoped3A = tpu.sem_alloc : memref<!tpu.dma_semaphore, #tpu.memory_space<semaphore_mem>>
        %dma_start3A = arith.constant 0 : i32
        %dma_start3A_16 = tpu.memref_slice %arg6[%arg0, %mul3A_15, %dma_start3A] : memref<2x10000x128xf32, #tpu.memory_space<hbm>> -> memref<1x1000x128xf32, #tpu.memory_space<hbm>>
        %dma_start3A_17 = tpu.memref_squeeze %dma_start3A_16 : memref<1x1000x128xf32, #tpu.memory_space<hbm>> -> memref<1000x128xf32, #tpu.memory_space<hbm>>
        %dma_start3A_18 = arith.constant 0 : i32
        %dma_start3A_19 = tpu.memref_slice %arg12[%mul3A_13, %dma_start3A_18] : memref<10000x128xf32, #tpu.memory_space<vmem_shared>> -> memref<1000x128xf32, #tpu.memory_space<vmem_shared>>
        tpu.enqueue_dma source(%dma_start3A_19 : memref<1000x128xf32, #tpu.memory_space<vmem_shared>>) target(%dma_start3A_17 : memref<1000x128xf32, #tpu.memory_space<hbm>>) target_semaphore(%run_scoped3A : memref<!tpu.dma_semaphore, #tpu.memory_space<semaphore_mem>>)
        %dma_wait3A = arith.constant 0 : i32
        %dma_wait3A_20 = tpu.memref_slice %arg6[%arg0, %mul3A_15, %dma_wait3A] : memref<2x10000x128xf32, #tpu.memory_space<hbm>> -> memref<1x1000x128xf32, #tpu.memory_space<hbm>>
        %dma_wait3A_21 = tpu.memref_squeeze %dma_wait3A_20 : memref<1x1000x128xf32, #tpu.memory_space<hbm>> -> memref<1000x128xf32, #tpu.memory_space<hbm>>
        %dma_wait3A_22 = arith.constant 0 : i32
        %dma_wait3A_23 = tpu.memref_slice %arg12[%mul3A_13, %dma_wait3A_22] : memref<10000x128xf32, #tpu.memory_space<vmem_shared>> -> memref<1000x128xf32, #tpu.memory_space<vmem_shared>>
        tpu.wait_dma2 semaphore(%run_scoped3A : memref<!tpu.dma_semaphore, #tpu.memory_space<semaphore_mem>>) src(%dma_wait3A_23 : memref<1000x128xf32, #tpu.memory_space<vmem_shared>>) dst(%dma_wait3A_21 : memref<1000x128xf32, #tpu.memory_space<hbm>>)
        tpu.yield
      }) : () -> ()
    } else {
    }
    return
  }
}

#map = affine_map<(d0, d1) -> (0, 0)>
#map1 = affine_map<(d0, d1) -> (0, 0, 0, 0, 0)>
#map2 = affine_map<(d0, d1) -> (0, 0, 0, 0)>
#map3 = affine_map<(d0, d1) -> (0, 0, 0)>
module attributes {stable_mosaic.version = 14 : i64} {
  func.func @_edge_kernel(%arg0: i32, %arg1: i32, %arg2: memref<20000x128xf32, #tpu.memory_space<hbm>>, %arg3: memref<2x16x5x25x80xi32, #tpu.memory_space<hbm>>, %arg4: memref<16x5x25x80xi32, #tpu.memory_space<hbm>>, %arg5: memref<1000x128xf32, #tpu.memory_space<hbm>>, %arg6: memref<2x10000x128xf32, #tpu.memory_space<hbm>>, %arg7: memref<25x80xi32, #tpu.memory_space<vmem>>, %arg8: memref<25x80xi32, #tpu.memory_space<vmem>>, %arg9: memref<80x128xf32, #tpu.memory_space<vmem>>, %arg10: memref<80x128xf32, #tpu.memory_space<vmem>>, %arg11: memref<80x128xf32, #tpu.memory_space<vmem>>, %arg12: memref<10000x128xf32, #tpu.memory_space<vmem_shared>>, %arg13: memref<!tpu.dma_semaphore, #tpu.memory_space<semaphore_mem>>, %arg14: memref<!tpu.dma_semaphore, #tpu.memory_space<semaphore_mem>>, %arg15: memref<!tpu.dma_semaphore, #tpu.memory_space<semaphore_mem>>, %arg16: memref<!tpu.dma_semaphore, #tpu.memory_space<semaphore_mem>>, %arg17: memref<!tpu.dma_semaphore, #tpu.memory_space<semaphore_mem>>, %arg18: memref<!tpu.dma_semaphore, #tpu.memory_space<semaphore_mem>>) attributes {dimension_semantics = [#tpu.dimension_semantics<core_parallel>, #tpu.dimension_semantics<subcore_parallel>], iteration_bounds = array<i64: 2, 16>, scalar_prefetch = 0 : i64, scratch_operands = 12 : i64, tpu.core_type = #tpu.core_type<sc_vector_subcore>, window_params = [{transform_indices = #map}, {transform_indices = #map1}, {transform_indices = #map2}, {transform_indices = #map}, {transform_indices = #map3}]} {
    %lt3A = arith.constant 10 : i32
    %lt3A_0 = arith.cmpi slt, %arg1, %lt3A : i32
    %convert_element_type3A = arith.extui %lt3A_0 : i1 to i32
    %cond3A = arith.constant 0 : i32
    %cond3A_1 = arith.cmpi ne, %convert_element_type3A, %cond3A : i32
    scf.if %cond3A_1 {
      %mul3A = arith.constant 1000 : i32
      %mul3A_13 = arith.muli %arg1, %mul3A : i32
      "tpu.region"() ({
        %run_scoped3A = tpu.sem_alloc : memref<!tpu.dma_semaphore, #tpu.memory_space<semaphore_mem>>
        %dma_start3A = arith.constant 0 : i32
        %dma_start3A_14 = tpu.memref_slice %arg12[%mul3A_13, %dma_start3A] : memref<10000x128xf32, #tpu.memory_space<vmem_shared>> -> memref<1000x128xf32, #tpu.memory_space<vmem_shared>>
        tpu.enqueue_dma source(%arg5 : memref<1000x128xf32, #tpu.memory_space<hbm>>) target(%dma_start3A_14 : memref<1000x128xf32, #tpu.memory_space<vmem_shared>>) target_semaphore(%run_scoped3A : memref<!tpu.dma_semaphore, #tpu.memory_space<semaphore_mem>>)
        %dma_wait3A = arith.constant 0 : i32
        %dma_wait3A_15 = tpu.memref_slice %arg12[%mul3A_13, %dma_wait3A] : memref<10000x128xf32, #tpu.memory_space<vmem_shared>> -> memref<1000x128xf32, #tpu.memory_space<vmem_shared>>
        tpu.wait_dma2 semaphore(%run_scoped3A : memref<!tpu.dma_semaphore, #tpu.memory_space<semaphore_mem>>) src(%arg5 : memref<1000x128xf32, #tpu.memory_space<hbm>>) dst(%dma_wait3A_15 : memref<1000x128xf32, #tpu.memory_space<vmem_shared>>)
        tpu.yield
      }) : () -> ()
    } else {
    }
    %barrier3A = arith.constant 0 : index
    tpu.barrier barrier_id(%barrier3A)
    %scan3A = arith.constant 0 : i32
    %scan3A_2 = arith.constant 0 : i32
    %scan3A_3 = arith.constant 5 : i32
    %scan3A_4 = arith.addi %scan3A_2, %scan3A_3 : i32
    %scan3A_5 = arith.constant 1 : i32
    scf.for %scan3A_13 = %scan3A_2 to %scan3A_4 step %scan3A_5  : i32 {
      "tpu.region"() ({
        %run_scoped3A = tpu.sem_alloc : memref<!tpu.dma_semaphore, #tpu.memory_space<semaphore_mem>>
        %dma_start3A_60 = arith.constant 0 : i32
        %dma_start3A_61 = arith.constant 0 : i32
        %dma_start3A_62 = tpu.memref_slice %arg3[%arg0, %arg1, %scan3A_13, %dma_start3A_60, %dma_start3A_61] : memref<2x16x5x25x80xi32, #tpu.memory_space<hbm>> -> memref<1x1x1x25x80xi32, #tpu.memory_space<hbm>>
        %dma_start3A_63 = tpu.memref_squeeze %dma_start3A_62 : memref<1x1x1x25x80xi32, #tpu.memory_space<hbm>> -> memref<25x80xi32, #tpu.memory_space<hbm>>
        %dma_start3A_64 = arith.constant 0 : i32
        %dma_start3A_65 = arith.constant 0 : i32
        %dma_start3A_66 = tpu.memref_slice %arg3[%arg0, %arg1, %scan3A_13, %dma_start3A_64, %dma_start3A_65] : memref<2x16x5x25x80xi32, #tpu.memory_space<hbm>> -> memref<1x1x1x25x80xi32, #tpu.memory_space<hbm>>
        %dma_start3A_67 = tpu.memref_squeeze %dma_start3A_66 : memref<1x1x1x25x80xi32, #tpu.memory_space<hbm>> -> memref<25x80xi32, #tpu.memory_space<hbm>>
        tpu.enqueue_dma source(%dma_start3A_67 : memref<25x80xi32, #tpu.memory_space<hbm>>) target(%arg7 : memref<25x80xi32, #tpu.memory_space<vmem>>) target_semaphore(%run_scoped3A : memref<!tpu.dma_semaphore, #tpu.memory_space<semaphore_mem>>)
        %dma_wait3A_68 = arith.constant 0 : i32
        %dma_wait3A_69 = arith.constant 0 : i32
        %dma_wait3A_70 = tpu.memref_slice %arg3[%arg0, %arg1, %scan3A_13, %dma_wait3A_68, %dma_wait3A_69] : memref<2x16x5x25x80xi32, #tpu.memory_space<hbm>> -> memref<1x1x1x25x80xi32, #tpu.memory_space<hbm>>
        %dma_wait3A_71 = tpu.memref_squeeze %dma_wait3A_70 : memref<1x1x1x25x80xi32, #tpu.memory_space<hbm>> -> memref<25x80xi32, #tpu.memory_space<hbm>>
        %dma_wait3A_72 = arith.constant 0 : i32
        %dma_wait3A_73 = arith.constant 0 : i32
        %dma_wait3A_74 = tpu.memref_slice %arg3[%arg0, %arg1, %scan3A_13, %dma_wait3A_72, %dma_wait3A_73] : memref<2x16x5x25x80xi32, #tpu.memory_space<hbm>> -> memref<1x1x1x25x80xi32, #tpu.memory_space<hbm>>
        %dma_wait3A_75 = tpu.memref_squeeze %dma_wait3A_74 : memref<1x1x1x25x80xi32, #tpu.memory_space<hbm>> -> memref<25x80xi32, #tpu.memory_space<hbm>>
        tpu.wait_dma2 semaphore(%run_scoped3A : memref<!tpu.dma_semaphore, #tpu.memory_space<semaphore_mem>>) src(%dma_wait3A_75 : memref<25x80xi32, #tpu.memory_space<hbm>>) dst(%arg7 : memref<25x80xi32, #tpu.memory_space<vmem>>)
        tpu.yield
      }) : () -> ()
      "tpu.region"() ({
        %run_scoped3A = tpu.sem_alloc : memref<!tpu.dma_semaphore, #tpu.memory_space<semaphore_mem>>
        %dma_start3A_60 = arith.constant 0 : i32
        %dma_start3A_61 = arith.constant 0 : i32
        %dma_start3A_62 = tpu.memref_slice %arg4[%arg1, %scan3A_13, %dma_start3A_60, %dma_start3A_61] : memref<16x5x25x80xi32, #tpu.memory_space<hbm>> -> memref<1x1x25x80xi32, #tpu.memory_space<hbm>>
        %dma_start3A_63 = tpu.memref_squeeze %dma_start3A_62 : memref<1x1x25x80xi32, #tpu.memory_space<hbm>> -> memref<25x80xi32, #tpu.memory_space<hbm>>
        %dma_start3A_64 = arith.constant 0 : i32
        %dma_start3A_65 = arith.constant 0 : i32
        %dma_start3A_66 = tpu.memref_slice %arg4[%arg1, %scan3A_13, %dma_start3A_64, %dma_start3A_65] : memref<16x5x25x80xi32, #tpu.memory_space<hbm>> -> memref<1x1x25x80xi32, #tpu.memory_space<hbm>>
        %dma_start3A_67 = tpu.memref_squeeze %dma_start3A_66 : memref<1x1x25x80xi32, #tpu.memory_space<hbm>> -> memref<25x80xi32, #tpu.memory_space<hbm>>
        tpu.enqueue_dma source(%dma_start3A_67 : memref<25x80xi32, #tpu.memory_space<hbm>>) target(%arg8 : memref<25x80xi32, #tpu.memory_space<vmem>>) target_semaphore(%run_scoped3A : memref<!tpu.dma_semaphore, #tpu.memory_space<semaphore_mem>>)
        %dma_wait3A_68 = arith.constant 0 : i32
        %dma_wait3A_69 = arith.constant 0 : i32
        %dma_wait3A_70 = tpu.memref_slice %arg4[%arg1, %scan3A_13, %dma_wait3A_68, %dma_wait3A_69] : memref<16x5x25x80xi32, #tpu.memory_space<hbm>> -> memref<1x1x25x80xi32, #tpu.memory_space<hbm>>
        %dma_wait3A_71 = tpu.memref_squeeze %dma_wait3A_70 : memref<1x1x25x80xi32, #tpu.memory_space<hbm>> -> memref<25x80xi32, #tpu.memory_space<hbm>>
        %dma_wait3A_72 = arith.constant 0 : i32
        %dma_wait3A_73 = arith.constant 0 : i32
        %dma_wait3A_74 = tpu.memref_slice %arg4[%arg1, %scan3A_13, %dma_wait3A_72, %dma_wait3A_73] : memref<16x5x25x80xi32, #tpu.memory_space<hbm>> -> memref<1x1x25x80xi32, #tpu.memory_space<hbm>>
        %dma_wait3A_75 = tpu.memref_squeeze %dma_wait3A_74 : memref<1x1x25x80xi32, #tpu.memory_space<hbm>> -> memref<25x80xi32, #tpu.memory_space<hbm>>
        tpu.wait_dma2 semaphore(%run_scoped3A : memref<!tpu.dma_semaphore, #tpu.memory_space<semaphore_mem>>) src(%dma_wait3A_75 : memref<25x80xi32, #tpu.memory_space<hbm>>) dst(%arg8 : memref<25x80xi32, #tpu.memory_space<vmem>>)
        tpu.yield
      }) : () -> ()
      %dma_start3A = arith.constant 0 : i32
      %dma_start3A_14 = arith.constant 0 : i32
      %dma_start3A_15 = tpu.memref_slice %arg7[%dma_start3A, %dma_start3A_14] : memref<25x80xi32, #tpu.memory_space<vmem>> -> memref<1x80xi32, #tpu.memory_space<vmem>>
      %dma_start3A_16 = tpu.memref_squeeze %dma_start3A_15 : memref<1x80xi32, #tpu.memory_space<vmem>> -> memref<80xi32, #tpu.memory_space<vmem>>
      %dma_start3A_17 = arith.constant 0 : i32
      %dma_start3A_18 = arith.constant 0 : i32
      %dma_start3A_19 = tpu.memref_slice %arg2[%dma_start3A_17, %dma_start3A_18] : memref<20000x128xf32, #tpu.memory_space<hbm>> -> memref<20000x128xf32, #tpu.memory_space<hbm>>
      tpu.enqueue_indirect_dma source(%dma_start3A_19 : memref<20000x128xf32, #tpu.memory_space<hbm>>) target(%arg9 : memref<80x128xf32, #tpu.memory_space<vmem>>) offsets(%dma_start3A_16 : memref<80xi32, #tpu.memory_space<vmem>>) semaphore(%arg13 : memref<!tpu.dma_semaphore, #tpu.memory_space<semaphore_mem>>)
      %dma_start3A_20 = arith.constant 1 : i32
      %dma_start3A_21 = arith.constant 0 : i32
      %dma_start3A_22 = tpu.memref_slice %arg7[%dma_start3A_20, %dma_start3A_21] : memref<25x80xi32, #tpu.memory_space<vmem>> -> memref<1x80xi32, #tpu.memory_space<vmem>>
      %dma_start3A_23 = tpu.memref_squeeze %dma_start3A_22 : memref<1x80xi32, #tpu.memory_space<vmem>> -> memref<80xi32, #tpu.memory_space<vmem>>
      %dma_start3A_24 = arith.constant 0 : i32
      %dma_start3A_25 = arith.constant 0 : i32
      %dma_start3A_26 = tpu.memref_slice %arg2[%dma_start3A_24, %dma_start3A_25] : memref<20000x128xf32, #tpu.memory_space<hbm>> -> memref<20000x128xf32, #tpu.memory_space<hbm>>
      tpu.enqueue_indirect_dma source(%dma_start3A_26 : memref<20000x128xf32, #tpu.memory_space<hbm>>) target(%arg10 : memref<80x128xf32, #tpu.memory_space<vmem>>) offsets(%dma_start3A_23 : memref<80xi32, #tpu.memory_space<vmem>>) semaphore(%arg14 : memref<!tpu.dma_semaphore, #tpu.memory_space<semaphore_mem>>)
      %scan3A_27 = arith.constant 0 : i32
      %scan3A_28 = arith.constant 0 : i32
      %scan3A_29 = arith.constant 8 : i32
      %scan3A_30 = arith.addi %scan3A_28, %scan3A_29 : i32
      %scan3A_31 = arith.constant 1 : i32
      scf.for %scan3A_60 = %scan3A_28 to %scan3A_30 step %scan3A_31  : i32 {
        %mul3A = arith.constant 3 : i32
        %mul3A_61 = arith.muli %mul3A, %scan3A_60 : i32
        %add3A = arith.constant 0 : i32
        %add3A_62 = arith.addi %mul3A_61, %add3A : i32
        %ge3A = arith.constant 1 : i32
        %ge3A_63 = arith.cmpi sge, %add3A_62, %ge3A : i32
        %convert_element_type3A_64 = arith.extui %ge3A_63 : i1 to i32
        %cond3A_65 = arith.constant 0 : i32
        %cond3A_66 = arith.cmpi ne, %convert_element_type3A_64, %cond3A_65 : i32
        scf.if %cond3A_66 {
          %dma_wait3A_144 = arith.constant 0 : i32
          %dma_wait3A_145 = arith.constant 0 : i32
          %dma_wait3A_146 = tpu.memref_slice %arg8[%dma_wait3A_144, %dma_wait3A_145] : memref<25x80xi32, #tpu.memory_space<vmem>> -> memref<1x80xi32, #tpu.memory_space<vmem>>
          %dma_wait3A_147 = tpu.memref_squeeze %dma_wait3A_146 : memref<1x80xi32, #tpu.memory_space<vmem>> -> memref<80xi32, #tpu.memory_space<vmem>>
          %dma_wait3A_148 = arith.constant 0 : i32
          %dma_wait3A_149 = arith.constant 0 : i32
          %dma_wait3A_150 = tpu.memref_slice %arg12[%dma_wait3A_148, %dma_wait3A_149] : memref<10000x128xf32, #tpu.memory_space<vmem_shared>> -> memref<10000x128xf32, #tpu.memory_space<vmem_shared>>
          tpu.wait_indirect_dma semaphore(%arg18 : memref<!tpu.dma_semaphore, #tpu.memory_space<semaphore_mem>>) src(%arg11 : memref<80x128xf32, #tpu.memory_space<vmem>>) dst(%dma_wait3A_150 : memref<10000x128xf32, #tpu.memory_space<vmem_shared>>)
        } else {
        }
        %add3A_67 = arith.constant 2 : i32
        %add3A_68 = arith.addi %add3A_62, %add3A_67 : i32
        %le3A = arith.constant 24 : i32
        %le3A_69 = arith.cmpi sle, %add3A_68, %le3A : i32
        %convert_element_type3A_70 = arith.extui %le3A_69 : i1 to i32
        %cond3A_71 = arith.constant 0 : i32
        %cond3A_72 = arith.cmpi ne, %convert_element_type3A_70, %cond3A_71 : i32
        scf.if %cond3A_72 {
          %add3A_144 = arith.constant 2 : i32
          %add3A_145 = arith.addi %add3A_62, %add3A_144 : i32
          %dma_start3A_146 = arith.constant 0 : i32
          %dma_start3A_147 = tpu.memref_slice %arg7[%add3A_145, %dma_start3A_146] : memref<25x80xi32, #tpu.memory_space<vmem>> -> memref<1x80xi32, #tpu.memory_space<vmem>>
          %dma_start3A_148 = tpu.memref_squeeze %dma_start3A_147 : memref<1x80xi32, #tpu.memory_space<vmem>> -> memref<80xi32, #tpu.memory_space<vmem>>
          %dma_start3A_149 = arith.constant 0 : i32
          %dma_start3A_150 = arith.constant 0 : i32
          %dma_start3A_151 = tpu.memref_slice %arg2[%dma_start3A_149, %dma_start3A_150] : memref<20000x128xf32, #tpu.memory_space<hbm>> -> memref<20000x128xf32, #tpu.memory_space<hbm>>
          tpu.enqueue_indirect_dma source(%dma_start3A_151 : memref<20000x128xf32, #tpu.memory_space<hbm>>) target(%arg11 : memref<80x128xf32, #tpu.memory_space<vmem>>) offsets(%dma_start3A_148 : memref<80xi32, #tpu.memory_space<vmem>>) semaphore(%arg15 : memref<!tpu.dma_semaphore, #tpu.memory_space<semaphore_mem>>)
        } else {
        }
        %dma_wait3A_73 = arith.constant 0 : i32
        %dma_wait3A_74 = arith.constant 0 : i32
        %dma_wait3A_75 = tpu.memref_slice %arg7[%dma_wait3A_73, %dma_wait3A_74] : memref<25x80xi32, #tpu.memory_space<vmem>> -> memref<1x80xi32, #tpu.memory_space<vmem>>
        %dma_wait3A_76 = tpu.memref_squeeze %dma_wait3A_75 : memref<1x80xi32, #tpu.memory_space<vmem>> -> memref<80xi32, #tpu.memory_space<vmem>>
        %dma_wait3A_77 = arith.constant 0 : i32
        %dma_wait3A_78 = arith.constant 0 : i32
        %dma_wait3A_79 = tpu.memref_slice %arg2[%dma_wait3A_77, %dma_wait3A_78] : memref<20000x128xf32, #tpu.memory_space<hbm>> -> memref<20000x128xf32, #tpu.memory_space<hbm>>
        tpu.wait_indirect_dma semaphore(%arg13 : memref<!tpu.dma_semaphore, #tpu.memory_space<semaphore_mem>>) src(%dma_wait3A_79 : memref<20000x128xf32, #tpu.memory_space<hbm>>) dst(%arg9 : memref<80x128xf32, #tpu.memory_space<vmem>>)
        %dma_start3A_80 = arith.constant 0 : i32
        %dma_start3A_81 = tpu.memref_slice %arg8[%add3A_62, %dma_start3A_80] : memref<25x80xi32, #tpu.memory_space<vmem>> -> memref<1x80xi32, #tpu.memory_space<vmem>>
        %dma_start3A_82 = tpu.memref_squeeze %dma_start3A_81 : memref<1x80xi32, #tpu.memory_space<vmem>> -> memref<80xi32, #tpu.memory_space<vmem>>
        %dma_start3A_83 = arith.constant 0 : i32
        %dma_start3A_84 = arith.constant 0 : i32
        %dma_start3A_85 = tpu.memref_slice %arg12[%dma_start3A_83, %dma_start3A_84] : memref<10000x128xf32, #tpu.memory_space<vmem_shared>> -> memref<10000x128xf32, #tpu.memory_space<vmem_shared>>
        tpu.enqueue_indirect_dma source(%arg9 : memref<80x128xf32, #tpu.memory_space<vmem>>) target(%dma_start3A_85 : memref<10000x128xf32, #tpu.memory_space<vmem_shared>>) offsets(%dma_start3A_82 : memref<80xi32, #tpu.memory_space<vmem>>) semaphore(%arg16 : memref<!tpu.dma_semaphore, #tpu.memory_space<semaphore_mem>>) {add = true}
        %mul3A_86 = arith.constant 3 : i32
        %mul3A_87 = arith.muli %mul3A_86, %scan3A_60 : i32
        %add3A_88 = arith.constant 1 : i32
        %add3A_89 = arith.addi %mul3A_87, %add3A_88 : i32
        %ge3A_90 = arith.constant 1 : i32
        %ge3A_91 = arith.cmpi sge, %add3A_89, %ge3A_90 : i32
        %convert_element_type3A_92 = arith.extui %ge3A_91 : i1 to i32
        %cond3A_93 = arith.constant 0 : i32
        %cond3A_94 = arith.cmpi ne, %convert_element_type3A_92, %cond3A_93 : i32
        scf.if %cond3A_94 {
          %dma_wait3A_144 = arith.constant 0 : i32
          %dma_wait3A_145 = arith.constant 0 : i32
          %dma_wait3A_146 = tpu.memref_slice %arg8[%dma_wait3A_144, %dma_wait3A_145] : memref<25x80xi32, #tpu.memory_space<vmem>> -> memref<1x80xi32, #tpu.memory_space<vmem>>
          %dma_wait3A_147 = tpu.memref_squeeze %dma_wait3A_146 : memref<1x80xi32, #tpu.memory_space<vmem>> -> memref<80xi32, #tpu.memory_space<vmem>>
          %dma_wait3A_148 = arith.constant 0 : i32
          %dma_wait3A_149 = arith.constant 0 : i32
          %dma_wait3A_150 = tpu.memref_slice %arg12[%dma_wait3A_148, %dma_wait3A_149] : memref<10000x128xf32, #tpu.memory_space<vmem_shared>> -> memref<10000x128xf32, #tpu.memory_space<vmem_shared>>
          tpu.wait_indirect_dma semaphore(%arg16 : memref<!tpu.dma_semaphore, #tpu.memory_space<semaphore_mem>>) src(%arg9 : memref<80x128xf32, #tpu.memory_space<vmem>>) dst(%dma_wait3A_150 : memref<10000x128xf32, #tpu.memory_space<vmem_shared>>)
        } else {
        }
        %add3A_95 = arith.constant 2 : i32
        %add3A_96 = arith.addi %add3A_89, %add3A_95 : i32
        %le3A_97 = arith.constant 24 : i32
        %le3A_98 = arith.cmpi sle, %add3A_96, %le3A_97 : i32
        %convert_element_type3A_99 = arith.extui %le3A_98 : i1 to i32
        %cond3A_100 = arith.constant 0 : i32
        %cond3A_101 = arith.cmpi ne, %convert_element_type3A_99, %cond3A_100 : i32
        scf.if %cond3A_101 {
          %add3A_144 = arith.constant 2 : i32
          %add3A_145 = arith.addi %add3A_89, %add3A_144 : i32
          %dma_start3A_146 = arith.constant 0 : i32
          %dma_start3A_147 = tpu.memref_slice %arg7[%add3A_145, %dma_start3A_146] : memref<25x80xi32, #tpu.memory_space<vmem>> -> memref<1x80xi32, #tpu.memory_space<vmem>>
          %dma_start3A_148 = tpu.memref_squeeze %dma_start3A_147 : memref<1x80xi32, #tpu.memory_space<vmem>> -> memref<80xi32, #tpu.memory_space<vmem>>
          %dma_start3A_149 = arith.constant 0 : i32
          %dma_start3A_150 = arith.constant 0 : i32
          %dma_start3A_151 = tpu.memref_slice %arg2[%dma_start3A_149, %dma_start3A_150] : memref<20000x128xf32, #tpu.memory_space<hbm>> -> memref<20000x128xf32, #tpu.memory_space<hbm>>
          tpu.enqueue_indirect_dma source(%dma_start3A_151 : memref<20000x128xf32, #tpu.memory_space<hbm>>) target(%arg9 : memref<80x128xf32, #tpu.memory_space<vmem>>) offsets(%dma_start3A_148 : memref<80xi32, #tpu.memory_space<vmem>>) semaphore(%arg13 : memref<!tpu.dma_semaphore, #tpu.memory_space<semaphore_mem>>)
        } else {
        }
        %dma_wait3A_102 = arith.constant 0 : i32
        %dma_wait3A_103 = arith.constant 0 : i32
        %dma_wait3A_104 = tpu.memref_slice %arg7[%dma_wait3A_102, %dma_wait3A_103] : memref<25x80xi32, #tpu.memory_space<vmem>> -> memref<1x80xi32, #tpu.memory_space<vmem>>
        %dma_wait3A_105 = tpu.memref_squeeze %dma_wait3A_104 : memref<1x80xi32, #tpu.memory_space<vmem>> -> memref<80xi32, #tpu.memory_space<vmem>>
        %dma_wait3A_106 = arith.constant 0 : i32
        %dma_wait3A_107 = arith.constant 0 : i32
        %dma_wait3A_108 = tpu.memref_slice %arg2[%dma_wait3A_106, %dma_wait3A_107] : memref<20000x128xf32, #tpu.memory_space<hbm>> -> memref<20000x128xf32, #tpu.memory_space<hbm>>
        tpu.wait_indirect_dma semaphore(%arg14 : memref<!tpu.dma_semaphore, #tpu.memory_space<semaphore_mem>>) src(%dma_wait3A_108 : memref<20000x128xf32, #tpu.memory_space<hbm>>) dst(%arg10 : memref<80x128xf32, #tpu.memory_space<vmem>>)
        %dma_start3A_109 = arith.constant 0 : i32
        %dma_start3A_110 = tpu.memref_slice %arg8[%add3A_89, %dma_start3A_109] : memref<25x80xi32, #tpu.memory_space<vmem>> -> memref<1x80xi32, #tpu.memory_space<vmem>>
        %dma_start3A_111 = tpu.memref_squeeze %dma_start3A_110 : memref<1x80xi32, #tpu.memory_space<vmem>> -> memref<80xi32, #tpu.memory_space<vmem>>
        %dma_start3A_112 = arith.constant 0 : i32
        %dma_start3A_113 = arith.constant 0 : i32
        %dma_start3A_114 = tpu.memref_slice %arg12[%dma_start3A_112, %dma_start3A_113] : memref<10000x128xf32, #tpu.memory_space<vmem_shared>> -> memref<10000x128xf32, #tpu.memory_space<vmem_shared>>
        tpu.enqueue_indirect_dma source(%arg10 : memref<80x128xf32, #tpu.memory_space<vmem>>) target(%dma_start3A_114 : memref<10000x128xf32, #tpu.memory_space<vmem_shared>>) offsets(%dma_start3A_111 : memref<80xi32, #tpu.memory_space<vmem>>) semaphore(%arg17 : memref<!tpu.dma_semaphore, #tpu.memory_space<semaphore_mem>>) {add = true}
        %mul3A_115 = arith.constant 3 : i32
        %mul3A_116 = arith.muli %mul3A_115, %scan3A_60 : i32
        %add3A_117 = arith.constant 2 : i32
        %add3A_118 = arith.addi %mul3A_116, %add3A_117 : i32
        %ge3A_119 = arith.constant 1 : i32
        %ge3A_120 = arith.cmpi sge, %add3A_118, %ge3A_119 : i32
        %convert_element_type3A_121 = arith.extui %ge3A_120 : i1 to i32
        %cond3A_122 = arith.constant 0 : i32
        %cond3A_123 = arith.cmpi ne, %convert_element_type3A_121, %cond3A_122 : i32
        scf.if %cond3A_123 {
          %dma_wait3A_144 = arith.constant 0 : i32
          %dma_wait3A_145 = arith.constant 0 : i32
          %dma_wait3A_146 = tpu.memref_slice %arg8[%dma_wait3A_144, %dma_wait3A_145] : memref<25x80xi32, #tpu.memory_space<vmem>> -> memref<1x80xi32, #tpu.memory_space<vmem>>
          %dma_wait3A_147 = tpu.memref_squeeze %dma_wait3A_146 : memref<1x80xi32, #tpu.memory_space<vmem>> -> memref<80xi32, #tpu.memory_space<vmem>>
          %dma_wait3A_148 = arith.constant 0 : i32
          %dma_wait3A_149 = arith.constant 0 : i32
          %dma_wait3A_150 = tpu.memref_slice %arg12[%dma_wait3A_148, %dma_wait3A_149] : memref<10000x128xf32, #tpu.memory_space<vmem_shared>> -> memref<10000x128xf32, #tpu.memory_space<vmem_shared>>
          tpu.wait_indirect_dma semaphore(%arg17 : memref<!tpu.dma_semaphore, #tpu.memory_space<semaphore_mem>>) src(%arg10 : memref<80x128xf32, #tpu.memory_space<vmem>>) dst(%dma_wait3A_150 : memref<10000x128xf32, #tpu.memory_space<vmem_shared>>)
        } else {
        }
        %add3A_124 = arith.constant 2 : i32
        %add3A_125 = arith.addi %add3A_118, %add3A_124 : i32
        %le3A_126 = arith.constant 24 : i32
        %le3A_127 = arith.cmpi sle, %add3A_125, %le3A_126 : i32
        %convert_element_type3A_128 = arith.extui %le3A_127 : i1 to i32
        %cond3A_129 = arith.constant 0 : i32
        %cond3A_130 = arith.cmpi ne, %convert_element_type3A_128, %cond3A_129 : i32
        scf.if %cond3A_130 {
          %add3A_144 = arith.constant 2 : i32
          %add3A_145 = arith.addi %add3A_118, %add3A_144 : i32
          %dma_start3A_146 = arith.constant 0 : i32
          %dma_start3A_147 = tpu.memref_slice %arg7[%add3A_145, %dma_start3A_146] : memref<25x80xi32, #tpu.memory_space<vmem>> -> memref<1x80xi32, #tpu.memory_space<vmem>>
          %dma_start3A_148 = tpu.memref_squeeze %dma_start3A_147 : memref<1x80xi32, #tpu.memory_space<vmem>> -> memref<80xi32, #tpu.memory_space<vmem>>
          %dma_start3A_149 = arith.constant 0 : i32
          %dma_start3A_150 = arith.constant 0 : i32
          %dma_start3A_151 = tpu.memref_slice %arg2[%dma_start3A_149, %dma_start3A_150] : memref<20000x128xf32, #tpu.memory_space<hbm>> -> memref<20000x128xf32, #tpu.memory_space<hbm>>
          tpu.enqueue_indirect_dma source(%dma_start3A_151 : memref<20000x128xf32, #tpu.memory_space<hbm>>) target(%arg10 : memref<80x128xf32, #tpu.memory_space<vmem>>) offsets(%dma_start3A_148 : memref<80xi32, #tpu.memory_space<vmem>>) semaphore(%arg14 : memref<!tpu.dma_semaphore, #tpu.memory_space<semaphore_mem>>)
        } else {
        }
        %dma_wait3A_131 = arith.constant 0 : i32
        %dma_wait3A_132 = arith.constant 0 : i32
        %dma_wait3A_133 = tpu.memref_slice %arg7[%dma_wait3A_131, %dma_wait3A_132] : memref<25x80xi32, #tpu.memory_space<vmem>> -> memref<1x80xi32, #tpu.memory_space<vmem>>
        %dma_wait3A_134 = tpu.memref_squeeze %dma_wait3A_133 : memref<1x80xi32, #tpu.memory_space<vmem>> -> memref<80xi32, #tpu.memory_space<vmem>>
        %dma_wait3A_135 = arith.constant 0 : i32
        %dma_wait3A_136 = arith.constant 0 : i32
        %dma_wait3A_137 = tpu.memref_slice %arg2[%dma_wait3A_135, %dma_wait3A_136] : memref<20000x128xf32, #tpu.memory_space<hbm>> -> memref<20000x128xf32, #tpu.memory_space<hbm>>
        tpu.wait_indirect_dma semaphore(%arg15 : memref<!tpu.dma_semaphore, #tpu.memory_space<semaphore_mem>>) src(%dma_wait3A_137 : memref<20000x128xf32, #tpu.memory_space<hbm>>) dst(%arg11 : memref<80x128xf32, #tpu.memory_space<vmem>>)
        %dma_start3A_138 = arith.constant 0 : i32
        %dma_start3A_139 = tpu.memref_slice %arg8[%add3A_118, %dma_start3A_138] : memref<25x80xi32, #tpu.memory_space<vmem>> -> memref<1x80xi32, #tpu.memory_space<vmem>>
        %dma_start3A_140 = tpu.memref_squeeze %dma_start3A_139 : memref<1x80xi32, #tpu.memory_space<vmem>> -> memref<80xi32, #tpu.memory_space<vmem>>
        %dma_start3A_141 = arith.constant 0 : i32
        %dma_start3A_142 = arith.constant 0 : i32
        %dma_start3A_143 = tpu.memref_slice %arg12[%dma_start3A_141, %dma_start3A_142] : memref<10000x128xf32, #tpu.memory_space<vmem_shared>> -> memref<10000x128xf32, #tpu.memory_space<vmem_shared>>
        tpu.enqueue_indirect_dma source(%arg11 : memref<80x128xf32, #tpu.memory_space<vmem>>) target(%dma_start3A_143 : memref<10000x128xf32, #tpu.memory_space<vmem_shared>>) offsets(%dma_start3A_140 : memref<80xi32, #tpu.memory_space<vmem>>) semaphore(%arg18 : memref<!tpu.dma_semaphore, #tpu.memory_space<semaphore_mem>>) {add = true}
      }
      %scan3A_32 = arith.constant 8 : i32
      %dma_wait3A = arith.constant 0 : i32
      %dma_wait3A_33 = arith.constant 0 : i32
      %dma_wait3A_34 = tpu.memref_slice %arg8[%dma_wait3A, %dma_wait3A_33] : memref<25x80xi32, #tpu.memory_space<vmem>> -> memref<1x80xi32, #tpu.memory_space<vmem>>
      %dma_wait3A_35 = tpu.memref_squeeze %dma_wait3A_34 : memref<1x80xi32, #tpu.memory_space<vmem>> -> memref<80xi32, #tpu.memory_space<vmem>>
      %dma_wait3A_36 = arith.constant 0 : i32
      %dma_wait3A_37 = arith.constant 0 : i32
      %dma_wait3A_38 = tpu.memref_slice %arg12[%dma_wait3A_36, %dma_wait3A_37] : memref<10000x128xf32, #tpu.memory_space<vmem_shared>> -> memref<10000x128xf32, #tpu.memory_space<vmem_shared>>
      tpu.wait_indirect_dma semaphore(%arg18 : memref<!tpu.dma_semaphore, #tpu.memory_space<semaphore_mem>>) src(%arg11 : memref<80x128xf32, #tpu.memory_space<vmem>>) dst(%dma_wait3A_38 : memref<10000x128xf32, #tpu.memory_space<vmem_shared>>)
      %dma_wait3A_39 = arith.constant 0 : i32
      %dma_wait3A_40 = arith.constant 0 : i32
      %dma_wait3A_41 = tpu.memref_slice %arg7[%dma_wait3A_39, %dma_wait3A_40] : memref<25x80xi32, #tpu.memory_space<vmem>> -> memref<1x80xi32, #tpu.memory_space<vmem>>
      %dma_wait3A_42 = tpu.memref_squeeze %dma_wait3A_41 : memref<1x80xi32, #tpu.memory_space<vmem>> -> memref<80xi32, #tpu.memory_space<vmem>>
      %dma_wait3A_43 = arith.constant 0 : i32
      %dma_wait3A_44 = arith.constant 0 : i32
      %dma_wait3A_45 = tpu.memref_slice %arg2[%dma_wait3A_43, %dma_wait3A_44] : memref<20000x128xf32, #tpu.memory_space<hbm>> -> memref<20000x128xf32, #tpu.memory_space<hbm>>
      tpu.wait_indirect_dma semaphore(%arg13 : memref<!tpu.dma_semaphore, #tpu.memory_space<semaphore_mem>>) src(%dma_wait3A_45 : memref<20000x128xf32, #tpu.memory_space<hbm>>) dst(%arg9 : memref<80x128xf32, #tpu.memory_space<vmem>>)
      %dma_start3A_46 = arith.constant 24 : i32
      %dma_start3A_47 = arith.constant 0 : i32
      %dma_start3A_48 = tpu.memref_slice %arg8[%dma_start3A_46, %dma_start3A_47] : memref<25x80xi32, #tpu.memory_space<vmem>> -> memref<1x80xi32, #tpu.memory_space<vmem>>
      %dma_start3A_49 = tpu.memref_squeeze %dma_start3A_48 : memref<1x80xi32, #tpu.memory_space<vmem>> -> memref<80xi32, #tpu.memory_space<vmem>>
      %dma_start3A_50 = arith.constant 0 : i32
      %dma_start3A_51 = arith.constant 0 : i32
      %dma_start3A_52 = tpu.memref_slice %arg12[%dma_start3A_50, %dma_start3A_51] : memref<10000x128xf32, #tpu.memory_space<vmem_shared>> -> memref<10000x128xf32, #tpu.memory_space<vmem_shared>>
      tpu.enqueue_indirect_dma source(%arg9 : memref<80x128xf32, #tpu.memory_space<vmem>>) target(%dma_start3A_52 : memref<10000x128xf32, #tpu.memory_space<vmem_shared>>) offsets(%dma_start3A_49 : memref<80xi32, #tpu.memory_space<vmem>>) semaphore(%arg16 : memref<!tpu.dma_semaphore, #tpu.memory_space<semaphore_mem>>) {add = true}
      %dma_wait3A_53 = arith.constant 0 : i32
      %dma_wait3A_54 = arith.constant 0 : i32
      %dma_wait3A_55 = tpu.memref_slice %arg8[%dma_wait3A_53, %dma_wait3A_54] : memref<25x80xi32, #tpu.memory_space<vmem>> -> memref<1x80xi32, #tpu.memory_space<vmem>>
      %dma_wait3A_56 = tpu.memref_squeeze %dma_wait3A_55 : memref<1x80xi32, #tpu.memory_space<vmem>> -> memref<80xi32, #tpu.memory_space<vmem>>
      %dma_wait3A_57 = arith.constant 0 : i32
      %dma_wait3A_58 = arith.constant 0 : i32
      %dma_wait3A_59 = tpu.memref_slice %arg12[%dma_wait3A_57, %dma_wait3A_58] : memref<10000x128xf32, #tpu.memory_space<vmem_shared>> -> memref<10000x128xf32, #tpu.memory_space<vmem_shared>>
      tpu.wait_indirect_dma semaphore(%arg16 : memref<!tpu.dma_semaphore, #tpu.memory_space<semaphore_mem>>) src(%arg9 : memref<80x128xf32, #tpu.memory_space<vmem>>) dst(%dma_wait3A_59 : memref<10000x128xf32, #tpu.memory_space<vmem_shared>>)
    }
    %scan3A_6 = arith.constant 5 : i32
    %barrier3A_7 = arith.constant 0 : index
    tpu.barrier barrier_id(%barrier3A_7)
    %lt3A_8 = arith.constant 10 : i32
    %lt3A_9 = arith.cmpi slt, %arg1, %lt3A_8 : i32
    %convert_element_type3A_10 = arith.extui %lt3A_9 : i1 to i32
    %cond3A_11 = arith.constant 0 : i32
    %cond3A_12 = arith.cmpi ne, %convert_element_type3A_10, %cond3A_11 : i32
    scf.if %cond3A_12 {
      %mul3A = arith.constant 1000 : i32
      %mul3A_13 = arith.muli %arg1, %mul3A : i32
      %mul3A_14 = arith.constant 1000 : i32
      %mul3A_15 = arith.muli %arg1, %mul3A_14 : i32
      "tpu.region"() ({
        %run_scoped3A = tpu.sem_alloc : memref<!tpu.dma_semaphore, #tpu.memory_space<semaphore_mem>>
        %dma_start3A = arith.constant 0 : i32
        %dma_start3A_16 = tpu.memref_slice %arg6[%arg0, %mul3A_15, %dma_start3A] : memref<2x10000x128xf32, #tpu.memory_space<hbm>> -> memref<1x1000x128xf32, #tpu.memory_space<hbm>>
        %dma_start3A_17 = tpu.memref_squeeze %dma_start3A_16 : memref<1x1000x128xf32, #tpu.memory_space<hbm>> -> memref<1000x128xf32, #tpu.memory_space<hbm>>
        %dma_start3A_18 = arith.constant 0 : i32
        %dma_start3A_19 = tpu.memref_slice %arg12[%mul3A_13, %dma_start3A_18] : memref<10000x128xf32, #tpu.memory_space<vmem_shared>> -> memref<1000x128xf32, #tpu.memory_space<vmem_shared>>
        tpu.enqueue_dma source(%dma_start3A_19 : memref<1000x128xf32, #tpu.memory_space<vmem_shared>>) target(%dma_start3A_17 : memref<1000x128xf32, #tpu.memory_space<hbm>>) target_semaphore(%run_scoped3A : memref<!tpu.dma_semaphore, #tpu.memory_space<semaphore_mem>>)
        %dma_wait3A = arith.constant 0 : i32
        %dma_wait3A_20 = tpu.memref_slice %arg6[%arg0, %mul3A_15, %dma_wait3A] : memref<2x10000x128xf32, #tpu.memory_space<hbm>> -> memref<1x1000x128xf32, #tpu.memory_space<hbm>>
        %dma_wait3A_21 = tpu.memref_squeeze %dma_wait3A_20 : memref<1x1000x128xf32, #tpu.memory_space<hbm>> -> memref<1000x128xf32, #tpu.memory_space<hbm>>
        %dma_wait3A_22 = arith.constant 0 : i32
        %dma_wait3A_23 = tpu.memref_slice %arg12[%mul3A_13, %dma_wait3A_22] : memref<10000x128xf32, #tpu.memory_space<vmem_shared>> -> memref<1000x128xf32, #tpu.memory_space<vmem_shared>>
        tpu.wait_dma2 semaphore(%run_scoped3A : memref<!tpu.dma_semaphore, #tpu.memory_space<semaphore_mem>>) src(%dma_wait3A_23 : memref<1000x128xf32, #tpu.memory_space<vmem_shared>>) dst(%dma_wait3A_21 : memref<1000x128xf32, #tpu.memory_space<hbm>>)
        tpu.yield
      }) : () -> ()
    } else {
    }
    return
  }
}

module attributes {stable_mosaic.version = 14 : i64} {
  func.func @_k1_body(%arg0: i32, %arg1: memref<2000x256xf32, #tpu.memory_space<vmem>>, %arg2: memref<256x256xf32, #tpu.memory_space<vmem>>, %arg3: memref<2x2000x128xf32, #tpu.memory_space<vmem>>, %arg4: memref<2x2000x128xf32, #tpu.memory_space<vmem>>) attributes {dimension_semantics = [#tpu.dimension_semantics<arbitrary>], iteration_bounds = array<i64: 5>, scalar_prefetch = 0 : i64, scratch_operands = 0 : i64, tpu.core_type = #tpu.core_type<tc>, window_params = [{transform_indices = @transform_0, window_bounds = array<i64: 2000, 256>}, {pipeline_mode = #tpu.pipeline_mode<synchronous>, transform_indices = @transform_1, window_bounds = array<i64: 256, 256>}, {transform_indices = @transform_2, window_bounds = array<i64: 2, 2000, 128>}, {transform_indices = @transform_3, window_bounds = array<i64: 2, 2000, 128>}]} {
    %get3A = arith.constant 0 : index
    %get3A_0 = arith.constant 0 : index
    %get3A_1 = arith.constant 0 : index
    %get3A_2 = vector.load %arg3[%get3A, %get3A_0, %get3A_1] : memref<2x2000x128xf32, #tpu.memory_space<vmem>>, vector<2x2000x128xf32>
    %slice3A = vector.extract_strided_slice %get3A_2 {offsets = [0, 0, 0], sizes = [1, 2000, 1], strides = [1, 1, 1]} : vector<2x2000x128xf32> to vector<1x2000x1xf32>
    %squeeze3A = vector.shape_cast %slice3A : vector<1x2000x1xf32> to vector<2000x1xf32>
    %slice3A_3 = vector.extract_strided_slice %get3A_2 {offsets = [1, 0, 0], sizes = [1, 2000, 1], strides = [1, 1, 1]} : vector<2x2000x128xf32> to vector<1x2000x1xf32>
    %squeeze3A_4 = vector.shape_cast %slice3A_3 : vector<1x2000x1xf32> to vector<2000x1xf32>
    %add3A = arith.addf %squeeze3A, %squeeze3A_4 : vector<2000x1xf32>
    %add3A_5 = arith.constant 1.000000e+00 : f32
    %add3A_6 = vector.broadcast %add3A_5 : f32 to vector<2000x1xf32>
    %add3A_7 = arith.addf %add3A, %add3A_6 : vector<2000x1xf32>
    %rsqrt3A = math.rsqrt %add3A_7 : vector<2000x1xf32>
    %get3A_8 = arith.constant 0 : index
    %get3A_9 = arith.constant 0 : index
    %get3A_10 = vector.load %arg1[%get3A_8, %get3A_9] : memref<2000x256xf32, #tpu.memory_space<vmem>>, vector<2000x256xf32>
    %get3A_11 = arith.constant 0 : index
    %get3A_12 = arith.constant 0 : index
    %get3A_13 = vector.load %arg2[%get3A_11, %get3A_12] : memref<256x256xf32, #tpu.memory_space<vmem>>, vector<256x256xf32>
    %dot_general3A = arith.constant dense<0.000000e+00> : vector<2000x256xf32>
    %dot_general3A_14 = tpu.matmul %get3A_10, %get3A_13, %dot_general3A {dimension_numbers = #tpu.dot_dimension_numbers<[1], [0], [0], [1], [0, 0, 1, 1], [], []>, transpose_lhs_hint = false} : vector<2000x256xf32>, vector<256x256xf32>, vector<2000x256xf32> -> vector<2000x256xf32>
    %mul3A = vector.broadcast %rsqrt3A : vector<2000x1xf32> to vector<2000x256xf32>
    %mul3A_15 = arith.mulf %dot_general3A_14, %mul3A : vector<2000x256xf32>
    %slice3A_16 = vector.extract_strided_slice %mul3A_15 {offsets = [0, 0], sizes = [2000, 128], strides = [1, 1]} : vector<2000x256xf32> to vector<2000x128xf32>
    %swap3A = arith.constant 0 : index
    %swap3A_17 = arith.constant 0 : index
    %swap3A_18 = arith.constant 0 : index
    %swap3A_19 = vector.load %arg4[%swap3A, %swap3A_17, %swap3A_18] : memref<2x2000x128xf32, #tpu.memory_space<vmem>>, vector<1x2000x128xf32>
    %swap3A_20 = vector.shape_cast %swap3A_19 : vector<1x2000x128xf32> to vector<2000x128xf32>
    %swap3A_21 = vector.shape_cast %slice3A_16 : vector<2000x128xf32> to vector<1x2000x128xf32>
    tpu.vector_store %arg4[%swap3A, %swap3A_17, %swap3A_18], %swap3A_21 {strides = array<i32>} : memref<2x2000x128xf32, #tpu.memory_space<vmem>>, vector<1x2000x128xf32>,
    %slice3A_22 = vector.extract_strided_slice %mul3A_15 {offsets = [0, 128], sizes = [2000, 128], strides = [1, 1]} : vector<2000x256xf32> to vector<2000x128xf32>
    %swap3A_23 = arith.constant 1 : index
    %swap3A_24 = arith.constant 0 : index
    %swap3A_25 = arith.constant 0 : index
    %swap3A_26 = vector.load %arg4[%swap3A_23, %swap3A_24, %swap3A_25] : memref<2x2000x128xf32, #tpu.memory_space<vmem>>, vector<1x2000x128xf32>
    %swap3A_27 = vector.shape_cast %swap3A_26 : vector<1x2000x128xf32> to vector<2000x128xf32>
    %swap3A_28 = vector.shape_cast %slice3A_22 : vector<2000x128xf32> to vector<1x2000x128xf32>
    tpu.vector_store %arg4[%swap3A_23, %swap3A_24, %swap3A_25], %swap3A_28 {strides = array<i32>} : memref<2x2000x128xf32, #tpu.memory_space<vmem>>, vector<1x2000x128xf32>,
    return
  }
  func.func @transform_0(%arg0: i32) -> (i32, i32) {
    %c0_i32 = arith.constant 0 : i32
    %c0_i32_0 = arith.constant 0 : i32
    return %arg0, %c0_i32 : i32, i32
  }
  func.func @transform_1(%arg0: i32) -> (i32, i32) {
    %c0_i32 = arith.constant 0 : i32
    %c0_i32_0 = arith.constant 0 : i32
    %c0_i32_1 = arith.constant 0 : i32
    return %c0_i32, %c0_i32_0 : i32, i32
  }
  func.func @transform_2(%arg0: i32) -> (i32, i32, i32) {
    %c0_i32 = arith.constant 0 : i32
    %c0_i32_0 = arith.constant 0 : i32
    %c0_i32_1 = arith.constant 0 : i32
    return %c0_i32, %arg0, %c0_i32_0 : i32, i32, i32
  }
  func.func @transform_3(%arg0: i32) -> (i32, i32, i32) {
    %c0_i32 = arith.constant 0 : i32
    %c0_i32_0 = arith.constant 0 : i32
    %c0_i32_1 = arith.constant 0 : i32
    return %c0_i32, %arg0, %c0_i32_0 : i32, i32, i32
  }
}

module attributes {stable_mosaic.version = 14 : i64} {
  func.func @_k2_body(%arg0: i32, %arg1: memref<2x2000x128xf32, #tpu.memory_space<vmem>>, %arg2: memref<2x2000x128xf32, #tpu.memory_space<vmem>>, %arg3: memref<2x2000x128xf32, #tpu.memory_space<vmem>>, %arg4: memref<1x256xf32, #tpu.memory_space<vmem>>, %arg5: memref<2000x256xf32, #tpu.memory_space<vmem>>, %arg6: memref<2x256xf32, #tpu.memory_space<vmem>>) attributes {dimension_semantics = [#tpu.dimension_semantics<arbitrary>], iteration_bounds = array<i64: 5>, scalar_prefetch = 0 : i64, scratch_operands = 0 : i64, tpu.core_type = #tpu.core_type<tc>, window_params = [{transform_indices = @transform_0, window_bounds = array<i64: 2, 2000, 128>}, {transform_indices = @transform_1, window_bounds = array<i64: 2, 2000, 128>}, {transform_indices = @transform_2, window_bounds = array<i64: 2, 2000, 128>}, {pipeline_mode = #tpu.pipeline_mode<synchronous>, transform_indices = @transform_3, window_bounds = array<i64: 1, 256>}, {transform_indices = @transform_4, window_bounds = array<i64: 2000, 256>}, {pipeline_mode = #tpu.pipeline_mode<synchronous>, transform_indices = @transform_5, window_bounds = array<i64: 2, 256>}]} {
    %get3A = arith.constant 0 : index
    %get3A_0 = arith.constant 0 : index
    %get3A_1 = arith.constant 0 : index
    %get3A_2 = vector.load %arg3[%get3A, %get3A_0, %get3A_1] : memref<2x2000x128xf32, #tpu.memory_space<vmem>>, vector<2x2000x128xf32>
    %slice3A = vector.extract_strided_slice %get3A_2 {offsets = [0, 0, 0], sizes = [1, 2000, 1], strides = [1, 1, 1]} : vector<2x2000x128xf32> to vector<1x2000x1xf32>
    %squeeze3A = vector.shape_cast %slice3A : vector<1x2000x1xf32> to vector<2000x1xf32>
    %slice3A_3 = vector.extract_strided_slice %get3A_2 {offsets = [1, 0, 0], sizes = [1, 2000, 1], strides = [1, 1, 1]} : vector<2x2000x128xf32> to vector<1x2000x1xf32>
    %squeeze3A_4 = vector.shape_cast %slice3A_3 : vector<1x2000x1xf32> to vector<2000x1xf32>
    %add3A = arith.addf %squeeze3A, %squeeze3A_4 : vector<2000x1xf32>
    %add3A_5 = arith.constant 1.000000e+00 : f32
    %add3A_6 = vector.broadcast %add3A_5 : f32 to vector<2000x1xf32>
    %add3A_7 = arith.addf %add3A, %add3A_6 : vector<2000x1xf32>
    %rsqrt3A = math.rsqrt %add3A_7 : vector<2000x1xf32>
    %get3A_8 = arith.constant 0 : index
    %get3A_9 = arith.constant 0 : index
    %get3A_10 = arith.constant 0 : index
    %get3A_11 = vector.load %arg1[%get3A_8, %get3A_9, %get3A_10] : memref<2x2000x128xf32, #tpu.memory_space<vmem>>, vector<1x2000x128xf32>
    %get3A_12 = vector.shape_cast %get3A_11 : vector<1x2000x128xf32> to vector<2000x128xf32>
    %get3A_13 = arith.constant 1 : index
    %get3A_14 = arith.constant 0 : index
    %get3A_15 = arith.constant 0 : index
    %get3A_16 = vector.load %arg1[%get3A_13, %get3A_14, %get3A_15] : memref<2x2000x128xf32, #tpu.memory_space<vmem>>, vector<1x2000x128xf32>
    %get3A_17 = vector.shape_cast %get3A_16 : vector<1x2000x128xf32> to vector<2000x128xf32>
    %concatenate3A = tpu.concatenate %get3A_12, %get3A_17 in 1 : vector<2000x128xf32>, vector<2000x128xf32> -> vector<2000x256xf32>
    %get3A_18 = arith.constant 0 : index
    %get3A_19 = arith.constant 0 : index
    %get3A_20 = arith.constant 0 : index
    %get3A_21 = vector.load %arg2[%get3A_18, %get3A_19, %get3A_20] : memref<2x2000x128xf32, #tpu.memory_space<vmem>>, vector<1x2000x128xf32>
    %get3A_22 = vector.shape_cast %get3A_21 : vector<1x2000x128xf32> to vector<2000x128xf32>
    %get3A_23 = arith.constant 1 : index
    %get3A_24 = arith.constant 0 : index
    %get3A_25 = arith.constant 0 : index
    %get3A_26 = vector.load %arg2[%get3A_23, %get3A_24, %get3A_25] : memref<2x2000x128xf32, #tpu.memory_space<vmem>>, vector<1x2000x128xf32>
    %get3A_27 = vector.shape_cast %get3A_26 : vector<1x2000x128xf32> to vector<2000x128xf32>
    %concatenate3A_28 = tpu.concatenate %get3A_22, %get3A_27 in 1 : vector<2000x128xf32>, vector<2000x128xf32> -> vector<2000x256xf32>
    %add3A_29 = arith.addf %concatenate3A, %concatenate3A_28 : vector<2000x256xf32>
    %mul3A = vector.broadcast %rsqrt3A : vector<2000x1xf32> to vector<2000x256xf32>
    %mul3A_30 = arith.mulf %mul3A, %add3A_29 : vector<2000x256xf32>
    %get3A_31 = arith.constant 0 : index
    %get3A_32 = arith.constant 0 : index
    %get3A_33 = vector.load %arg4[%get3A_31, %get3A_32] : memref<1x256xf32, #tpu.memory_space<vmem>>, vector<1x256xf32>
    %add3A_34 = vector.broadcast %get3A_33 : vector<1x256xf32> to vector<2000x256xf32>
    %add3A_35 = arith.addf %mul3A_30, %add3A_34 : vector<2000x256xf32>
    %swap3A = arith.constant 0 : index
    %swap3A_36 = arith.constant 0 : index
    %swap3A_37 = vector.load %arg5[%swap3A, %swap3A_36] : memref<2000x256xf32, #tpu.memory_space<vmem>>, vector<2000x256xf32>
    tpu.vector_store %arg5[%swap3A, %swap3A_36], %add3A_35 {strides = array<i32>} : memref<2000x256xf32, #tpu.memory_space<vmem>>, vector<2000x256xf32>,
    %reduce_sum3A = arith.constant dense<0.000000e+00> : vector<256xf32>
    %reduce_sum3A_38 = vector.multi_reduction <add>, %add3A_35, %reduce_sum3A [0] : vector<2000x256xf32> to vector<256xf32>
    %broadcast_in_dim3A = vector.shape_cast %reduce_sum3A_38 : vector<256xf32> to vector<1x256xf32>
    %mul3A_39 = arith.mulf %add3A_35, %add3A_35 : vector<2000x256xf32>
    %reduce_sum3A_40 = arith.constant dense<0.000000e+00> : vector<256xf32>
    %reduce_sum3A_41 = vector.multi_reduction <add>, %mul3A_39, %reduce_sum3A_40 [0] : vector<2000x256xf32> to vector<256xf32>
    %broadcast_in_dim3A_42 = vector.shape_cast %reduce_sum3A_41 : vector<256xf32> to vector<1x256xf32>
    %concatenate3A_43 = tpu.concatenate %broadcast_in_dim3A, %broadcast_in_dim3A_42 in 0 : vector<1x256xf32>, vector<1x256xf32> -> vector<2x256xf32>
    %eq3A = arith.constant 0 : i32
    %eq3A_44 = arith.cmpi eq, %arg0, %eq3A : i32
    %convert_element_type3A = arith.extui %eq3A_44 : i1 to i32
    %cond3A = arith.constant 0 : i32
    %cond3A_45 = arith.cmpi ne, %convert_element_type3A, %cond3A : i32
    scf.if %cond3A_45 {
      %swap3A_50 = arith.constant 0 : index
      %swap3A_51 = arith.constant 0 : index
      %swap3A_52 = vector.load %arg6[%swap3A_50, %swap3A_51] : memref<2x256xf32, #tpu.memory_space<vmem>>, vector<2x256xf32>
      tpu.vector_store %arg6[%swap3A_50, %swap3A_51], %concatenate3A_43 {strides = array<i32>} : memref<2x256xf32, #tpu.memory_space<vmem>>, vector<2x256xf32>,
    } else {
    }
    %gt3A = arith.constant 0 : i32
    %gt3A_46 = arith.cmpi sgt, %arg0, %gt3A : i32
    %convert_element_type3A_47 = arith.extui %gt3A_46 : i1 to i32
    %cond3A_48 = arith.constant 0 : i32
    %cond3A_49 = arith.cmpi ne, %convert_element_type3A_47, %cond3A_48 : i32
    scf.if %cond3A_49 {
      %get3A_50 = arith.constant 0 : index
      %get3A_51 = arith.constant 0 : index
      %get3A_52 = vector.load %arg6[%get3A_50, %get3A_51] : memref<2x256xf32, #tpu.memory_space<vmem>>, vector<2x256xf32>
      %add3A_53 = arith.addf %get3A_52, %concatenate3A_43 : vector<2x256xf32>
      %swap3A_54 = arith.constant 0 : index
      %swap3A_55 = arith.constant 0 : index
      %swap3A_56 = vector.load %arg6[%swap3A_54, %swap3A_55] : memref<2x256xf32, #tpu.memory_space<vmem>>, vector<2x256xf32>
      tpu.vector_store %arg6[%swap3A_54, %swap3A_55], %add3A_53 {strides = array<i32>} : memref<2x256xf32, #tpu.memory_space<vmem>>, vector<2x256xf32>,
    } else {
    }
    return
  }
  func.func @transform_0(%arg0: i32) -> (i32, i32, i32) {
    %c0_i32 = arith.constant 0 : i32
    %c0_i32_0 = arith.constant 0 : i32
    %c0_i32_1 = arith.constant 0 : i32
    return %c0_i32, %arg0, %c0_i32_0 : i32, i32, i32
  }
  func.func @transform_1(%arg0: i32) -> (i32, i32, i32) {
    %c0_i32 = arith.constant 0 : i32
    %c0_i32_0 = arith.constant 0 : i32
    %c0_i32_1 = arith.constant 0 : i32
    return %c0_i32, %arg0, %c0_i32_0 : i32, i32, i32
  }
  func.func @transform_2(%arg0: i32) -> (i32, i32, i32) {
    %c0_i32 = arith.constant 0 : i32
    %c0_i32_0 = arith.constant 0 : i32
    %c0_i32_1 = arith.constant 0 : i32
    return %c0_i32, %arg0, %c0_i32_0 : i32, i32, i32
  }
  func.func @transform_3(%arg0: i32) -> (i32, i32) {
    %c0_i32 = arith.constant 0 : i32
    %c0_i32_0 = arith.constant 0 : i32
    %c0_i32_1 = arith.constant 0 : i32
    return %c0_i32, %c0_i32_0 : i32, i32
  }
  func.func @transform_4(%arg0: i32) -> (i32, i32) {
    %c0_i32 = arith.constant 0 : i32
    %c0_i32_0 = arith.constant 0 : i32
    return %arg0, %c0_i32 : i32, i32
  }
  func.func @transform_5(%arg0: i32) -> (i32, i32) {
    %c0_i32 = arith.constant 0 : i32
    %c0_i32_0 = arith.constant 0 : i32
    %c0_i32_1 = arith.constant 0 : i32
    return %c0_i32, %c0_i32_0 : i32, i32
  }
}

module attributes {stable_mosaic.version = 14 : i64} {
  func.func @_k3_body(%arg0: i32, %arg1: memref<2000x256xf32, #tpu.memory_space<vmem>>, %arg2: memref<2x256xf32, #tpu.memory_space<vmem>>, %arg3: memref<1x256xf32, #tpu.memory_space<vmem>>, %arg4: memref<1x256xf32, #tpu.memory_space<vmem>>, %arg5: memref<256x256xf32, #tpu.memory_space<vmem>>, %arg6: memref<2x2000x128xf32, #tpu.memory_space<vmem>>, %arg7: memref<2x2000x128xf32, #tpu.memory_space<vmem>>) attributes {dimension_semantics = [#tpu.dimension_semantics<arbitrary>], iteration_bounds = array<i64: 5>, scalar_prefetch = 0 : i64, scratch_operands = 0 : i64, tpu.core_type = #tpu.core_type<tc>, window_params = [{transform_indices = @transform_0, window_bounds = array<i64: 2000, 256>}, {pipeline_mode = #tpu.pipeline_mode<synchronous>, transform_indices = @transform_1, window_bounds = array<i64: 2, 256>}, {pipeline_mode = #tpu.pipeline_mode<synchronous>, transform_indices = @transform_2, window_bounds = array<i64: 1, 256>}, {pipeline_mode = #tpu.pipeline_mode<synchronous>, transform_indices = @transform_3, window_bounds = array<i64: 1, 256>}, {pipeline_mode = #tpu.pipeline_mode<synchronous>, transform_indices = @transform_4, window_bounds = array<i64: 256, 256>}, {transform_indices = @transform_5, window_bounds = array<i64: 2, 2000, 128>}, {transform_indices = @transform_6, window_bounds = array<i64: 2, 2000, 128>}]} {
    %get3A = arith.constant 0 : index
    %get3A_0 = arith.constant 0 : index
    %get3A_1 = vector.load %arg2[%get3A, %get3A_0] : memref<2x256xf32, #tpu.memory_space<vmem>>, vector<1x256xf32>
    %div3A = arith.constant 1.000000e+04 : f32
    %div3A_2 = vector.broadcast %div3A : f32 to vector<1x256xf32>
    %div3A_3 = arith.divf %get3A_1, %div3A_2 : vector<1x256xf32>
    %get3A_4 = arith.constant 1 : index
    %get3A_5 = arith.constant 0 : index
    %get3A_6 = vector.load %arg2[%get3A_4, %get3A_5] : memref<2x256xf32, #tpu.memory_space<vmem>>, vector<1x256xf32>
    %div3A_7 = arith.constant 1.000000e+04 : f32
    %div3A_8 = vector.broadcast %div3A_7 : f32 to vector<1x256xf32>
    %div3A_9 = arith.divf %get3A_6, %div3A_8 : vector<1x256xf32>
    %mul3A = arith.mulf %div3A_3, %div3A_3 : vector<1x256xf32>
    %sub3A = arith.subf %div3A_9, %mul3A : vector<1x256xf32>
    %get3A_10 = arith.constant 0 : index
    %get3A_11 = arith.constant 0 : index
    %get3A_12 = vector.load %arg3[%get3A_10, %get3A_11] : memref<1x256xf32, #tpu.memory_space<vmem>>, vector<1x256xf32>
    %add3A = arith.constant 9.99999974E-6 : f32
    %add3A_13 = vector.broadcast %add3A : f32 to vector<1x256xf32>
    %add3A_14 = arith.addf %sub3A, %add3A_13 : vector<1x256xf32>
    %rsqrt3A = math.rsqrt %add3A_14 : vector<1x256xf32>
    %mul3A_15 = arith.mulf %get3A_12, %rsqrt3A : vector<1x256xf32>
    %get3A_16 = arith.constant 0 : index
    %get3A_17 = arith.constant 0 : index
    %get3A_18 = vector.load %arg1[%get3A_16, %get3A_17] : memref<2000x256xf32, #tpu.memory_space<vmem>>, vector<2000x256xf32>
    %sub3A_19 = vector.broadcast %div3A_3 : vector<1x256xf32> to vector<2000x256xf32>
    %sub3A_20 = arith.subf %get3A_18, %sub3A_19 : vector<2000x256xf32>
    %mul3A_21 = vector.broadcast %mul3A_15 : vector<1x256xf32> to vector<2000x256xf32>
    %mul3A_22 = arith.mulf %sub3A_20, %mul3A_21 : vector<2000x256xf32>
    %get3A_23 = arith.constant 0 : index
    %get3A_24 = arith.constant 0 : index
    %get3A_25 = vector.load %arg4[%get3A_23, %get3A_24] : memref<1x256xf32, #tpu.memory_space<vmem>>, vector<1x256xf32>
    %add3A_26 = vector.broadcast %get3A_25 : vector<1x256xf32> to vector<2000x256xf32>
    %add3A_27 = arith.addf %mul3A_22, %add3A_26 : vector<2000x256xf32>
    %max3A = arith.constant 0.000000e+00 : f32
    %max3A_28 = vector.broadcast %max3A : f32 to vector<2000x256xf32>
    %max3A_29 = arith.maximumf %add3A_27, %max3A_28 : vector<2000x256xf32>
    %get3A_30 = arith.constant 0 : index
    %get3A_31 = arith.constant 0 : index
    %get3A_32 = arith.constant 0 : index
    %get3A_33 = vector.load %arg6[%get3A_30, %get3A_31, %get3A_32] : memref<2x2000x128xf32, #tpu.memory_space<vmem>>, vector<2x2000x128xf32>
    %slice3A = vector.extract_strided_slice %get3A_33 {offsets = [0, 0, 0], sizes = [1, 2000, 1], strides = [1, 1, 1]} : vector<2x2000x128xf32> to vector<1x2000x1xf32>
    %squeeze3A = vector.shape_cast %slice3A : vector<1x2000x1xf32> to vector<2000x1xf32>
    %slice3A_34 = vector.extract_strided_slice %get3A_33 {offsets = [1, 0, 0], sizes = [1, 2000, 1], strides = [1, 1, 1]} : vector<2x2000x128xf32> to vector<1x2000x1xf32>
    %squeeze3A_35 = vector.shape_cast %slice3A_34 : vector<1x2000x1xf32> to vector<2000x1xf32>
    %add3A_36 = arith.addf %squeeze3A, %squeeze3A_35 : vector<2000x1xf32>
    %add3A_37 = arith.constant 1.000000e+00 : f32
    %add3A_38 = vector.broadcast %add3A_37 : f32 to vector<2000x1xf32>
    %add3A_39 = arith.addf %add3A_36, %add3A_38 : vector<2000x1xf32>
    %rsqrt3A_40 = math.rsqrt %add3A_39 : vector<2000x1xf32>
    %get3A_41 = arith.constant 0 : index
    %get3A_42 = arith.constant 0 : index
    %get3A_43 = vector.load %arg5[%get3A_41, %get3A_42] : memref<256x256xf32, #tpu.memory_space<vmem>>, vector<256x256xf32>
    %dot_general3A = arith.constant dense<0.000000e+00> : vector<2000x256xf32>
    %dot_general3A_44 = tpu.matmul %max3A_29, %get3A_43, %dot_general3A {dimension_numbers = #tpu.dot_dimension_numbers<[1], [0], [0], [1], [0, 0, 1, 1], [], []>, transpose_lhs_hint = false} : vector<2000x256xf32>, vector<256x256xf32>, vector<2000x256xf32> -> vector<2000x256xf32>
    %mul3A_45 = vector.broadcast %rsqrt3A_40 : vector<2000x1xf32> to vector<2000x256xf32>
    %mul3A_46 = arith.mulf %dot_general3A_44, %mul3A_45 : vector<2000x256xf32>
    %slice3A_47 = vector.extract_strided_slice %mul3A_46 {offsets = [0, 0], sizes = [2000, 128], strides = [1, 1]} : vector<2000x256xf32> to vector<2000x128xf32>
    %swap3A = arith.constant 0 : index
    %swap3A_48 = arith.constant 0 : index
    %swap3A_49 = arith.constant 0 : index
    %swap3A_50 = vector.load %arg7[%swap3A, %swap3A_48, %swap3A_49] : memref<2x2000x128xf32, #tpu.memory_space<vmem>>, vector<1x2000x128xf32>
    %swap3A_51 = vector.shape_cast %swap3A_50 : vector<1x2000x128xf32> to vector<2000x128xf32>
    %swap3A_52 = vector.shape_cast %slice3A_47 : vector<2000x128xf32> to vector<1x2000x128xf32>
    tpu.vector_store %arg7[%swap3A, %swap3A_48, %swap3A_49], %swap3A_52 {strides = array<i32>} : memref<2x2000x128xf32, #tpu.memory_space<vmem>>, vector<1x2000x128xf32>,
    %slice3A_53 = vector.extract_strided_slice %mul3A_46 {offsets = [0, 128], sizes = [2000, 128], strides = [1, 1]} : vector<2000x256xf32> to vector<2000x128xf32>
    %swap3A_54 = arith.constant 1 : index
    %swap3A_55 = arith.constant 0 : index
    %swap3A_56 = arith.constant 0 : index
    %swap3A_57 = vector.load %arg7[%swap3A_54, %swap3A_55, %swap3A_56] : memref<2x2000x128xf32, #tpu.memory_space<vmem>>, vector<1x2000x128xf32>
    %swap3A_58 = vector.shape_cast %swap3A_57 : vector<1x2000x128xf32> to vector<2000x128xf32>
    %swap3A_59 = vector.shape_cast %slice3A_53 : vector<2000x128xf32> to vector<1x2000x128xf32>
    tpu.vector_store %arg7[%swap3A_54, %swap3A_55, %swap3A_56], %swap3A_59 {strides = array<i32>} : memref<2x2000x128xf32, #tpu.memory_space<vmem>>, vector<1x2000x128xf32>,
    return
  }
  func.func @transform_0(%arg0: i32) -> (i32, i32) {
    %c0_i32 = arith.constant 0 : i32
    %c0_i32_0 = arith.constant 0 : i32
    return %arg0, %c0_i32 : i32, i32
  }
  func.func @transform_1(%arg0: i32) -> (i32, i32) {
    %c0_i32 = arith.constant 0 : i32
    %c0_i32_0 = arith.constant 0 : i32
    %c0_i32_1 = arith.constant 0 : i32
    return %c0_i32, %c0_i32_0 : i32, i32
  }
  func.func @transform_2(%arg0: i32) -> (i32, i32) {
    %c0_i32 = arith.constant 0 : i32
    %c0_i32_0 = arith.constant 0 : i32
    %c0_i32_1 = arith.constant 0 : i32
    return %c0_i32, %c0_i32_0 : i32, i32
  }
  func.func @transform_3(%arg0: i32) -> (i32, i32) {
    %c0_i32 = arith.constant 0 : i32
    %c0_i32_0 = arith.constant 0 : i32
    %c0_i32_1 = arith.constant 0 : i32
    return %c0_i32, %c0_i32_0 : i32, i32
  }
  func.func @transform_4(%arg0: i32) -> (i32, i32) {
    %c0_i32 = arith.constant 0 : i32
    %c0_i32_0 = arith.constant 0 : i32
    %c0_i32_1 = arith.constant 0 : i32
    return %c0_i32, %c0_i32_0 : i32, i32
  }
  func.func @transform_5(%arg0: i32) -> (i32, i32, i32) {
    %c0_i32 = arith.constant 0 : i32
    %c0_i32_0 = arith.constant 0 : i32
    %c0_i32_1 = arith.constant 0 : i32
    return %c0_i32, %arg0, %c0_i32_0 : i32, i32, i32
  }
  func.func @transform_6(%arg0: i32) -> (i32, i32, i32) {
    %c0_i32 = arith.constant 0 : i32
    %c0_i32_0 = arith.constant 0 : i32
    %c0_i32_1 = arith.constant 0 : i32
    return %c0_i32, %arg0, %c0_i32_0 : i32, i32, i32
  }
}

module attributes {stable_mosaic.version = 14 : i64} {
  func.func @_k5_body(%arg0: i32, %arg1: memref<2000x256xf32, #tpu.memory_space<vmem>>, %arg2: memref<2x256xf32, #tpu.memory_space<vmem>>, %arg3: memref<1x256xf32, #tpu.memory_space<vmem>>, %arg4: memref<1x256xf32, #tpu.memory_space<vmem>>, %arg5: memref<2000x256xf32, #tpu.memory_space<vmem>>, %arg6: memref<2000x256xf32, #tpu.memory_space<vmem>>) attributes {dimension_semantics = [#tpu.dimension_semantics<arbitrary>], iteration_bounds = array<i64: 5>, scalar_prefetch = 0 : i64, scratch_operands = 0 : i64, tpu.core_type = #tpu.core_type<tc>, window_params = [{transform_indices = @transform_0, window_bounds = array<i64: 2000, 256>}, {pipeline_mode = #tpu.pipeline_mode<synchronous>, transform_indices = @transform_1, window_bounds = array<i64: 2, 256>}, {pipeline_mode = #tpu.pipeline_mode<synchronous>, transform_indices = @transform_2, window_bounds = array<i64: 1, 256>}, {pipeline_mode = #tpu.pipeline_mode<synchronous>, transform_indices = @transform_3, window_bounds = array<i64: 1, 256>}, {transform_indices = @transform_4, window_bounds = array<i64: 2000, 256>}, {transform_indices = @transform_5, window_bounds = array<i64: 2000, 256>}]} {
    %get3A = arith.constant 0 : index
    %get3A_0 = arith.constant 0 : index
    %get3A_1 = vector.load %arg2[%get3A, %get3A_0] : memref<2x256xf32, #tpu.memory_space<vmem>>, vector<1x256xf32>
    %div3A = arith.constant 1.000000e+04 : f32
    %div3A_2 = vector.broadcast %div3A : f32 to vector<1x256xf32>
    %div3A_3 = arith.divf %get3A_1, %div3A_2 : vector<1x256xf32>
    %get3A_4 = arith.constant 1 : index
    %get3A_5 = arith.constant 0 : index
    %get3A_6 = vector.load %arg2[%get3A_4, %get3A_5] : memref<2x256xf32, #tpu.memory_space<vmem>>, vector<1x256xf32>
    %div3A_7 = arith.constant 1.000000e+04 : f32
    %div3A_8 = vector.broadcast %div3A_7 : f32 to vector<1x256xf32>
    %div3A_9 = arith.divf %get3A_6, %div3A_8 : vector<1x256xf32>
    %mul3A = arith.mulf %div3A_3, %div3A_3 : vector<1x256xf32>
    %sub3A = arith.subf %div3A_9, %mul3A : vector<1x256xf32>
    %get3A_10 = arith.constant 0 : index
    %get3A_11 = arith.constant 0 : index
    %get3A_12 = vector.load %arg3[%get3A_10, %get3A_11] : memref<1x256xf32, #tpu.memory_space<vmem>>, vector<1x256xf32>
    %add3A = arith.constant 9.99999974E-6 : f32
    %add3A_13 = vector.broadcast %add3A : f32 to vector<1x256xf32>
    %add3A_14 = arith.addf %sub3A, %add3A_13 : vector<1x256xf32>
    %rsqrt3A = math.rsqrt %add3A_14 : vector<1x256xf32>
    %mul3A_15 = arith.mulf %get3A_12, %rsqrt3A : vector<1x256xf32>
    %get3A_16 = arith.constant 0 : index
    %get3A_17 = arith.constant 0 : index
    %get3A_18 = vector.load %arg1[%get3A_16, %get3A_17] : memref<2000x256xf32, #tpu.memory_space<vmem>>, vector<2000x256xf32>
    %sub3A_19 = vector.broadcast %div3A_3 : vector<1x256xf32> to vector<2000x256xf32>
    %sub3A_20 = arith.subf %get3A_18, %sub3A_19 : vector<2000x256xf32>
    %mul3A_21 = vector.broadcast %mul3A_15 : vector<1x256xf32> to vector<2000x256xf32>
    %mul3A_22 = arith.mulf %sub3A_20, %mul3A_21 : vector<2000x256xf32>
    %get3A_23 = arith.constant 0 : index
    %get3A_24 = arith.constant 0 : index
    %get3A_25 = vector.load %arg4[%get3A_23, %get3A_24] : memref<1x256xf32, #tpu.memory_space<vmem>>, vector<1x256xf32>
    %add3A_26 = vector.broadcast %get3A_25 : vector<1x256xf32> to vector<2000x256xf32>
    %add3A_27 = arith.addf %mul3A_22, %add3A_26 : vector<2000x256xf32>
    %get3A_28 = arith.constant 0 : index
    %get3A_29 = arith.constant 0 : index
    %get3A_30 = vector.load %arg5[%get3A_28, %get3A_29] : memref<2000x256xf32, #tpu.memory_space<vmem>>, vector<2000x256xf32>
    %add3A_31 = arith.addf %add3A_27, %get3A_30 : vector<2000x256xf32>
    %max3A = arith.constant 0.000000e+00 : f32
    %max3A_32 = vector.broadcast %max3A : f32 to vector<2000x256xf32>
    %max3A_33 = arith.maximumf %add3A_31, %max3A_32 : vector<2000x256xf32>
    %swap3A = arith.constant 0 : index
    %swap3A_34 = arith.constant 0 : index
    %swap3A_35 = vector.load %arg6[%swap3A, %swap3A_34] : memref<2000x256xf32, #tpu.memory_space<vmem>>, vector<2000x256xf32>
    tpu.vector_store %arg6[%swap3A, %swap3A_34], %max3A_33 {strides = array<i32>} : memref<2000x256xf32, #tpu.memory_space<vmem>>, vector<2000x256xf32>,
    return
  }
  func.func @transform_0(%arg0: i32) -> (i32, i32) {
    %c0_i32 = arith.constant 0 : i32
    %c0_i32_0 = arith.constant 0 : i32
    return %arg0, %c0_i32 : i32, i32
  }
  func.func @transform_1(%arg0: i32) -> (i32, i32) {
    %c0_i32 = arith.constant 0 : i32
    %c0_i32_0 = arith.constant 0 : i32
    %c0_i32_1 = arith.constant 0 : i32
    return %c0_i32, %c0_i32_0 : i32, i32
  }
  func.func @transform_2(%arg0: i32) -> (i32, i32) {
    %c0_i32 = arith.constant 0 : i32
    %c0_i32_0 = arith.constant 0 : i32
    %c0_i32_1 = arith.constant 0 : i32
    return %c0_i32, %c0_i32_0 : i32, i32
  }
  func.func @transform_3(%arg0: i32) -> (i32, i32) {
    %c0_i32 = arith.constant 0 : i32
    %c0_i32_0 = arith.constant 0 : i32
    %c0_i32_1 = arith.constant 0 : i32
    return %c0_i32, %c0_i32_0 : i32, i32
  }
  func.func @transform_4(%arg0: i32) -> (i32, i32) {
    %c0_i32 = arith.constant 0 : i32
    %c0_i32_0 = arith.constant 0 : i32
    return %arg0, %c0_i32 : i32, i32
  }
  func.func @transform_5(%arg0: i32) -> (i32, i32) {
    %c0_i32 = arith.constant 0 : i32
    %c0_i32_0 = arith.constant 0 : i32
    return %arg0, %c0_i32 : i32, i32
  }
}

</mosaic_0001>

<sc_bundles>
// kernel: kernel.10.cloned.1.call-start
scs
__scs_entry_jumppad:
0x0: {  	(pc) =	sbr.rel $0x88, $3  }
0x1: {  	(tag) =	ssettag $0x0;
	lr =	simm.s32 $0x1  }
0x2: {  	[smem:$0x3F97] =	sst lr;
	_ =	strace $0xD0000000  }
0x3: {  	_ = 	snop  }
0x4: {  	_ = 	snop  }
0x5: {  	_ = 	snop  }
0x6: {  	_ = 	snop  }
0x7: {  	_ = 	snop  }
__scs_overlays_trampoline_lowered:
0x8: {  	[smem:$0x3FA6] =	sst s0  }
0x9: {  	[smem:$0x3FA7] =	sst s1  }
0xa: {  	[smem:$0x3FA8] =	sst s2  }
0xb: {  	[smem:$0x3FA9] =	sst s3  }
0xc: {  	[smem:$0x3FAA] =	sst s4  }
0xd: {  	[smem:$0x3FAB] =	sst s5  }
0xe: {  	[smem:$0x3FAC] =	sst s6  }
0xf: {  	[smem:$0x3FAD] =	sst s7  }
0x10: {  	[smem:$0x3FAE] =	sst s8  }
0x11: {  	[smem:$0x3FAF] =	sst s9;
	s0 =	simm.s32 @!p0 $0x0  }
0x12: {  	s1 =	sld [smem:$0x3F95];
	s0 =	simm.s32 @p0 $0x1  }
0x13: {  	[smem:$0x3FB0] =	sst s0;
	s0 =	simm.s32 @!p1 $0x0  }
0x14: {  	s2 =	sld [smem:$0x3F94];
	s0 =	simm.s32 @p1 $0x1  }
0x15: {  	[smem:$0x3FB1] =	sst s0;
	s0 =	simm.s32 @!p2 $0x0  }
0x16: {  	s3 =	sld [smem:$0x3FDB];
	s0 =	simm.s32 @p2 $0x1  }
0x17: {  	s4 =	simm.s32 $0x1BF5;
	[smem:$0x3FB3] =	sst s0  }
0x18: {  	s0 =	sld [smem:$0x3F96];
	_ =	swait.ge [sflag:s4], $0x0  }
0x19: {  	s7 =	sld [smem:$0x3F97]  }
0x1a: {  	s8 =	sadd.s32 $0xFFFFE003, lr  }
0x1b: {  	s9 =	sadd.s32 $0xFFFFFEF7, lr;
	s5 =	simm.s32 $0xFFFFFFFF;
	p2 =	slt.u32 s8, $0xFFFFF086  }
0x1c: {  	p1 =	slt.u32 s9, $0xF7A;
	s5 =	simm.s32 @!p2 $0x0  }
0x1d: {  	s5 =	simm.s32 @p1 $0x1;
	p0 =	seq.s32 s7, s2  }
0x1e: {  	s7 =	smul.u32 @!p0 $0xF7A, s2;
	p2 =	seq.s32 @!p0 s5, $0x0  }
0x1f: {  	s9 =	smul.u32 $0xF7A, s1;
	s8 =	simm.s32 @!p0 $0x1BF5;
	p2 =	por !p2, p0  }
0x20: {  	[sflag:s8] =	ssyncset.s32 @!p0 $0xFFFFF086;
	s6 =	sadd.s32 @!p0 s3, s7;
	s7 =	simm.s32 @!p0 $0x108  }
0x21: {  	s3 =	sadd.s32 s3, s9;
	s6 =	sadd.s32 @!p0 $0x88, s6;
	s7 =	simm.s32 @p2 $0x1082  }
0x22: {  	[simem:s7], [sflag:s8] =	dma.local @!p0 [hbm:s6], $0xF7A  }
0x23: {  	s9 =	sor.u32 $0xD0000000, s2;
	s6 =	simm.s32 $0x108;
	_ =	swait.ge @!p0 [sflag:s8], $0x0  }
0x24: {  	s3 =	sadd.s32 $0x88, s3;
	s6 =	simm.s32 @!p1 $0x1082;
	[sflag:s4] =	ssyncset.s32 $0xFFFFF086  }
0x25: {  	[simem:s6], [sflag:s4] =	dma.local [hbm:s3], $0xF7A  }
0x26: {  	[smem:$0x3F97] =	sst s1;
	(tag) =	ssettag s2;
	_ =	strace s9  }
0x27: {  	s1 =	sld [smem:$0x3FA7]  }
0x28: {  	s2 =	sld [smem:$0x3FA8]  }
0x29: {  	s4 =	sld [smem:$0x3FAA]  }
0x2a: {  	p0 =	seq.s32 s5, $0x0;
	s5 =	sld [smem:$0x3FAB]  }
0x2b: {  	s6 =	sld [smem:$0x3FAC]  }
0x2c: {  	s7 =	sld [smem:$0x3FAD]  }
0x2d: {  	s3 =	simm.s32 $0x108;
	s8 =	sld [smem:$0x3FAE]  }
0x2e: {  	s3 =	simm.s32 @!p0 $0x1082;
	s9 =	sld [smem:$0x3FAF]  }
0x2f: {  	lr =	sadd.s32 s0, s3;
	s0 =	sld [smem:$0x3FA6]  }
0x30: {  	s3 =	sld [smem:$0x3FA9]  }
0x31: {  	[smem:$0x3FB2] =	sst s10  }
0x32: {  	s10 =	sld [smem:$0x3FB0];
	_ =	sdelay $0x3  }
0x33: {  	p0 =	seq.s32 s10, $0x1;
	s10 =	sld [smem:$0x3FB2];
	_ =	sdelay $0x3  }
0x34: {  	[smem:$0x3FB2] =	sst s10  }
0x35: {  	s10 =	sld [smem:$0x3FB1];
	_ =	sdelay $0x3  }
0x36: {  	p1 =	seq.s32 s10, $0x1;
	s10 =	sld [smem:$0x3FB2];
	_ =	sdelay $0x3  }
0x37: {  	[smem:$0x3FB2] =	sst s10  }
0x38: {  	s10 =	sld [smem:$0x3FB3]  }
0x39: {  	_ = 	snop;
	(pc) =	sbr.ind lr, $3  }
0x3a: {  	_ = 	snop  }
0x3b: {  	_ = 	snop  }
0x3c: {  	p2 =	seq.s32 s10, $0x1;
	s10 =	sld [smem:$0x3FB2]  }
0x3d: {  	_ =	shalt  }
0x3e: {  	_ =	shalt  }
0x3f: {  	_ =	shalt  }
0x40: {  	_ =	shalt  }
0x41: {  	_ =	shalt  }
0x42: {  	_ =	shalt  }
0x43: {  	_ =	shalt  }
0x44: {  	_ =	shalt  }
0x45: {  	_ =	shalt  }
0x46: {  	_ =	shalt  }
0x47: {  	_ =	shalt  }
0x48: {  	_ =	shalt  }
0x49: {  	_ =	shalt  }
0x4a: {  	_ =	shalt  }
0x4b: {  	_ =	shalt  }
0x4c: {  	_ =	shalt  }
0x4d: {  	_ =	shalt  }
0x4e: {  	_ =	shalt  }
0x4f: {  	_ =	shalt  }
0x50: {  	_ =	shalt  }
0x51: {  	_ =	shalt  }
0x52: {  	_ =	shalt  }
0x53: {  	_ =	shalt  }
0x54: {  	_ =	shalt  }
0x55: {  	_ =	shalt  }
0x56: {  	_ =	shalt  }
0x57: {  	_ =	shalt  }
0x58: {  	_ =	shalt  }
0x59: {  	_ =	shalt  }
0x5a: {  	_ =	shalt  }
0x5b: {  	_ =	shalt  }
0x5c: {  	_ =	shalt  }
0x5d: {  	_ =	shalt  }
0x5e: {  	_ =	shalt  }
0x5f: {  	_ =	shalt  }
0x60: {  	_ =	shalt  }
0x61: {  	_ =	shalt  }
0x62: {  	_ =	shalt  }
0x63: {  	_ =	shalt  }
0x64: {  	_ =	shalt  }
0x65: {  	_ =	shalt  }
0x66: {  	_ =	shalt  }
0x67: {  	_ =	shalt  }
0x68: {  	_ =	shalt  }
0x69: {  	_ =	shalt  }
0x6a: {  	_ =	shalt  }
0x6b: {  	_ =	shalt  }
0x6c: {  	_ =	shalt  }
0x6d: {  	_ =	shalt  }
0x6e: {  	_ =	shalt  }
0x6f: {  	_ =	shalt  }
0x70: {  	_ =	shalt  }
0x71: {  	_ =	shalt  }
0x72: {  	_ =	shalt  }
0x73: {  	_ =	shalt  }
0x74: {  	_ =	shalt  }
0x75: {  	_ =	shalt  }
0x76: {  	_ =	shalt  }
0x77: {  	_ =	shalt  }
0x78: {  	_ =	shalt  }
0x79: {  	_ =	shalt  }
0x7a: {  	_ =	shalt  }
0x7b: {  	_ =	shalt  }
0x7c: {  	_ =	shalt  }
0x7d: {  	_ =	shalt  }
0x7e: {  	_ =	shalt  }
0x7f: {  	_ =	shalt  }
0x80: {  	_ =	shalt  }
0x81: {  	_ =	shalt  }
0x82: {  	_ =	shalt  }
0x83: {  	_ =	shalt  }
0x84: {  	_ =	shalt  }
0x85: {  	_ =	shalt  }
0x86: {  	_ =	shalt  }
0x87: {  	_ =	shalt  }
.Lfunc_end0:
.L_simem_size_0:
called_computation_lowered:
.L_overlay_start_0:
0x88: {  	s2 =	sld [smem:$0x3FD9]  }
0x89: {  	s3 =	sld [smem:$0x3FFE];
	_ =	sdelay $0x1  }
0x8a: {  	s1 =	srdreg.scid  }
0x8b: {  	s0 =	sand.u32 $0x1, s1  }
0x8c: {  	s17 =	sshll.u32 s0, $0xA;
	s2 =	sadd.s32 s3, s2  }
0x8d: {  	s2 =	sadd.s32 s2, s17  }
0x8e: {  	[smem:$0x3FBE] =	sst s2  }
0x8f: {  	_ = 	snop  }
0x90: {  	s2 =	sld [smem:$0x3FD0];
	(tm) =	ssettm $0x1  }
0x91: {  	s18 =	sld [smem:$0x3FFB];
	_ =	sdelay $0x3  }
0x92: {  	_ =	strace s18  }
0x93: {  	s3 =	sld [smem:$0x3FFC];
	_ =	sdelay $0x3  }
0x94: {  	_ =	strace s3  }
0x95: {  	s3 =	sld [smem:$0x3FFD];
	_ =	sdelay $0x3  }
0x96: {  	_ =	strace s3  }
0x97: {  	_ =	strace $0x8FFFFFFF  }
0x98: {  	s19 =	sld [smem:$0x3FDB];
	_ =	sdelay $0x1  }
0x99: {  	s4 =	simm.s32 $_scs_section_size  }
0x9a: {  	s5 =	simm.s32 $_size__tile_overlayer_lowered;
	s6 =	simm.s32 $_tile_overlayer_lowered  }
0x9b: {  	s22 =	simm.s32 $0x1BFF;
	s21 =	sshll.u32 s6, $0x1;
	s3 =	sadd.s32 s4, s19  }
0x9c: {  	s7 =	simm.s32 $0x0;
	s20 =	sshll.u32 s5, $0x1;
	s5 =	sadd.s32 s21, s3  }
0x9d: {  	[timem:s7], [sflag:s22] =	dma.local [hbm:s5], s20  }
0x9e: {  	_ =	swait.ge [sflag:s22], s20  }
0x9f: {  	s4 =	ssub.s32 $0x0, s20;
	[sflag:s22] =	ssyncset.done $0x0  }
0xa0: {  	[sflag:s22] =	ssyncadd.s32 s4;
	_ =	sdelay $0x1  }
0xa1: {  	s23 =	simm.s32 $0x1B8B  }
0xa2: {  	_ =	swait.ge [sflag:s23], $0x1  }
0xa3: {  	[sflag:s23] =	ssyncset.done $0x0  }
0xa4: {  	s25 =	simm.s32 $0x1B8E;
	s24 =	sld [smem:$0x3FFE];
	[sflag:s23] =	ssyncadd.s32 $0xFFFFFFFF  }
0xa5: {  	s26 =	simm.s32 $execute0_lowered;
	[smem:$0x3FD2] =	sst s25  }
0xa6: {  	s5 =	sshll.u32 s26, $0x1;
	_ =	strace $0x80000046;
	[dreg:$0x1] =	wrdreg $0xFFFFFFFF  }
0xa7: {  	s28 =	simm.s32 $_size_execute0_lowered;
	s3 =	sadd.s32 s3, s5;
	[dreg:$0x0] =	wrdreg $0x0  }
0xa8: {  	s5 =	sshll.u32 s28, $0x1;
	[dreg:$0x2] =	wrdreg s3  }
0xa9: {  	[dreg:$0x3] =	wrdreg s5  }
0xaa: {  	[dreg:$0x4] =	wrdreg $0xC0  }
0xab: {  	_ =	task [dreg:s7], $0x5FFFF  }
0xac: {  	[dreg:$0x1] =	wrdreg $0xFFFFFFFF  }
0xad: {  	[dreg:$0x0] =	wrdreg $0x60  }
0xae: {  	[dreg:$0x2] =	wrdreg s2  }
0xaf: {  	[dreg:$0x3] =	wrdreg s24  }
0xb0: {  	[dreg:$0x4] =	wrdreg $0x54000  }
0xb1: {  	[dreg:$0x5] =	wrdreg $0x9  }
0xb2: {  	_ =	task.clear_ibuf [dreg:s7], $0x6FFFF;
	_ =	strace $0x90000046  }
0xb3: {  	s29 =	simm.s32 $0x9;
	_ =	strace $0x80000048  }
0xb4: {  	_ =	swait.ge [sflag:s29], $0x1  }
0xb5: {  	[sflag:s29] =	ssyncadd.s32 $0xFFFFFFFF  }
0xb6: {  	_ =	strace $0x90000048  }
0xb7: {  	_ =	sfence  }
0xb8: {  	s30 =	sld [smem:$0x0];
	_ =	sdelay $0x2  }
0xb9: {  	s31 =	sshll.u32 s1, $0xD;
	s1 =	sshrl.u32 s1, $0x2  }
0xba: {  	s3 =	sand.u32 $0x4000, s31;
	s1 =	sadd.s32 s1, s30  }
0xbb: {  	s0 =	sor.u32 s3, s0;
	s1 =	sshll.u32 s1, $0x11  }
0xbc: {  	s0 =	sor.u32 s1, s0  }
0xbd: {  	s0 =	sadd.s32 $0x8F2B, s0  }
0xbe: {  	[sflag:s0] =	ssyncadd.remote.s32 $0x1  }
0xbf: {  	_ =	sfence.sel $0xFFFF  }
0xc0: {  	[dreg:$0x0] =	wrdreg $0xFFFFFFFF;
	(pc) =	sbr.abs _section_cstart, $3  }
0xc1: {  	[dreg:$0x1] =	wrdreg $0xFFFFFFFF  }
0xc2: {  	_ =	task.clear_ibuf [dreg:s7], $0x2FFFF;
	_ =	strace $0x9FFFFFFF  }
0xc3: {  	(tm) =	ssettm $0x7FFFFFFF  }
tec
execute0_lowered:
.L_overlay_start_1:
0x0: {  	(tag) =	ssettag $0x1  }
0x1: {  	s6 =	rddreg [dreg:$0x0]  }
0x2: {  	s7 =	rddreg [dreg:$0x1];
	s0 =	srdreg.scid  }
0x3: {  	s2 =	rddreg [dreg:$0x2];
	s1 =	stileid.u32  }
0x4: {  	s3 =	simm.s32 $0x0;
	s12 =	simm.s32 $0x2;
	s13 =	simm.s32 $0x28  }
0x5: {  	s14 =	simm.s32 $0x1;
	s15 =	simm.s32 $0x0;
	s8 =	sand.u32 $0x1, s0  }
0x6: {  	s9 =	smul.u32 $0x1F400, s1;
	[smem:$0x7FF] =	sst s3;
	s4 =	sadd.s32 $0x3000, s7  }
0x7: {  	s11 =	smul.u32 $0x7D000, s1;
	s31 =	sshll.u32 s1, $0xB;
	p0 =	sgt.u32 s1, $0x9  }
0x8: {  	s0 =	rddreg [dreg:$0x3];
	s5 =	smul.u32 $0x138800, s8;
	_ =	strace $0x80000047  }
0x9: {  	s10 =	ssub.s32 $0x2, s8;
	s8 =	sshll.u32 s8, $0xF;
	s6 =	sadd.s32 s6, s31  }
0xa: {  	s29 =	sshrl.u32 s10, $0x1;
	s30 =	sshrl.u32 s11, $0x2;
	s5 =	sadd.s32 s9, s5  }
0xb: {  	s6 =	sadd.s32 s8, s6;
	s11 =	sshll.u32 @!p0 s1, $0x6;
	s9 =	sshrl.u32 s5, $0x3  }
0xc: {  	s5 =	sadd.s32 $0x3400, s7;
	s7 =	sadd.s32 s9, s7;
	s9 =	ssub.s32 s10, s29  }
0xd: {  	s10 =	sadd.s32 s30, s2;
	s7 =	sadd.s32 $0x7400, s7;
	s8 =	smax.u32 s9, $0x1  }
0xe: {  	s9 =	sor.u32 @!p0 $0x1C02, s11;
	s10 =	sshrl.u32 @!p0 s10, $0x3;
	s11 =	simm.s32 $0x4000  }
.LBB2_1:
0xf: {  	[spmem:s10], [sflag:s9] =	dma.local @!p0 [hbm:s5], $0x3E80  }
0x10: {  	s16 =	simm.s32 @!p0 $0x2  }
0x11: {  	_ =	swait.ge @!p0 [sflag:s16], $0x3E80  }
0x12: {  	[sflag:s16] =	ssyncset.done @!p0 $0x0  }
0x13: {  	[sflag:s16] =	ssyncadd.s32 @!p0 $0xFFFFC180  }
0x14: {  	[tilespmem:s11], [sflag:$0x2] =	stream.linear.gather [hbm4b:s4+s3], $0x1400, $0x38;
	[tilespmem:$0x18C80] =	vst v63  }
0x15: {  	_ =	swait.ge [sflag:s12], $0x1400  }
0x16: {  	[sflag:s12] =	ssyncset.done $0x0  }
0x17: {  	[sflag:s12] =	ssyncadd.s32 $0xFFFFEC00  }
0x18: {  	[tilespmem:s3], [sflag:$0x2] =	stream.linear.gather [hbm4b:s6+s3], $0x3E80, $0x38;
	[tilespmem:$0x18C80] =	vst v63  }
0x19: {  	_ =	swait.ge [sflag:s12], $0x3E80  }
0x1a: {  	[sflag:s12] =	ssyncset.done $0x0  }
0x1b: {  	[sflag:s12] =	ssyncadd.s32 $0xFFFFC180  }
0x1c: {  	s26 =	simm.s32 $0x0;
	[bflag:$0x0] =	sbarrier.arrive $0xFFFF  }
0x1d: {  	[spmem:s2] =	stream.indirect.scatter.add.f32 [tilespmem:s11], [sflag:$0x1], $0x80, s26, s13, $0xb8;
	[tilespmem:$0x18C80] =	vst v63  }
0x1e: {  	s28 =	simm.s32 $0x80  }
0x1f: {  	[spmem:s2] =	stream.indirect.scatter.add.f32 [tilespmem:s11], [sflag:$0x1], $0x80, s28, s13, $0xb8;
	[tilespmem:$0x18C80] =	vst v63  }
0x20: {  	s29 =	simm.s32 $0x100  }
0x21: {  	[spmem:s2] =	stream.indirect.scatter.add.f32 [tilespmem:s11], [sflag:$0x1], $0x80, s29, s13, $0xb8;
	[tilespmem:$0x18C80] =	vst v63  }
0x22: {  	s30 =	simm.s32 $0x180  }
0x23: {  	[spmem:s2] =	stream.indirect.scatter.add.f32 [tilespmem:s11], [sflag:$0x1], $0x80, s30, s13, $0xb8;
	[tilespmem:$0x18C80] =	vst v63  }
0x24: {  	s31 =	simm.s32 $0x200  }
0x25: {  	[spmem:s2] =	stream.indirect.scatter.add.f32 [tilespmem:s11], [sflag:$0x1], $0x80, s31, s13, $0xb8;
	[tilespmem:$0x18C80] =	vst v63  }
0x26: {  	_ =	swait.ge [sflag:s14], $0x1400  }
0x27: {  	[sflag:s14] =	ssyncset.done $0x0  }
0x28: {  	[sflag:s14] =	ssyncadd.s32 $0xFFFFEC00  }
0x29: {  	_ =	swait.ge [sflag:s14], $0x1400  }
0x2a: {  	[sflag:s14] =	ssyncset.done $0x0  }
0x2b: {  	[sflag:s14] =	ssyncadd.s32 $0xFFFFEC00  }
0x2c: {  	_ =	swait.ge [sflag:s14], $0x1400  }
0x2d: {  	[sflag:s14] =	ssyncset.done $0x0  }
0x2e: {  	[sflag:s14] =	ssyncadd.s32 $0xFFFFEC00  }
0x2f: {  	_ =	swait.ge [sflag:s14], $0x1400  }
0x30: {  	[sflag:s14] =	ssyncset.done $0x0  }
0x31: {  	[sflag:s14] =	ssyncadd.s32 $0xFFFFEC00  }
0x32: {  	_ =	swait.ge [sflag:s14], $0x1400  }
0x33: {  	s17 =	simm.s32 $0x1400;
	s16 =	simm.s32 $0xA00;
	[sflag:s14] =	ssyncset.done $0x0  }
.LBB2_2:
0x34: {  	s18 =	sshra.s32 s16, $0x2  }
0x35: {  	[sflag:s14] =	ssyncadd.s32 $0xFFFFEC00;
	s16 =	smov.u32 s17;
	s19 =	sadd.s32 $0xA00, s17  }
0x36: {  	[spmem:s2] =	stream.indirect.scatter.add.f32 [tilespmem:s11], [sflag:$0x1], $0x80, s18, s13, $0xb8;
	[tilespmem:$0x18C80] =	vst v63  }
0x37: {  	p1 =	sne.s32 s17, $0xF000;
	s17 =	sadd.s32 $0x80, s18  }
0x38: {  	[spmem:s2] =	stream.indirect.scatter.add.f32 [tilespmem:s11], [sflag:$0x1], $0x80, s17, s13, $0xb8;
	[tilespmem:$0x18C80] =	vst v63  }
0x39: {  	s17 =	sadd.s32 $0x100, s18  }
0x3a: {  	[spmem:s2] =	stream.indirect.scatter.add.f32 [tilespmem:s11], [sflag:$0x1], $0x80, s17, s13, $0xb8;
	[tilespmem:$0x18C80] =	vst v63  }
0x3b: {  	s17 =	sadd.s32 $0x180, s18  }
0x3c: {  	[spmem:s2] =	stream.indirect.scatter.add.f32 [tilespmem:s11], [sflag:$0x1], $0x80, s17, s13, $0xb8;
	[tilespmem:$0x18C80] =	vst v63  }
0x3d: {  	s17 =	sadd.s32 $0x200, s18  }
0x3e: {  	[spmem:s2] =	stream.indirect.scatter.add.f32 [tilespmem:s11], [sflag:$0x1], $0x80, s17, s13, $0xb8;
	[tilespmem:$0x18C80] =	vst v63  }
0x3f: {  	_ =	swait.ge [sflag:s14], $0x1400  }
0x40: {  	[sflag:s14] =	ssyncset.done $0x0  }
0x41: {  	[sflag:s14] =	ssyncadd.s32 $0xFFFFEC00  }
0x42: {  	_ =	swait.ge [sflag:s14], $0x1400  }
0x43: {  	[sflag:s14] =	ssyncset.done $0x0  }
0x44: {  	[sflag:s14] =	ssyncadd.s32 $0xFFFFEC00  }
0x45: {  	_ =	swait.ge [sflag:s14], $0x1400  }
0x46: {  	[sflag:s14] =	ssyncset.done $0x0  }
0x47: {  	[sflag:s14] =	ssyncadd.s32 $0xFFFFEC00  }
.Ltmp0:
0x48: {  	_ =	swait.ge [sflag:s14], $0x1400;
	(pc) =	sbr.rel @p1 .LBB2_2-.Ltmp0, $4  }
0x49: {  	[sflag:s14] =	ssyncset.done $0x0  }
0x4a: {  	[sflag:s14] =	ssyncadd.s32 $0xFFFFEC00  }
0x4b: {  	_ =	swait.ge [sflag:s14], $0x1400  }
0x4c: {  	s17 =	smov.u32 s19;
	[sflag:s14] =	ssyncset.done $0x0  }
0x4d: {  	s16 =	sshra.s32 s16, $0x2;
	[sflag:s14] =	ssyncadd.s32 $0xFFFFEC00  }
0x4e: {  	[spmem:s2] =	stream.indirect.scatter.add.f32 [tilespmem:s11], [sflag:$0x1], $0x80, s16, s13, $0xb8;
	[tilespmem:$0x18C80] =	vst v63  }
0x4f: {  	s17 =	sadd.s32 $0x80, s16  }
0x50: {  	[spmem:s2] =	stream.indirect.scatter.add.f32 [tilespmem:s11], [sflag:$0x1], $0x80, s17, s13, $0xb8;
	[tilespmem:$0x18C80] =	vst v63  }
0x51: {  	s30 =	sadd.s32 $0x100, s16  }
0x52: {  	[spmem:s2] =	stream.indirect.scatter.add.f32 [tilespmem:s11], [sflag:$0x1], $0x80, s30, s13, $0xb8;
	[tilespmem:$0x18C80] =	vst v63  }
0x53: {  	s31 =	sadd.s32 $0x180, s16  }
0x54: {  	[spmem:s2] =	stream.indirect.scatter.add.f32 [tilespmem:s11], [sflag:$0x1], $0x80, s31, s13, $0xb8;
	[tilespmem:$0x18C80] =	vst v63  }
0x55: {  	s16 =	sadd.s32 $0x200, s16  }
0x56: {  	[spmem:s2] =	stream.indirect.scatter.add.f32 [tilespmem:s11], [sflag:$0x1], $0x80, s16, s13, $0xb8;
	[tilespmem:$0x18C80] =	vst v63  }
0x57: {  	_ =	swait.ge [sflag:s14], $0x1400  }
0x58: {  	[sflag:s14] =	ssyncset.done $0x0  }
0x59: {  	[sflag:s14] =	ssyncadd.s32 $0xFFFFEC00  }
0x5a: {  	_ =	swait.ge [sflag:s14], $0x1400  }
0x5b: {  	[sflag:s14] =	ssyncset.done $0x0  }
0x5c: {  	[sflag:s14] =	ssyncadd.s32 $0xFFFFEC00  }
0x5d: {  	_ =	swait.ge [sflag:s14], $0x1400  }
0x5e: {  	[sflag:s14] =	ssyncset.done $0x0  }
0x5f: {  	[sflag:s14] =	ssyncadd.s32 $0xFFFFEC00  }
0x60: {  	_ =	swait.ge [sflag:s14], $0x1400  }
0x61: {  	[sflag:s14] =	ssyncset.done $0x0  }
0x62: {  	[sflag:s14] =	ssyncadd.s32 $0xFFFFEC00  }
0x63: {  	_ =	swait.ge [sflag:s14], $0x1400  }
0x64: {  	s15 =	sadd.s32 $0x1, s15;
	[sflag:s14] =	ssyncset.done $0x0  }
0x65: {  	p1 =	sne.s32 s15, s8;
	[sflag:s14] =	ssyncadd.s32 $0xFFFFEC00  }
.Ltmp1:
0x66: {  	s16 =	simm.s32 @!p0 $0x2;
	[bflag:$0x0] =	sbarrier.arrive $0xFFFF;
	(pc) =	sbr.rel @p1 .LBB2_1-.Ltmp1, $4  }
0x67: {  	[hbm:s7], [sflag:s9] =	dma.local @!p0 [spmem:s10], $0x3E80  }
0x68: {  	_ =	swait.ge @!p0 [sflag:s16], $0x3E80  }
0x69: {  	[sflag:s16] =	ssyncset.done @!p0 $0x0  }
0x6a: {  	[sflag:s16] =	ssyncadd.s32 @!p0 $0xFFFFC180  }
0x6b: {  	_ =	sfence.sel $0x180000  }
0x6c: {  	[bflag:$0x0] =	sbarrier.arrive $0xFFFF  }
0x6d: {  	p0 =	sne.s32 s1, $0x0;
	_ =	strace $0x90000047  }
0x6e: {  	s0 =	sadd.s32 @!p0 $0x100000, s0;
	[bflag:$0x2] =	sbarrier.arrive $0xFFFF  }
0x6f: {  	[sflag:s0] =	ssyncadd.tile.s32 @!p0 $0x1;
	_ =	shalt  }
.Lfunc_end2:
_tile_overlayer_lowered:
.L_overlay_start_2:
0x70: {  	(tag) =	ssettag $0x2  }
0x71: {  	s0 =	rddreg [dreg:$0x0];
	s2 =	stileid.u32  }
0x72: {  	s1 =	rddreg [dreg:$0x1];
	p0 =	sne.s32 s2, $0x0  }
0x73: {  	s3 =	rddreg [dreg:$0x2];
	[bflag:$0x3] =	sbarrier.arrive $0xFFFF;
	s2 =	simm.s32 @!p0 $0x1C02  }
0x74: {  	[timem:s3], [sflag:s2] =	dma.local @!p0 [hbm:s0], s1  }
0x75: {  	s0 =	simm.s32 @!p0 $0x2  }
0x76: {  	_ =	swait.ge @!p0 [sflag:s0], s1  }
0x77: {  	s1 =	ssub.s32 @!p0 $0x0, s1;
	[sflag:s0] =	ssyncset.done @!p0 $0x0  }
0x78: {  	[sflag:s0] =	ssyncadd.s32 @!p0 s1  }
0x79: {  	[bflag:$0x3] =	sbarrier.arrive $0xFFFF  }
0x7a: {  	_ =	shalt  }

// kernel: kernel.13.cloned.1.call-start
scs
__scs_entry_jumppad:
0x0: {  	(pc) =	sbr.rel $0x88, $3  }
0x1: {  	(tag) =	ssettag $0x0;
	lr =	simm.s32 $0x1  }
0x2: {  	[smem:$0x3F97] =	sst lr;
	_ =	strace $0xD0000000  }
0x3: {  	_ = 	snop  }
0x4: {  	_ = 	snop  }
0x5: {  	_ = 	snop  }
0x6: {  	_ = 	snop  }
0x7: {  	_ = 	snop  }
__scs_overlays_trampoline_lowered:
0x8: {  	[smem:$0x3FA6] =	sst s0  }
0x9: {  	[smem:$0x3FA7] =	sst s1  }
0xa: {  	[smem:$0x3FA8] =	sst s2  }
0xb: {  	[smem:$0x3FA9] =	sst s3  }
0xc: {  	[smem:$0x3FAA] =	sst s4  }
0xd: {  	[smem:$0x3FAB] =	sst s5  }
0xe: {  	[smem:$0x3FAC] =	sst s6  }
0xf: {  	[smem:$0x3FAD] =	sst s7  }
0x10: {  	[smem:$0x3FAE] =	sst s8  }
0x11: {  	[smem:$0x3FAF] =	sst s9;
	s0 =	simm.s32 @!p0 $0x0  }
0x12: {  	s1 =	sld [smem:$0x3F95];
	s0 =	simm.s32 @p0 $0x1  }
0x13: {  	[smem:$0x3FB0] =	sst s0;
	s0 =	simm.s32 @!p1 $0x0  }
0x14: {  	s2 =	sld [smem:$0x3F94];
	s0 =	simm.s32 @p1 $0x1  }
0x15: {  	[smem:$0x3FB1] =	sst s0;
	s0 =	simm.s32 @!p2 $0x0  }
0x16: {  	s3 =	sld [smem:$0x3FDB];
	s0 =	simm.s32 @p2 $0x1  }
0x17: {  	s4 =	simm.s32 $0x1BF5;
	[smem:$0x3FB3] =	sst s0  }
0x18: {  	s0 =	sld [smem:$0x3F96];
	_ =	swait.ge [sflag:s4], $0x0  }
0x19: {  	s7 =	sld [smem:$0x3F97]  }
0x1a: {  	s8 =	sadd.s32 $0xFFFFE003, lr  }
0x1b: {  	s9 =	sadd.s32 $0xFFFFFEF7, lr;
	s5 =	simm.s32 $0xFFFFFFFF;
	p2 =	slt.u32 s8, $0xFFFFF086  }
0x1c: {  	p1 =	slt.u32 s9, $0xF7A;
	s5 =	simm.s32 @!p2 $0x0  }
0x1d: {  	s5 =	simm.s32 @p1 $0x1;
	p0 =	seq.s32 s7, s2  }
0x1e: {  	s7 =	smul.u32 @!p0 $0xF7A, s2;
	p2 =	seq.s32 @!p0 s5, $0x0  }
0x1f: {  	s9 =	smul.u32 $0xF7A, s1;
	s8 =	simm.s32 @!p0 $0x1BF5;
	p2 =	por !p2, p0  }
0x20: {  	[sflag:s8] =	ssyncset.s32 @!p0 $0xFFFFF086;
	s6 =	sadd.s32 @!p0 s3, s7;
	s7 =	simm.s32 @!p0 $0x108  }
0x21: {  	s3 =	sadd.s32 s3, s9;
	s6 =	sadd.s32 @!p0 $0x88, s6;
	s7 =	simm.s32 @p2 $0x1082  }
0x22: {  	[simem:s7], [sflag:s8] =	dma.local @!p0 [hbm:s6], $0xF7A  }
0x23: {  	s9 =	sor.u32 $0xD0000000, s2;
	s6 =	simm.s32 $0x108;
	_ =	swait.ge @!p0 [sflag:s8], $0x0  }
0x24: {  	s3 =	sadd.s32 $0x88, s3;
	s6 =	simm.s32 @!p1 $0x1082;
	[sflag:s4] =	ssyncset.s32 $0xFFFFF086  }
0x25: {  	[simem:s6], [sflag:s4] =	dma.local [hbm:s3], $0xF7A  }
0x26: {  	[smem:$0x3F97] =	sst s1;
	(tag) =	ssettag s2;
	_ =	strace s9  }
0x27: {  	s1 =	sld [smem:$0x3FA7]  }
0x28: {  	s2 =	sld [smem:$0x3FA8]  }
0x29: {  	s4 =	sld [smem:$0x3FAA]  }
0x2a: {  	p0 =	seq.s32 s5, $0x0;
	s5 =	sld [smem:$0x3FAB]  }
0x2b: {  	s6 =	sld [smem:$0x3FAC]  }
0x2c: {  	s7 =	sld [smem:$0x3FAD]  }
0x2d: {  	s3 =	simm.s32 $0x108;
	s8 =	sld [smem:$0x3FAE]  }
0x2e: {  	s3 =	simm.s32 @!p0 $0x1082;
	s9 =	sld [smem:$0x3FAF]  }
0x2f: {  	lr =	sadd.s32 s0, s3;
	s0 =	sld [smem:$0x3FA6]  }
0x30: {  	s3 =	sld [smem:$0x3FA9]  }
0x31: {  	[smem:$0x3FB2] =	sst s10  }
0x32: {  	s10 =	sld [smem:$0x3FB0];
	_ =	sdelay $0x3  }
0x33: {  	p0 =	seq.s32 s10, $0x1;
	s10 =	sld [smem:$0x3FB2];
	_ =	sdelay $0x3  }
0x34: {  	[smem:$0x3FB2] =	sst s10  }
0x35: {  	s10 =	sld [smem:$0x3FB1];
	_ =	sdelay $0x3  }
0x36: {  	p1 =	seq.s32 s10, $0x1;
	s10 =	sld [smem:$0x3FB2];
	_ =	sdelay $0x3  }
0x37: {  	[smem:$0x3FB2] =	sst s10  }
0x38: {  	s10 =	sld [smem:$0x3FB3]  }
0x39: {  	_ = 	snop;
	(pc) =	sbr.ind lr, $3  }
0x3a: {  	_ = 	snop  }
0x3b: {  	_ = 	snop  }
0x3c: {  	p2 =	seq.s32 s10, $0x1;
	s10 =	sld [smem:$0x3FB2]  }
0x3d: {  	_ =	shalt  }
0x3e: {  	_ =	shalt  }
0x3f: {  	_ =	shalt  }
0x40: {  	_ =	shalt  }
0x41: {  	_ =	shalt  }
0x42: {  	_ =	shalt  }
0x43: {  	_ =	shalt  }
0x44: {  	_ =	shalt  }
0x45: {  	_ =	shalt  }
0x46: {  	_ =	shalt  }
0x47: {  	_ =	shalt  }
0x48: {  	_ =	shalt  }
0x49: {  	_ =	shalt  }
0x4a: {  	_ =	shalt  }
0x4b: {  	_ =	shalt  }
0x4c: {  	_ =	shalt  }
0x4d: {  	_ =	shalt  }
0x4e: {  	_ =	shalt  }
0x4f: {  	_ =	shalt  }
0x50: {  	_ =	shalt  }
0x51: {  	_ =	shalt  }
0x52: {  	_ =	shalt  }
0x53: {  	_ =	shalt  }
0x54: {  	_ =	shalt  }
0x55: {  	_ =	shalt  }
0x56: {  	_ =	shalt  }
0x57: {  	_ =	shalt  }
0x58: {  	_ =	shalt  }
0x59: {  	_ =	shalt  }
0x5a: {  	_ =	shalt  }
0x5b: {  	_ =	shalt  }
0x5c: {  	_ =	shalt  }
0x5d: {  	_ =	shalt  }
0x5e: {  	_ =	shalt  }
0x5f: {  	_ =	shalt  }
0x60: {  	_ =	shalt  }
0x61: {  	_ =	shalt  }
0x62: {  	_ =	shalt  }
0x63: {  	_ =	shalt  }
0x64: {  	_ =	shalt  }
0x65: {  	_ =	shalt  }
0x66: {  	_ =	shalt  }
0x67: {  	_ =	shalt  }
0x68: {  	_ =	shalt  }
0x69: {  	_ =	shalt  }
0x6a: {  	_ =	shalt  }
0x6b: {  	_ =	shalt  }
0x6c: {  	_ =	shalt  }
0x6d: {  	_ =	shalt  }
0x6e: {  	_ =	shalt  }
0x6f: {  	_ =	shalt  }
0x70: {  	_ =	shalt  }
0x71: {  	_ =	shalt  }
0x72: {  	_ =	shalt  }
0x73: {  	_ =	shalt  }
0x74: {  	_ =	shalt  }
0x75: {  	_ =	shalt  }
0x76: {  	_ =	shalt  }
0x77: {  	_ =	shalt  }
0x78: {  	_ =	shalt  }
0x79: {  	_ =	shalt  }
0x7a: {  	_ =	shalt  }
0x7b: {  	_ =	shalt  }
0x7c: {  	_ =	shalt  }
0x7d: {  	_ =	shalt  }
0x7e: {  	_ =	shalt  }
0x7f: {  	_ =	shalt  }
0x80: {  	_ =	shalt  }
0x81: {  	_ =	shalt  }
0x82: {  	_ =	shalt  }
0x83: {  	_ =	shalt  }
0x84: {  	_ =	shalt  }
0x85: {  	_ =	shalt  }
0x86: {  	_ =	shalt  }
0x87: {  	_ =	shalt  }
.Lfunc_end0:
.L_simem_size_0:
called_computation.1_lowered:
.L_overlay_start_0:
0x88: {  	s2 =	sld [smem:$0x3FD9]  }
0x89: {  	s3 =	sld [smem:$0x3FFE];
	_ =	sdelay $0x1  }
0x8a: {  	s1 =	srdreg.scid  }
0x8b: {  	s0 =	sand.u32 $0x1, s1  }
0x8c: {  	s17 =	sshll.u32 s0, $0xA;
	s2 =	sadd.s32 s3, s2  }
0x8d: {  	s2 =	sadd.s32 s2, s17  }
0x8e: {  	[smem:$0x3FBE] =	sst s2  }
0x8f: {  	_ = 	snop  }
0x90: {  	s2 =	sld [smem:$0x3FD0];
	(tm) =	ssettm $0x1  }
0x91: {  	s18 =	sld [smem:$0x3FFB];
	_ =	sdelay $0x3  }
0x92: {  	_ =	strace s18  }
0x93: {  	s3 =	sld [smem:$0x3FFC];
	_ =	sdelay $0x3  }
0x94: {  	_ =	strace s3  }
0x95: {  	s3 =	sld [smem:$0x3FFD];
	_ =	sdelay $0x3  }
0x96: {  	_ =	strace s3  }
0x97: {  	_ =	strace $0x8FFFFFFF  }
0x98: {  	s19 =	sld [smem:$0x3FDB];
	_ =	sdelay $0x1  }
0x99: {  	s4 =	simm.s32 $_scs_section_size  }
0x9a: {  	s5 =	simm.s32 $_size__tile_overlayer_lowered;
	s6 =	simm.s32 $_tile_overlayer_lowered  }
0x9b: {  	s22 =	simm.s32 $0x1BFF;
	s21 =	sshll.u32 s6, $0x1;
	s3 =	sadd.s32 s4, s19  }
0x9c: {  	s7 =	simm.s32 $0x0;
	s20 =	sshll.u32 s5, $0x1;
	s5 =	sadd.s32 s21, s3  }
0x9d: {  	[timem:s7], [sflag:s22] =	dma.local [hbm:s5], s20  }
0x9e: {  	_ =	swait.ge [sflag:s22], s20  }
0x9f: {  	s4 =	ssub.s32 $0x0, s20;
	[sflag:s22] =	ssyncset.done $0x0  }
0xa0: {  	[sflag:s22] =	ssyncadd.s32 s4;
	_ =	sdelay $0x1  }
0xa1: {  	s23 =	simm.s32 $0x1B8B  }
0xa2: {  	_ =	swait.ge [sflag:s23], $0x1  }
0xa3: {  	[sflag:s23] =	ssyncset.done $0x0  }
0xa4: {  	s25 =	simm.s32 $0x1B8E;
	s24 =	sld [smem:$0x3FFE];
	[sflag:s23] =	ssyncadd.s32 $0xFFFFFFFF  }
0xa5: {  	s26 =	simm.s32 $execute0_lowered;
	[smem:$0x3FD2] =	sst s25  }
0xa6: {  	s5 =	sshll.u32 s26, $0x1;
	_ =	strace $0x80000049;
	[dreg:$0x1] =	wrdreg $0xFFFFFFFF  }
0xa7: {  	s28 =	simm.s32 $_size_execute0_lowered;
	s3 =	sadd.s32 s3, s5;
	[dreg:$0x0] =	wrdreg $0x0  }
0xa8: {  	s5 =	sshll.u32 s28, $0x1;
	[dreg:$0x2] =	wrdreg s3  }
0xa9: {  	[dreg:$0x3] =	wrdreg s5  }
0xaa: {  	[dreg:$0x4] =	wrdreg $0xC0  }
0xab: {  	_ =	task [dreg:s7], $0x5FFFF  }
0xac: {  	[dreg:$0x1] =	wrdreg $0xFFFFFFFF  }
0xad: {  	[dreg:$0x0] =	wrdreg $0x60  }
0xae: {  	[dreg:$0x2] =	wrdreg s2  }
0xaf: {  	[dreg:$0x3] =	wrdreg s24  }
0xb0: {  	[dreg:$0x4] =	wrdreg $0x98000  }
0xb1: {  	[dreg:$0x5] =	wrdreg $0x9  }
0xb2: {  	_ =	task.clear_ibuf [dreg:s7], $0x6FFFF;
	_ =	strace $0x90000049  }
0xb3: {  	s29 =	simm.s32 $0x9;
	_ =	strace $0x8000004B  }
0xb4: {  	_ =	swait.ge [sflag:s29], $0x1  }
0xb5: {  	[sflag:s29] =	ssyncadd.s32 $0xFFFFFFFF  }
0xb6: {  	_ =	strace $0x9000004B  }
0xb7: {  	_ =	sfence  }
0xb8: {  	s30 =	sld [smem:$0x0];
	_ =	sdelay $0x2  }
0xb9: {  	s31 =	sshll.u32 s1, $0xD;
	s1 =	sshrl.u32 s1, $0x2  }
0xba: {  	s3 =	sand.u32 $0x4000, s31;
	s1 =	sadd.s32 s1, s30  }
0xbb: {  	s0 =	sor.u32 s3, s0;
	s1 =	sshll.u32 s1, $0x11  }
0xbc: {  	s0 =	sor.u32 s1, s0  }
0xbd: {  	s0 =	sadd.s32 $0x8F2B, s0  }
0xbe: {  	[sflag:s0] =	ssyncadd.remote.s32 $0x1  }
0xbf: {  	_ =	sfence.sel $0xFFFF  }
0xc0: {  	[dreg:$0x0] =	wrdreg $0xFFFFFFFF;
	(pc) =	sbr.abs _section_cstart, $3  }
0xc1: {  	[dreg:$0x1] =	wrdreg $0xFFFFFFFF  }
0xc2: {  	_ =	task.clear_ibuf [dreg:s7], $0x2FFFF;
	_ =	strace $0x9FFFFFFF  }
0xc3: {  	(tm) =	ssettm $0x7FFFFFFF  }
tec
execute0_lowered:
.L_overlay_start_1:
0x0: {  	(tag) =	ssettag $0x1  }
0x1: {  	s8 =	stileid.u32  }
0x2: {  	s0 =	srdreg.scid;
	s4 =	smul.u32 $0x5000, s8  }
0x3: {  	s1 =	rddreg [dreg:$0x0];
	s0 =	sand.u32 $0x1, s0;
	s6 =	smul.u32 $0xA00, s8  }
0x4: {  	s5 =	rddreg [dreg:$0x1];
	s2 =	smul.u32 $0x50000, s0  }
0x5: {  	s3 =	rddreg [dreg:$0x2]  }
0x6: {  	s6 =	sadd.s32 s6, s5;
	s2 =	sadd.s32 s2, s4;
	s4 =	simm.s32 $0x0  }
0x7: {  	s6 =	sadd.s32 $0x55600, s6;
	[smem:$0x7FF] =	sst s4  }
0x8: {  	s7 =	simm.s32 $0x80;
	_ =	strace $0x8000004A;
	[dreg:$0x5] =	wrdreg s6  }
0x9: {  	s9 =	simm.s32 $0x100;
	[dreg:$0x6] =	wrdreg s7  }
0xa: {  	s10 =	simm.s32 $0x180;
	[dreg:$0x7] =	wrdreg s9  }
0xb: {  	s11 =	simm.s32 $0x1080;
	[dreg:$0x8] =	wrdreg s10  }
0xc: {  	s12 =	simm.s32 $0x200;
	[dreg:$0x9] =	wrdreg s11  }
0xd: {  	s13 =	simm.s32 $0x1100;
	[dreg:$0xa] =	wrdreg s12  }
0xe: {  	s14 =	simm.s32 $0x280;
	[dreg:$0xb] =	wrdreg s13  }
0xf: {  	s16 =	simm.s32 $0x1180;
	[dreg:$0xc] =	wrdreg s14  }
0x10: {  	s17 =	simm.s32 $0x300;
	[dreg:$0xd] =	wrdreg s16  }
0x11: {  	s18 =	simm.s32 $0x1200;
	s19 =	simm.s32 $0x380;
	[dreg:$0xe] =	wrdreg s17  }
0x12: {  	s20 =	simm.s32 $0x1280;
	s21 =	simm.s32 $0x400;
	[dreg:$0xf] =	wrdreg s18  }
0x13: {  	s22 =	simm.s32 $0x1300;
	s24 =	simm.s32 $0x480;
	[dreg:$0x10] =	wrdreg s19  }
0x14: {  	s26 =	simm.s32 $0x1380;
	s28 =	simm.s32 $0x1A00;
	[dreg:$0x11] =	wrdreg s20  }
0x15: {  	s15 =	smul.u32 $0x138800, s0;
	s0 =	ssub.s32 $0x2, s0;
	[dreg:$0x12] =	wrdreg s21  }
0x16: {  	s29 =	simm.s32 $0xB80;
	s23 =	sshrl.u32 s0, $0x1;
	[dreg:$0x13] =	wrdreg s22  }
0x17: {  	s30 =	simm.s32 $0x1A80;
	s0 =	ssub.s32 s0, s23;
	[dreg:$0x14] =	wrdreg s24  }
0x18: {  	s31 =	simm.s32 $0xC00;
	s0 =	smax.u32 s0, $0x1;
	[dreg:$0x15] =	wrdreg s26  }
0x19: {  	s25 =	smul.u32 $0x7D000, s8;
	s23 =	simm.s32 $0x1700;
	[smem:$0x7F0] =	sst s0  }
0x1a: {  	p0 =	sgt.u32 s8, $0x9;
	s9 =	sadd.s32 $0x3400, s5;
	[smem:$0x7F4] =	sst s23  }
0x1b: {  	s2 =	sshrl.u32 s2, $0x3;
	s11 =	simm.s32 $0x1400;
	[smem:$0x7EE] =	sst s9  }
0x1c: {  	s2 =	sadd.s32 s2, s5;
	s12 =	simm.s32 $0x580;
	[dreg:$0x17] =	wrdreg s11  }
0x1d: {  	s7 =	smul.u32 $0x1F400, s8;
	s13 =	simm.s32 $0x1480;
	[dreg:$0x18] =	wrdreg s12  }
0x1e: {  	s10 =	sshrl.u32 s25, $0x2;
	s14 =	simm.s32 $0x600;
	[dreg:$0x19] =	wrdreg s13  }
0x1f: {  	s16 =	simm.s32 $0x680;
	s17 =	simm.s32 $0x1580;
	[dreg:$0x1a] =	wrdreg s14  }
0x20: {  	s18 =	simm.s32 $0x700;
	s19 =	simm.s32 $0x1600;
	[dreg:$0x1c] =	wrdreg s16  }
0x21: {  	s20 =	simm.s32 $0x780;
	s21 =	simm.s32 $0x1680;
	[dreg:$0x1d] =	wrdreg s17  }
0x22: {  	s22 =	simm.s32 $0x800;
	s24 =	simm.s32 $0x880;
	[dreg:$0x1e] =	wrdreg s18  }
0x23: {  	s25 =	simm.s32 $0x1780;
	s26 =	simm.s32 $0x900;
	[dreg:$0x1f] =	wrdreg s19  }
0x24: {  	s23 =	simm.s32 $0x1900;
	s0 =	simm.s32 $0x1B80;
	[smem:$0x7F1] =	sst s20  }
0x25: {  	s2 =	sadd.s32 $0x5F600, s2;
	s9 =	simm.s32 $0x500;
	[smem:$0x7F2] =	sst s21  }
0x26: {  	s11 =	simm.s32 $0x1000;
	s12 =	simm.s32 $0x50;
	[smem:$0x7F3] =	sst s22  }
0x27: {  	s13 =	simm.s32 $0x2000;
	s14 =	simm.s32 $0x4800;
	[smem:$0x7F5] =	sst s24  }
0x28: {  	s16 =	simm.s32 $0x1;
	s17 =	simm.s32 $0x4;
	[smem:$0x7F6] =	sst s25  }
0x29: {  	s18 =	simm.s32 $0x2;
	[smem:$0x7F7] =	sst s26;
	s19 =	simm.s32 $0x5  }
0x2a: {  	s20 =	simm.s32 $0x3;
	s21 =	simm.s32 $0x6;
	s22 =	simm.s32 $0xA00  }
0x2b: {  	s24 =	simm.s32 $0xA80;
	[dreg:$0x4] =	wrdreg s2;
	s6 =	sadd.s32 s7, s15  }
0x2c: {  	[dreg:$0x16] =	wrdreg s9;
	s15 =	simm.s32 $0x1500;
	s2 =	sshll.u32 @!p0 s8, $0x6  }
0x2d: {  	s7 =	simm.s32 $0x0;
	s6 =	sshrl.u32 s6, $0x3;
	[dreg:$0x1b] =	wrdreg s15  }
0x2e: {  	s8 =	sor.u32 @!p0 $0x1C07, s2;
	s2 =	simm.s32 $0x1800;
	[smem:$0x7FB] =	sst s7  }
0x2f: {  	s25 =	simm.s32 $0x1980;
	s5 =	sadd.s32 s6, s5;
	[smem:$0x7F8] =	sst s2  }
0x30: {  	s6 =	sadd.s32 s10, s3;
	[smem:$0x7FC] =	sst s8;
	s5 =	sadd.s32 $0x73600, s5  }
0x31: {  	s9 =	sshrl.u32 @!p0 s6, $0x3;
	s6 =	simm.s32 $0x1880;
	[smem:$0x7EF] =	sst s5  }
0x32: {  	s26 =	simm.s32 $0xB00;
	s15 =	simm.s32 $0x7000;
	[smem:$0x7FA] =	sst s6  }
0x33: {  	s10 =	simm.s32 $0x7;
	s5 =	simm.s32 $0x980;
	[smem:$0x7FD] =	sst s9  }
0x34: {  	s2 =	simm.s32 $0x1B00;
	[smem:$0x7F9] =	sst s5;
	s5 =	simm.s32 $0x1C00  }
.LBB2_1:
0x35: {  	s6 =	sld [smem:$0x7EE];
	_ =	sdelay $0x1  }
0x36: {  	s7 =	simm.s32 @!p0 $0x7  }
0x37: {  	[spmem:s9], [sflag:s8] =	dma.local @!p0 [hbm:s6], $0x3E80  }
0x38: {  	_ =	swait.ge @!p0 [sflag:s7], $0x3E80  }
0x39: {  	[sflag:s7] =	ssyncset.done @!p0 $0x0  }
0x3a: {  	[sflag:s7] =	ssyncadd.s32 @!p0 $0xFFFFC180  }
0x3b: {  	[bflag:$0x0] =	sbarrier.arrive $0xFFFF  }
0x3c: {  	s6 =	rddreg [dreg:$0x4]  }
0x3d: {  	s7 =	sadd.s32 $0x0, s6  }
0x3e: {  	[tilespmem:s4], [sflag:$0x7] =	stream.linear.gather [hbm4b:s7+s4], $0xC80, $0x38;
	[tilespmem:$0x1D080] =	vst v63  }
0x3f: {  	_ =	swait.ge [sflag:s10], $0xC80  }
0x40: {  	s8 =	rddreg [dreg:$0x5];
	[sflag:s10] =	ssyncset.done $0x0  }
0x41: {  	[sflag:s10] =	ssyncadd.s32 $0xFFFFF380;
	s7 =	sadd.s32 $0x0, s8  }
0x42: {  	[tilespmem:s11], [sflag:$0x7] =	stream.linear.gather [hbm4b:s7+s4], $0xC80, $0x38;
	[tilespmem:$0x1D080] =	vst v63  }
0x43: {  	_ =	swait.ge [sflag:s10], $0xC80  }
0x44: {  	[sflag:s10] =	ssyncset.done $0x0  }
0x45: {  	[sflag:s10] =	ssyncadd.s32 $0xFFFFF380  }
0x46: {  	[tilespmem:s13], [sflag:$0x1] =	stream.indirect.gather [hbm4b:s1+s12], $0x80, s4, s12, $0xb8;
	[tilespmem:$0x1D080] =	vst v63  }
0x47: {  	s9 =	rddreg [dreg:$0x6]  }
0x48: {  	[tilespmem:s14], [sflag:$0x2] =	stream.indirect.gather [hbm4b:s1+s12], $0x80, s9, s12, $0xb8;
	[tilespmem:$0x1D080] =	vst v63  }
0x49: {  	s6 =	rddreg [dreg:$0x7]  }
0x4a: {  	[tilespmem:s15], [sflag:$0x3] =	stream.indirect.gather [hbm4b:s1+s12], $0x80, s6, s12, $0xb8;
	[tilespmem:$0x1D080] =	vst v63  }
0x4b: {  	_ =	swait.ge [sflag:s16], $0x2800  }
0x4c: {  	[sflag:s16] =	ssyncset.done $0x0  }
0x4d: {  	[sflag:s16] =	ssyncadd.s32 $0xFFFFD800  }
0x4e: {  	[spmem:s3] =	stream.indirect.scatter.add.f32 [tilespmem:s13], [sflag:$0x4], $0x80, s11, s12, $0xb8;
	[tilespmem:$0x1D080] =	vst v63  }
0x4f: {  	_ =	swait.ge [sflag:s17], $0x2800  }
0x50: {  	[sflag:s17] =	ssyncset.done $0x0  }
0x51: {  	s9 =	rddreg [dreg:$0x8];
	[sflag:s17] =	ssyncadd.s32 $0xFFFFD800  }
0x52: {  	[tilespmem:s13], [sflag:$0x1] =	stream.indirect.gather [hbm4b:s1+s12], $0x80, s9, s12, $0xb8;
	[tilespmem:$0x1D080] =	vst v63  }
0x53: {  	_ =	swait.ge [sflag:s18], $0x2800  }
0x54: {  	[sflag:s18] =	ssyncset.done $0x0  }
0x55: {  	s6 =	rddreg [dreg:$0x9];
	[sflag:s18] =	ssyncadd.s32 $0xFFFFD800  }
0x56: {  	[spmem:s3] =	stream.indirect.scatter.add.f32 [tilespmem:s14], [sflag:$0x5], $0x80, s6, s12, $0xb8;
	[tilespmem:$0x1D080] =	vst v63  }
0x57: {  	_ =	swait.ge [sflag:s19], $0x2800  }
0x58: {  	[sflag:s19] =	ssyncset.done $0x0  }
0x59: {  	s8 =	rddreg [dreg:$0xa];
	[sflag:s19] =	ssyncadd.s32 $0xFFFFD800  }
0x5a: {  	[tilespmem:s14], [sflag:$0x2] =	stream.indirect.gather [hbm4b:s1+s12], $0x80, s8, s12, $0xb8;
	[tilespmem:$0x1D080] =	vst v63  }
0x5b: {  	_ =	swait.ge [sflag:s20], $0x2800  }
0x5c: {  	[sflag:s20] =	ssyncset.done $0x0  }
0x5d: {  	s9 =	rddreg [dreg:$0xb];
	[sflag:s20] =	ssyncadd.s32 $0xFFFFD800  }
0x5e: {  	[spmem:s3] =	stream.indirect.scatter.add.f32 [tilespmem:s15], [sflag:$0x6], $0x80, s9, s12, $0xb8;
	[tilespmem:$0x1D080] =	vst v63  }
0x5f: {  	_ =	swait.ge [sflag:s21], $0x2800  }
0x60: {  	[sflag:s21] =	ssyncset.done $0x0  }
0x61: {  	s6 =	rddreg [dreg:$0xc];
	[sflag:s21] =	ssyncadd.s32 $0xFFFFD800  }
0x62: {  	[tilespmem:s15], [sflag:$0x3] =	stream.indirect.gather [hbm4b:s1+s12], $0x80, s6, s12, $0xb8;
	[tilespmem:$0x1D080] =	vst v63  }
0x63: {  	_ =	swait.ge [sflag:s16], $0x2800  }
0x64: {  	[sflag:s16] =	ssyncset.done $0x0  }
0x65: {  	s8 =	rddreg [dreg:$0xd];
	[sflag:s16] =	ssyncadd.s32 $0xFFFFD800  }
0x66: {  	[spmem:s3] =	stream.indirect.scatter.add.f32 [tilespmem:s13], [sflag:$0x4], $0x80, s8, s12, $0xb8;
	[tilespmem:$0x1D080] =	vst v63  }
0x67: {  	_ =	swait.ge [sflag:s17], $0x2800  }
0x68: {  	[sflag:s17] =	ssyncset.done $0x0  }
0x69: {  	s9 =	rddreg [dreg:$0xe];
	[sflag:s17] =	ssyncadd.s32 $0xFFFFD800  }
0x6a: {  	[tilespmem:s13], [sflag:$0x1] =	stream.indirect.gather [hbm4b:s1+s12], $0x80, s9, s12, $0xb8;
	[tilespmem:$0x1D080] =	vst v63  }
0x6b: {  	_ =	swait.ge [sflag:s18], $0x2800  }
0x6c: {  	[sflag:s18] =	ssyncset.done $0x0  }
0x6d: {  	s6 =	rddreg [dreg:$0xf];
	[sflag:s18] =	ssyncadd.s32 $0xFFFFD800  }
0x6e: {  	[spmem:s3] =	stream.indirect.scatter.add.f32 [tilespmem:s14], [sflag:$0x5], $0x80, s6, s12, $0xb8;
	[tilespmem:$0x1D080] =	vst v63  }
0x6f: {  	_ =	swait.ge [sflag:s19], $0x2800  }
0x70: {  	[sflag:s19] =	ssyncset.done $0x0  }
0x71: {  	s8 =	rddreg [dreg:$0x10];
	[sflag:s19] =	ssyncadd.s32 $0xFFFFD800  }
0x72: {  	[tilespmem:s14], [sflag:$0x2] =	stream.indirect.gather [hbm4b:s1+s12], $0x80, s8, s12, $0xb8;
	[tilespmem:$0x1D080] =	vst v63  }
0x73: {  	_ =	swait.ge [sflag:s20], $0x2800  }
0x74: {  	[sflag:s20] =	ssyncset.done $0x0  }
0x75: {  	s9 =	rddreg [dreg:$0x11];
	[sflag:s20] =	ssyncadd.s32 $0xFFFFD800  }
0x76: {  	[spmem:s3] =	stream.indirect.scatter.add.f32 [tilespmem:s15], [sflag:$0x6], $0x80, s9, s12, $0xb8;
	[tilespmem:$0x1D080] =	vst v63  }
0x77: {  	_ =	swait.ge [sflag:s21], $0x2800  }
0x78: {  	[sflag:s21] =	ssyncset.done $0x0  }
0x79: {  	s6 =	rddreg [dreg:$0x12];
	[sflag:s21] =	ssyncadd.s32 $0xFFFFD800  }
0x7a: {  	[tilespmem:s15], [sflag:$0x3] =	stream.indirect.gather [hbm4b:s1+s12], $0x80, s6, s12, $0xb8;
	[tilespmem:$0x1D080] =	vst v63  }
0x7b: {  	_ =	swait.ge [sflag:s16], $0x2800  }
0x7c: {  	[sflag:s16] =	ssyncset.done $0x0  }
0x7d: {  	s8 =	rddreg [dreg:$0x13];
	[sflag:s16] =	ssyncadd.s32 $0xFFFFD800  }
0x7e: {  	[spmem:s3] =	stream.indirect.scatter.add.f32 [tilespmem:s13], [sflag:$0x4], $0x80, s8, s12, $0xb8;
	[tilespmem:$0x1D080] =	vst v63  }
0x7f: {  	_ =	swait.ge [sflag:s17], $0x2800  }
0x80: {  	[sflag:s17] =	ssyncset.done $0x0  }
0x81: {  	s9 =	rddreg [dreg:$0x14];
	[sflag:s17] =	ssyncadd.s32 $0xFFFFD800  }
0x82: {  	[tilespmem:s13], [sflag:$0x1] =	stream.indirect.gather [hbm4b:s1+s12], $0x80, s9, s12, $0xb8;
	[tilespmem:$0x1D080] =	vst v63  }
0x83: {  	_ =	swait.ge [sflag:s18], $0x2800  }
0x84: {  	[sflag:s18] =	ssyncset.done $0x0  }
0x85: {  	s6 =	rddreg [dreg:$0x15];
	[sflag:s18] =	ssyncadd.s32 $0xFFFFD800  }
0x86: {  	[spmem:s3] =	stream.indirect.scatter.add.f32 [tilespmem:s14], [sflag:$0x5], $0x80, s6, s12, $0xb8;
	[tilespmem:$0x1D080] =	vst v63  }
0x87: {  	_ =	swait.ge [sflag:s19], $0x2800  }
0x88: {  	[sflag:s19] =	ssyncset.done $0x0  }
0x89: {  	s8 =	rddreg [dreg:$0x16];
	[sflag:s19] =	ssyncadd.s32 $0xFFFFD800  }
0x8a: {  	[tilespmem:s14], [sflag:$0x2] =	stream.indirect.gather [hbm4b:s1+s12], $0x80, s8, s12, $0xb8;
	[tilespmem:$0x1D080] =	vst v63  }
0x8b: {  	_ =	swait.ge [sflag:s20], $0x2800  }
0x8c: {  	[sflag:s20] =	ssyncset.done $0x0  }
0x8d: {  	s9 =	rddreg [dreg:$0x17];
	[sflag:s20] =	ssyncadd.s32 $0xFFFFD800  }
0x8e: {  	[spmem:s3] =	stream.indirect.scatter.add.f32 [tilespmem:s15], [sflag:$0x6], $0x80, s9, s12, $0xb8;
	[tilespmem:$0x1D080] =	vst v63  }
0x8f: {  	_ =	swait.ge [sflag:s21], $0x2800  }
0x90: {  	[sflag:s21] =	ssyncset.done $0x0  }
0x91: {  	s6 =	rddreg [dreg:$0x18];
	[sflag:s21] =	ssyncadd.s32 $0xFFFFD800  }
0x92: {  	[tilespmem:s15], [sflag:$0x3] =	stream.indirect.gather [hbm4b:s1+s12], $0x80, s6, s12, $0xb8;
	[tilespmem:$0x1D080] =	vst v63  }
0x93: {  	_ =	swait.ge [sflag:s16], $0x2800  }
0x94: {  	[sflag:s16] =	ssyncset.done $0x0  }
0x95: {  	s8 =	rddreg [dreg:$0x19];
	[sflag:s16] =	ssyncadd.s32 $0xFFFFD800  }
0x96: {  	[spmem:s3] =	stream.indirect.scatter.add.f32 [tilespmem:s13], [sflag:$0x4], $0x80, s8, s12, $0xb8;
	[tilespmem:$0x1D080] =	vst v63  }
0x97: {  	_ =	swait.ge [sflag:s17], $0x2800  }
0x98: {  	[sflag:s17] =	ssyncset.done $0x0  }
0x99: {  	s9 =	rddreg [dreg:$0x1a];
	[sflag:s17] =	ssyncadd.s32 $0xFFFFD800  }
0x9a: {  	[tilespmem:s13], [sflag:$0x1] =	stream.indirect.gather [hbm4b:s1+s12], $0x80, s9, s12, $0xb8;
	[tilespmem:$0x1D080] =	vst v63  }
0x9b: {  	_ =	swait.ge [sflag:s18], $0x2800  }
0x9c: {  	[sflag:s18] =	ssyncset.done $0x0  }
0x9d: {  	s6 =	rddreg [dreg:$0x1b];
	[sflag:s18] =	ssyncadd.s32 $0xFFFFD800  }
0x9e: {  	[spmem:s3] =	stream.indirect.scatter.add.f32 [tilespmem:s14], [sflag:$0x5], $0x80, s6, s12, $0xb8;
	[tilespmem:$0x1D080] =	vst v63  }
0x9f: {  	_ =	swait.ge [sflag:s19], $0x2800  }
0xa0: {  	[sflag:s19] =	ssyncset.done $0x0  }
0xa1: {  	s8 =	rddreg [dreg:$0x1c];
	[sflag:s19] =	ssyncadd.s32 $0xFFFFD800  }
0xa2: {  	[tilespmem:s14], [sflag:$0x2] =	stream.indirect.gather [hbm4b:s1+s12], $0x80, s8, s12, $0xb8;
	[tilespmem:$0x1D080] =	vst v63  }
0xa3: {  	_ =	swait.ge [sflag:s20], $0x2800  }
0xa4: {  	[sflag:s20] =	ssyncset.done $0x0  }
0xa5: {  	s9 =	rddreg [dreg:$0x1d];
	[sflag:s20] =	ssyncadd.s32 $0xFFFFD800  }
0xa6: {  	[spmem:s3] =	stream.indirect.scatter.add.f32 [tilespmem:s15], [sflag:$0x6], $0x80, s9, s12, $0xb8;
	[tilespmem:$0x1D080] =	vst v63  }
0xa7: {  	_ =	swait.ge [sflag:s21], $0x2800  }
0xa8: {  	[sflag:s21] =	ssyncset.done $0x0  }
0xa9: {  	s6 =	rddreg [dreg:$0x1e];
	[sflag:s21] =	ssyncadd.s32 $0xFFFFD800  }
0xaa: {  	[tilespmem:s15], [sflag:$0x3] =	stream.indirect.gather [hbm4b:s1+s12], $0x80, s6, s12, $0xb8;
	[tilespmem:$0x1D080] =	vst v63  }
0xab: {  	_ =	swait.ge [sflag:s16], $0x2800  }
0xac: {  	[sflag:s16] =	ssyncset.done $0x0  }
0xad: {  	s8 =	rddreg [dreg:$0x1f];
	[sflag:s16] =	ssyncadd.s32 $0xFFFFD800  }
0xae: {  	[spmem:s3] =	stream.indirect.scatter.add.f32 [tilespmem:s13], [sflag:$0x4], $0x80, s8, s12, $0xb8;
	[tilespmem:$0x1D080] =	vst v63  }
0xaf: {  	_ =	swait.ge [sflag:s17], $0x2800  }
0xb0: {  	s9 =	sld [smem:$0x7F1]  }
0xb1: {  	[sflag:s17] =	ssyncset.done $0x0  }
0xb2: {  	[sflag:s17] =	ssyncadd.s32 $0xFFFFD800  }
0xb3: {  	[tilespmem:s13], [sflag:$0x1] =	stream.indirect.gather [hbm4b:s1+s12], $0x80, s9, s12, $0xb8;
	[tilespmem:$0x1D080] =	vst v63  }
0xb4: {  	_ =	swait.ge [sflag:s18], $0x2800  }
0xb5: {  	s6 =	sld [smem:$0x7F2]  }
0xb6: {  	[sflag:s18] =	ssyncset.done $0x0  }
0xb7: {  	[sflag:s18] =	ssyncadd.s32 $0xFFFFD800  }
0xb8: {  	[spmem:s3] =	stream.indirect.scatter.add.f32 [tilespmem:s14], [sflag:$0x5], $0x80, s6, s12, $0xb8;
	[tilespmem:$0x1D080] =	vst v63  }
0xb9: {  	_ =	swait.ge [sflag:s19], $0x2800  }
0xba: {  	s8 =	sld [smem:$0x7F3]  }
0xbb: {  	[sflag:s19] =	ssyncset.done $0x0  }
0xbc: {  	[sflag:s19] =	ssyncadd.s32 $0xFFFFD800  }
0xbd: {  	[tilespmem:s14], [sflag:$0x2] =	stream.indirect.gather [hbm4b:s1+s12], $0x80, s8, s12, $0xb8;
	[tilespmem:$0x1D080] =	vst v63  }
0xbe: {  	_ =	swait.ge [sflag:s20], $0x2800  }
0xbf: {  	s9 =	sld [smem:$0x7F4]  }
0xc0: {  	[sflag:s20] =	ssyncset.done $0x0  }
0xc1: {  	[sflag:s20] =	ssyncadd.s32 $0xFFFFD800  }
0xc2: {  	[spmem:s3] =	stream.indirect.scatter.add.f32 [tilespmem:s15], [sflag:$0x6], $0x80, s9, s12, $0xb8;
	[tilespmem:$0x1D080] =	vst v63  }
0xc3: {  	_ =	swait.ge [sflag:s21], $0x2800  }
0xc4: {  	s6 =	sld [smem:$0x7F5]  }
0xc5: {  	[sflag:s21] =	ssyncset.done $0x0  }
0xc6: {  	[sflag:s21] =	ssyncadd.s32 $0xFFFFD800  }
0xc7: {  	[tilespmem:s15], [sflag:$0x3] =	stream.indirect.gather [hbm4b:s1+s12], $0x80, s6, s12, $0xb8;
	[tilespmem:$0x1D080] =	vst v63  }
0xc8: {  	_ =	swait.ge [sflag:s16], $0x2800  }
0xc9: {  	s8 =	sld [smem:$0x7F6]  }
0xca: {  	[sflag:s16] =	ssyncset.done $0x0  }
0xcb: {  	[sflag:s16] =	ssyncadd.s32 $0xFFFFD800  }
0xcc: {  	[spmem:s3] =	stream.indirect.scatter.add.f32 [tilespmem:s13], [sflag:$0x4], $0x80, s8, s12, $0xb8;
	[tilespmem:$0x1D080] =	vst v63  }
0xcd: {  	_ =	swait.ge [sflag:s17], $0x2800  }
0xce: {  	s9 =	sld [smem:$0x7F7]  }
0xcf: {  	[sflag:s17] =	ssyncset.done $0x0  }
0xd0: {  	[sflag:s17] =	ssyncadd.s32 $0xFFFFD800  }
0xd1: {  	[tilespmem:s13], [sflag:$0x1] =	stream.indirect.gather [hbm4b:s1+s12], $0x80, s9, s12, $0xb8;
	[tilespmem:$0x1D080] =	vst v63  }
0xd2: {  	_ =	swait.ge [sflag:s18], $0x2800  }
0xd3: {  	s6 =	sld [smem:$0x7F8]  }
0xd4: {  	[sflag:s18] =	ssyncset.done $0x0  }
0xd5: {  	[sflag:s18] =	ssyncadd.s32 $0xFFFFD800  }
0xd6: {  	[spmem:s3] =	stream.indirect.scatter.add.f32 [tilespmem:s14], [sflag:$0x5], $0x80, s6, s12, $0xb8;
	[tilespmem:$0x1D080] =	vst v63  }
0xd7: {  	_ =	swait.ge [sflag:s19], $0x2800  }
0xd8: {  	s8 =	sld [smem:$0x7F9]  }
0xd9: {  	[sflag:s19] =	ssyncset.done $0x0  }
0xda: {  	[sflag:s19] =	ssyncadd.s32 $0xFFFFD800  }
0xdb: {  	[tilespmem:s14], [sflag:$0x2] =	stream.indirect.gather [hbm4b:s1+s12], $0x80, s8, s12, $0xb8;
	[tilespmem:$0x1D080] =	vst v63  }
0xdc: {  	_ =	swait.ge [sflag:s20], $0x2800  }
0xdd: {  	s9 =	sld [smem:$0x7FA]  }
0xde: {  	[sflag:s20] =	ssyncset.done $0x0  }
0xdf: {  	[sflag:s20] =	ssyncadd.s32 $0xFFFFD800  }
0xe0: {  	[spmem:s3] =	stream.indirect.scatter.add.f32 [tilespmem:s15], [sflag:$0x6], $0x80, s9, s12, $0xb8;
	[tilespmem:$0x1D080] =	vst v63  }
0xe1: {  	_ =	swait.ge [sflag:s21], $0x2800  }
0xe2: {  	[sflag:s21] =	ssyncset.done $0x0  }
0xe3: {  	[sflag:s21] =	ssyncadd.s32 $0xFFFFD800  }
0xe4: {  	[tilespmem:s15], [sflag:$0x3] =	stream.indirect.gather [hbm4b:s1+s12], $0x80, s22, s12, $0xb8;
	[tilespmem:$0x1D080] =	vst v63  }
0xe5: {  	_ =	swait.ge [sflag:s16], $0x2800  }
0xe6: {  	[sflag:s16] =	ssyncset.done $0x0  }
0xe7: {  	[sflag:s16] =	ssyncadd.s32 $0xFFFFD800  }
0xe8: {  	[spmem:s3] =	stream.indirect.scatter.add.f32 [tilespmem:s13], [sflag:$0x4], $0x80, s23, s12, $0xb8;
	[tilespmem:$0x1D080] =	vst v63  }
0xe9: {  	_ =	swait.ge [sflag:s17], $0x2800  }
0xea: {  	[sflag:s17] =	ssyncset.done $0x0  }
0xeb: {  	[sflag:s17] =	ssyncadd.s32 $0xFFFFD800  }
0xec: {  	[tilespmem:s13], [sflag:$0x1] =	stream.indirect.gather [hbm4b:s1+s12], $0x80, s24, s12, $0xb8;
	[tilespmem:$0x1D080] =	vst v63  }
0xed: {  	_ =	swait.ge [sflag:s18], $0x2800  }
0xee: {  	[sflag:s18] =	ssyncset.done $0x0  }
0xef: {  	[sflag:s18] =	ssyncadd.s32 $0xFFFFD800  }
0xf0: {  	[spmem:s3] =	stream.indirect.scatter.add.f32 [tilespmem:s14], [sflag:$0x5], $0x80, s25, s12, $0xb8;
	[tilespmem:$0x1D080] =	vst v63  }
0xf1: {  	_ =	swait.ge [sflag:s19], $0x2800  }
0xf2: {  	[sflag:s19] =	ssyncset.done $0x0  }
0xf3: {  	[sflag:s19] =	ssyncadd.s32 $0xFFFFD800  }
0xf4: {  	[tilespmem:s14], [sflag:$0x2] =	stream.indirect.gather [hbm4b:s1+s12], $0x80, s26, s12, $0xb8;
	[tilespmem:$0x1D080] =	vst v63  }
0xf5: {  	_ =	swait.ge [sflag:s20], $0x2800  }
0xf6: {  	[sflag:s20] =	ssyncset.done $0x0  }
0xf7: {  	[sflag:s20] =	ssyncadd.s32 $0xFFFFD800  }
0xf8: {  	[spmem:s3] =	stream.indirect.scatter.add.f32 [tilespmem:s15], [sflag:$0x6], $0x80, s28, s12, $0xb8;
	[tilespmem:$0x1D080] =	vst v63  }
0xf9: {  	_ =	swait.ge [sflag:s21], $0x2800  }
0xfa: {  	[sflag:s21] =	ssyncset.done $0x0  }
0xfb: {  	[sflag:s21] =	ssyncadd.s32 $0xFFFFD800  }
0xfc: {  	[tilespmem:s15], [sflag:$0x3] =	stream.indirect.gather [hbm4b:s1+s12], $0x80, s29, s12, $0xb8;
	[tilespmem:$0x1D080] =	vst v63  }
0xfd: {  	_ =	swait.ge [sflag:s16], $0x2800  }
0xfe: {  	[sflag:s16] =	ssyncset.done $0x0  }
0xff: {  	[sflag:s16] =	ssyncadd.s32 $0xFFFFD800  }
0x100: {  	[spmem:s3] =	stream.indirect.scatter.add.f32 [tilespmem:s13], [sflag:$0x4], $0x80, s30, s12, $0xb8;
	[tilespmem:$0x1D080] =	vst v63  }
0x101: {  	_ =	swait.ge [sflag:s17], $0x2800  }
0x102: {  	[sflag:s17] =	ssyncset.done $0x0  }
0x103: {  	[sflag:s17] =	ssyncadd.s32 $0xFFFFD800  }
0x104: {  	[tilespmem:s13], [sflag:$0x1] =	stream.indirect.gather [hbm4b:s1+s12], $0x80, s31, s12, $0xb8;
	[tilespmem:$0x1D080] =	vst v63  }
0x105: {  	_ =	swait.ge [sflag:s18], $0x2800  }
0x106: {  	[sflag:s18] =	ssyncset.done $0x0  }
0x107: {  	[sflag:s18] =	ssyncadd.s32 $0xFFFFD800  }
0x108: {  	[spmem:s3] =	stream.indirect.scatter.add.f32 [tilespmem:s14], [sflag:$0x5], $0x80, s2, s12, $0xb8;
	[tilespmem:$0x1D080] =	vst v63  }
0x109: {  	_ =	swait.ge [sflag:s19], $0x2800  }
0x10a: {  	[sflag:s19] =	ssyncset.done $0x0  }
0x10b: {  	[sflag:s19] =	ssyncadd.s32 $0xFFFFD800  }
0x10c: {  	_ =	swait.ge [sflag:s20], $0x2800  }
0x10d: {  	[sflag:s20] =	ssyncset.done $0x0  }
0x10e: {  	[sflag:s20] =	ssyncadd.s32 $0xFFFFD800  }
0x10f: {  	[spmem:s3] =	stream.indirect.scatter.add.f32 [tilespmem:s15], [sflag:$0x6], $0x80, s0, s12, $0xb8;
	[tilespmem:$0x1D080] =	vst v63  }
0x110: {  	_ =	swait.ge [sflag:s21], $0x2800  }
0x111: {  	[sflag:s21] =	ssyncset.done $0x0  }
0x112: {  	[sflag:s21] =	ssyncadd.s32 $0xFFFFD800  }
0x113: {  	_ =	swait.ge [sflag:s16], $0x2800  }
0x114: {  	[sflag:s16] =	ssyncset.done $0x0  }
0x115: {  	[sflag:s16] =	ssyncadd.s32 $0xFFFFD800  }
0x116: {  	[spmem:s3] =	stream.indirect.scatter.add.f32 [tilespmem:s13], [sflag:$0x4], $0x80, s5, s12, $0xb8;
	[tilespmem:$0x1D080] =	vst v63  }
0x117: {  	s7 =	simm.s32 $0x200;
	_ =	swait.ge [sflag:s17], $0x2800  }
0x118: {  	s8 =	simm.s32 $0x400;
	s9 =	rddreg [dreg:$0x4];
	[sflag:s17] =	ssyncset.done $0x0  }
.LBB2_2:
0x119: {  	[sflag:s17] =	ssyncadd.s32 $0xFFFFD800;
	s9 =	sadd.s32 s7, s9  }
0x11a: {  	[tilespmem:s4], [sflag:$0x7] =	stream.linear.gather [hbm4b:s9+s4], $0xC80, $0x38;
	[tilespmem:$0x1D080] =	vst v63  }
0x11b: {  	_ =	swait.ge [sflag:s10], $0xC80  }
0x11c: {  	s9 =	rddreg [dreg:$0x5];
	[sflag:s10] =	ssyncset.done $0x0  }
0x11d: {  	[sflag:s10] =	ssyncadd.s32 $0xFFFFF380;
	s9 =	sadd.s32 s7, s9  }
0x11e: {  	[tilespmem:s11], [sflag:$0x7] =	stream.linear.gather [hbm4b:s9+s4], $0xC80, $0x38;
	[tilespmem:$0x1D080] =	vst v63  }
0x11f: {  	_ =	swait.ge [sflag:s10], $0xC80  }
0x120: {  	[sflag:s10] =	ssyncset.done $0x0  }
0x121: {  	s6 =	smov.u32 s8;
	[sflag:s10] =	ssyncadd.s32 $0xFFFFF380  }
0x122: {  	[tilespmem:s13], [sflag:$0x1] =	stream.indirect.gather [hbm4b:s1+s12], $0x80, s4, s12, $0xb8;
	[tilespmem:$0x1D080] =	vst v63  }
0x123: {  	s7 =	smov.u32 s6;
	s6 =	rddreg [dreg:$0x6]  }
0x124: {  	[tilespmem:s14], [sflag:$0x2] =	stream.indirect.gather [hbm4b:s1+s12], $0x80, s6, s12, $0xb8;
	[tilespmem:$0x1D080] =	vst v63  }
0x125: {  	s9 =	rddreg [dreg:$0x7]  }
0x126: {  	[tilespmem:s15], [sflag:$0x3] =	stream.indirect.gather [hbm4b:s1+s12], $0x80, s9, s12, $0xb8;
	[tilespmem:$0x1D080] =	vst v63  }
0x127: {  	_ =	swait.ge [sflag:s16], $0x2800  }
0x128: {  	[sflag:s16] =	ssyncset.done $0x0  }
0x129: {  	[sflag:s16] =	ssyncadd.s32 $0xFFFFD800  }
0x12a: {  	[spmem:s3] =	stream.indirect.scatter.add.f32 [tilespmem:s13], [sflag:$0x4], $0x80, s11, s12, $0xb8;
	[tilespmem:$0x1D080] =	vst v63  }
0x12b: {  	_ =	swait.ge [sflag:s17], $0x2800  }
0x12c: {  	[sflag:s17] =	ssyncset.done $0x0  }
0x12d: {  	s9 =	rddreg [dreg:$0x8];
	[sflag:s17] =	ssyncadd.s32 $0xFFFFD800  }
0x12e: {  	[tilespmem:s13], [sflag:$0x1] =	stream.indirect.gather [hbm4b:s1+s12], $0x80, s9, s12, $0xb8;
	[tilespmem:$0x1D080] =	vst v63  }
0x12f: {  	_ =	swait.ge [sflag:s18], $0x2800  }
0x130: {  	[sflag:s18] =	ssyncset.done $0x0  }
0x131: {  	s9 =	rddreg [dreg:$0x9];
	[sflag:s18] =	ssyncadd.s32 $0xFFFFD800  }
0x132: {  	[spmem:s3] =	stream.indirect.scatter.add.f32 [tilespmem:s14], [sflag:$0x5], $0x80, s9, s12, $0xb8;
	[tilespmem:$0x1D080] =	vst v63  }
0x133: {  	_ =	swait.ge [sflag:s19], $0x2800  }
0x134: {  	[sflag:s19] =	ssyncset.done $0x0  }
0x135: {  	s9 =	rddreg [dreg:$0xa];
	[sflag:s19] =	ssyncadd.s32 $0xFFFFD800  }
0x136: {  	[tilespmem:s14], [sflag:$0x2] =	stream.indirect.gather [hbm4b:s1+s12], $0x80, s9, s12, $0xb8;
	[tilespmem:$0x1D080] =	vst v63  }
0x137: {  	_ =	swait.ge [sflag:s20], $0x2800  }
0x138: {  	[sflag:s20] =	ssyncset.done $0x0  }
0x139: {  	s9 =	rddreg [dreg:$0xb];
	[sflag:s20] =	ssyncadd.s32 $0xFFFFD800  }
0x13a: {  	[spmem:s3] =	stream.indirect.scatter.add.f32 [tilespmem:s15], [sflag:$0x6], $0x80, s9, s12, $0xb8;
	[tilespmem:$0x1D080] =	vst v63  }
0x13b: {  	_ =	swait.ge [sflag:s21], $0x2800  }
0x13c: {  	[sflag:s21] =	ssyncset.done $0x0  }
0x13d: {  	s9 =	rddreg [dreg:$0xc];
	[sflag:s21] =	ssyncadd.s32 $0xFFFFD800  }
0x13e: {  	[tilespmem:s15], [sflag:$0x3] =	stream.indirect.gather [hbm4b:s1+s12], $0x80, s9, s12, $0xb8;
	[tilespmem:$0x1D080] =	vst v63  }
0x13f: {  	_ =	swait.ge [sflag:s16], $0x2800  }
0x140: {  	[sflag:s16] =	ssyncset.done $0x0  }
0x141: {  	s9 =	rddreg [dreg:$0xd];
	[sflag:s16] =	ssyncadd.s32 $0xFFFFD800  }
0x142: {  	[spmem:s3] =	stream.indirect.scatter.add.f32 [tilespmem:s13], [sflag:$0x4], $0x80, s9, s12, $0xb8;
	[tilespmem:$0x1D080] =	vst v63  }
0x143: {  	_ =	swait.ge [sflag:s17], $0x2800  }
0x144: {  	[sflag:s17] =	ssyncset.done $0x0  }
0x145: {  	s9 =	rddreg [dreg:$0xe];
	[sflag:s17] =	ssyncadd.s32 $0xFFFFD800  }
0x146: {  	[tilespmem:s13], [sflag:$0x1] =	stream.indirect.gather [hbm4b:s1+s12], $0x80, s9, s12, $0xb8;
	[tilespmem:$0x1D080] =	vst v63  }
0x147: {  	_ =	swait.ge [sflag:s18], $0x2800  }
0x148: {  	[sflag:s18] =	ssyncset.done $0x0  }
0x149: {  	s9 =	rddreg [dreg:$0xf];
	[sflag:s18] =	ssyncadd.s32 $0xFFFFD800  }
0x14a: {  	[spmem:s3] =	stream.indirect.scatter.add.f32 [tilespmem:s14], [sflag:$0x5], $0x80, s9, s12, $0xb8;
	[tilespmem:$0x1D080] =	vst v63  }
0x14b: {  	_ =	swait.ge [sflag:s19], $0x2800  }
0x14c: {  	[sflag:s19] =	ssyncset.done $0x0  }
0x14d: {  	s9 =	rddreg [dreg:$0x10];
	[sflag:s19] =	ssyncadd.s32 $0xFFFFD800  }
0x14e: {  	[tilespmem:s14], [sflag:$0x2] =	stream.indirect.gather [hbm4b:s1+s12], $0x80, s9, s12, $0xb8;
	[tilespmem:$0x1D080] =	vst v63  }
0x14f: {  	_ =	swait.ge [sflag:s20], $0x2800  }
0x150: {  	[sflag:s20] =	ssyncset.done $0x0  }
0x151: {  	s9 =	rddreg [dreg:$0x11];
	[sflag:s20] =	ssyncadd.s32 $0xFFFFD800  }
0x152: {  	[spmem:s3] =	stream.indirect.scatter.add.f32 [tilespmem:s15], [sflag:$0x6], $0x80, s9, s12, $0xb8;
	[tilespmem:$0x1D080] =	vst v63  }
0x153: {  	_ =	swait.ge [sflag:s21], $0x2800  }
0x154: {  	[sflag:s21] =	ssyncset.done $0x0  }
0x155: {  	s9 =	rddreg [dreg:$0x12];
	[sflag:s21] =	ssyncadd.s32 $0xFFFFD800  }
0x156: {  	[tilespmem:s15], [sflag:$0x3] =	stream.indirect.gather [hbm4b:s1+s12], $0x80, s9, s12, $0xb8;
	[tilespmem:$0x1D080] =	vst v63  }
0x157: {  	_ =	swait.ge [sflag:s16], $0x2800  }
0x158: {  	[sflag:s16] =	ssyncset.done $0x0  }
0x159: {  	s9 =	rddreg [dreg:$0x13];
	[sflag:s16] =	ssyncadd.s32 $0xFFFFD800  }
0x15a: {  	[spmem:s3] =	stream.indirect.scatter.add.f32 [tilespmem:s13], [sflag:$0x4], $0x80, s9, s12, $0xb8;
	[tilespmem:$0x1D080] =	vst v63  }
0x15b: {  	_ =	swait.ge [sflag:s17], $0x2800  }
0x15c: {  	[sflag:s17] =	ssyncset.done $0x0  }
0x15d: {  	s9 =	rddreg [dreg:$0x14];
	[sflag:s17] =	ssyncadd.s32 $0xFFFFD800  }
0x15e: {  	[tilespmem:s13], [sflag:$0x1] =	stream.indirect.gather [hbm4b:s1+s12], $0x80, s9, s12, $0xb8;
	[tilespmem:$0x1D080] =	vst v63  }
0x15f: {  	_ =	swait.ge [sflag:s18], $0x2800  }
0x160: {  	[sflag:s18] =	ssyncset.done $0x0  }
0x161: {  	s9 =	rddreg [dreg:$0x15];
	[sflag:s18] =	ssyncadd.s32 $0xFFFFD800  }
0x162: {  	[spmem:s3] =	stream.indirect.scatter.add.f32 [tilespmem:s14], [sflag:$0x5], $0x80, s9, s12, $0xb8;
	[tilespmem:$0x1D080] =	vst v63  }
0x163: {  	_ =	swait.ge [sflag:s19], $0x2800  }
0x164: {  	[sflag:s19] =	ssyncset.done $0x0  }
0x165: {  	s9 =	rddreg [dreg:$0x16];
	[sflag:s19] =	ssyncadd.s32 $0xFFFFD800  }
0x166: {  	[tilespmem:s14], [sflag:$0x2] =	stream.indirect.gather [hbm4b:s1+s12], $0x80, s9, s12, $0xb8;
	[tilespmem:$0x1D080] =	vst v63  }
0x167: {  	_ =	swait.ge [sflag:s20], $0x2800  }
0x168: {  	[sflag:s20] =	ssyncset.done $0x0  }
0x169: {  	s9 =	rddreg [dreg:$0x17];
	[sflag:s20] =	ssyncadd.s32 $0xFFFFD800  }
0x16a: {  	[spmem:s3] =	stream.indirect.scatter.add.f32 [tilespmem:s15], [sflag:$0x6], $0x80, s9, s12, $0xb8;
	[tilespmem:$0x1D080] =	vst v63  }
0x16b: {  	_ =	swait.ge [sflag:s21], $0x2800  }
0x16c: {  	[sflag:s21] =	ssyncset.done $0x0  }
0x16d: {  	s9 =	rddreg [dreg:$0x18];
	[sflag:s21] =	ssyncadd.s32 $0xFFFFD800  }
0x16e: {  	[tilespmem:s15], [sflag:$0x3] =	stream.indirect.gather [hbm4b:s1+s12], $0x80, s9, s12, $0xb8;
	[tilespmem:$0x1D080] =	vst v63  }
0x16f: {  	_ =	swait.ge [sflag:s16], $0x2800  }
0x170: {  	[sflag:s16] =	ssyncset.done $0x0  }
0x171: {  	s9 =	rddreg [dreg:$0x19];
	[sflag:s16] =	ssyncadd.s32 $0xFFFFD800  }
0x172: {  	[spmem:s3] =	stream.indirect.scatter.add.f32 [tilespmem:s13], [sflag:$0x4], $0x80, s9, s12, $0xb8;
	[tilespmem:$0x1D080] =	vst v63  }
0x173: {  	_ =	swait.ge [sflag:s17], $0x2800  }
0x174: {  	[sflag:s17] =	ssyncset.done $0x0  }
0x175: {  	s9 =	rddreg [dreg:$0x1a];
	[sflag:s17] =	ssyncadd.s32 $0xFFFFD800  }
0x176: {  	[tilespmem:s13], [sflag:$0x1] =	stream.indirect.gather [hbm4b:s1+s12], $0x80, s9, s12, $0xb8;
	[tilespmem:$0x1D080] =	vst v63  }
0x177: {  	_ =	swait.ge [sflag:s18], $0x2800  }
0x178: {  	[sflag:s18] =	ssyncset.done $0x0  }
0x179: {  	s9 =	rddreg [dreg:$0x1b];
	[sflag:s18] =	ssyncadd.s32 $0xFFFFD800  }
0x17a: {  	[spmem:s3] =	stream.indirect.scatter.add.f32 [tilespmem:s14], [sflag:$0x5], $0x80, s9, s12, $0xb8;
	[tilespmem:$0x1D080] =	vst v63  }
0x17b: {  	_ =	swait.ge [sflag:s19], $0x2800  }
0x17c: {  	[sflag:s19] =	ssyncset.done $0x0  }
0x17d: {  	s9 =	rddreg [dreg:$0x1c];
	[sflag:s19] =	ssyncadd.s32 $0xFFFFD800  }
0x17e: {  	[tilespmem:s14], [sflag:$0x2] =	stream.indirect.gather [hbm4b:s1+s12], $0x80, s9, s12, $0xb8;
	[tilespmem:$0x1D080] =	vst v63  }
0x17f: {  	_ =	swait.ge [sflag:s20], $0x2800  }
0x180: {  	[sflag:s20] =	ssyncset.done $0x0  }
0x181: {  	s9 =	rddreg [dreg:$0x1d];
	[sflag:s20] =	ssyncadd.s32 $0xFFFFD800  }
0x182: {  	[spmem:s3] =	stream.indirect.scatter.add.f32 [tilespmem:s15], [sflag:$0x6], $0x80, s9, s12, $0xb8;
	[tilespmem:$0x1D080] =	vst v63  }
0x183: {  	_ =	swait.ge [sflag:s21], $0x2800  }
0x184: {  	[sflag:s21] =	ssyncset.done $0x0  }
0x185: {  	s9 =	rddreg [dreg:$0x1e];
	[sflag:s21] =	ssyncadd.s32 $0xFFFFD800  }
0x186: {  	[tilespmem:s15], [sflag:$0x3] =	stream.indirect.gather [hbm4b:s1+s12], $0x80, s9, s12, $0xb8;
	[tilespmem:$0x1D080] =	vst v63  }
0x187: {  	_ =	swait.ge [sflag:s16], $0x2800  }
0x188: {  	[sflag:s16] =	ssyncset.done $0x0  }
0x189: {  	s9 =	rddreg [dreg:$0x1f];
	[sflag:s16] =	ssyncadd.s32 $0xFFFFD800  }
0x18a: {  	[spmem:s3] =	stream.indirect.scatter.add.f32 [tilespmem:s13], [sflag:$0x4], $0x80, s9, s12, $0xb8;
	[tilespmem:$0x1D080] =	vst v63  }
0x18b: {  	_ =	swait.ge [sflag:s17], $0x2800  }
0x18c: {  	s9 =	sld [smem:$0x7F1]  }
0x18d: {  	[sflag:s17] =	ssyncset.done $0x0  }
0x18e: {  	[sflag:s17] =	ssyncadd.s32 $0xFFFFD800  }
0x18f: {  	[tilespmem:s13], [sflag:$0x1] =	stream.indirect.gather [hbm4b:s1+s12], $0x80, s9, s12, $0xb8;
	[tilespmem:$0x1D080] =	vst v63  }
0x190: {  	_ =	swait.ge [sflag:s18], $0x2800  }
0x191: {  	s9 =	sld [smem:$0x7F2]  }
0x192: {  	[sflag:s18] =	ssyncset.done $0x0  }
0x193: {  	[sflag:s18] =	ssyncadd.s32 $0xFFFFD800  }
0x194: {  	[spmem:s3] =	stream.indirect.scatter.add.f32 [tilespmem:s14], [sflag:$0x5], $0x80, s9, s12, $0xb8;
	[tilespmem:$0x1D080] =	vst v63  }
0x195: {  	_ =	swait.ge [sflag:s19], $0x2800  }
0x196: {  	s9 =	sld [smem:$0x7F3]  }
0x197: {  	[sflag:s19] =	ssyncset.done $0x0  }
0x198: {  	[sflag:s19] =	ssyncadd.s32 $0xFFFFD800  }
0x199: {  	[tilespmem:s14], [sflag:$0x2] =	stream.indirect.gather [hbm4b:s1+s12], $0x80, s9, s12, $0xb8;
	[tilespmem:$0x1D080] =	vst v63  }
0x19a: {  	_ =	swait.ge [sflag:s20], $0x2800  }
0x19b: {  	s9 =	sld [smem:$0x7F4]  }
0x19c: {  	[sflag:s20] =	ssyncset.done $0x0  }
0x19d: {  	[sflag:s20] =	ssyncadd.s32 $0xFFFFD800  }
0x19e: {  	[spmem:s3] =	stream.indirect.scatter.add.f32 [tilespmem:s15], [sflag:$0x6], $0x80, s9, s12, $0xb8;
	[tilespmem:$0x1D080] =	vst v63  }
0x19f: {  	_ =	swait.ge [sflag:s21], $0x2800  }
0x1a0: {  	s9 =	sld [smem:$0x7F5]  }
0x1a1: {  	[sflag:s21] =	ssyncset.done $0x0  }
0x1a2: {  	[sflag:s21] =	ssyncadd.s32 $0xFFFFD800  }
0x1a3: {  	[tilespmem:s15], [sflag:$0x3] =	stream.indirect.gather [hbm4b:s1+s12], $0x80, s9, s12, $0xb8;
	[tilespmem:$0x1D080] =	vst v63  }
0x1a4: {  	_ =	swait.ge [sflag:s16], $0x2800  }
0x1a5: {  	s9 =	sld [smem:$0x7F6]  }
0x1a6: {  	[sflag:s16] =	ssyncset.done $0x0  }
0x1a7: {  	[sflag:s16] =	ssyncadd.s32 $0xFFFFD800  }
0x1a8: {  	[spmem:s3] =	stream.indirect.scatter.add.f32 [tilespmem:s13], [sflag:$0x4], $0x80, s9, s12, $0xb8;
	[tilespmem:$0x1D080] =	vst v63  }
0x1a9: {  	_ =	swait.ge [sflag:s17], $0x2800  }
0x1aa: {  	s9 =	sld [smem:$0x7F7]  }
0x1ab: {  	[sflag:s17] =	ssyncset.done $0x0  }
0x1ac: {  	[sflag:s17] =	ssyncadd.s32 $0xFFFFD800  }
0x1ad: {  	[tilespmem:s13], [sflag:$0x1] =	stream.indirect.gather [hbm4b:s1+s12], $0x80, s9, s12, $0xb8;
	[tilespmem:$0x1D080] =	vst v63  }
0x1ae: {  	_ =	swait.ge [sflag:s18], $0x2800  }
0x1af: {  	s9 =	sld [smem:$0x7F8]  }
0x1b0: {  	[sflag:s18] =	ssyncset.done $0x0  }
0x1b1: {  	[sflag:s18] =	ssyncadd.s32 $0xFFFFD800  }
0x1b2: {  	[spmem:s3] =	stream.indirect.scatter.add.f32 [tilespmem:s14], [sflag:$0x5], $0x80, s9, s12, $0xb8;
	[tilespmem:$0x1D080] =	vst v63  }
0x1b3: {  	_ =	swait.ge [sflag:s19], $0x2800  }
0x1b4: {  	s9 =	sld [smem:$0x7F9]  }
0x1b5: {  	[sflag:s19] =	ssyncset.done $0x0  }
0x1b6: {  	[sflag:s19] =	ssyncadd.s32 $0xFFFFD800  }
0x1b7: {  	[tilespmem:s14], [sflag:$0x2] =	stream.indirect.gather [hbm4b:s1+s12], $0x80, s9, s12, $0xb8;
	[tilespmem:$0x1D080] =	vst v63  }
0x1b8: {  	_ =	swait.ge [sflag:s20], $0x2800  }
0x1b9: {  	s9 =	sld [smem:$0x7FA]  }
0x1ba: {  	[sflag:s20] =	ssyncset.done $0x0  }
0x1bb: {  	[sflag:s20] =	ssyncadd.s32 $0xFFFFD800  }
0x1bc: {  	[spmem:s3] =	stream.indirect.scatter.add.f32 [tilespmem:s15], [sflag:$0x6], $0x80, s9, s12, $0xb8;
	[tilespmem:$0x1D080] =	vst v63  }
0x1bd: {  	_ =	swait.ge [sflag:s21], $0x2800  }
0x1be: {  	[sflag:s21] =	ssyncset.done $0x0  }
0x1bf: {  	[sflag:s21] =	ssyncadd.s32 $0xFFFFD800  }
0x1c0: {  	[tilespmem:s15], [sflag:$0x3] =	stream.indirect.gather [hbm4b:s1+s12], $0x80, s22, s12, $0xb8;
	[tilespmem:$0x1D080] =	vst v63  }
0x1c1: {  	_ =	swait.ge [sflag:s16], $0x2800  }
0x1c2: {  	[sflag:s16] =	ssyncset.done $0x0  }
0x1c3: {  	[sflag:s16] =	ssyncadd.s32 $0xFFFFD800  }
0x1c4: {  	[spmem:s3] =	stream.indirect.scatter.add.f32 [tilespmem:s13], [sflag:$0x4], $0x80, s23, s12, $0xb8;
	[tilespmem:$0x1D080] =	vst v63  }
0x1c5: {  	_ =	swait.ge [sflag:s17], $0x2800  }
0x1c6: {  	[sflag:s17] =	ssyncset.done $0x0  }
0x1c7: {  	[sflag:s17] =	ssyncadd.s32 $0xFFFFD800  }
0x1c8: {  	[tilespmem:s13], [sflag:$0x1] =	stream.indirect.gather [hbm4b:s1+s12], $0x80, s24, s12, $0xb8;
	[tilespmem:$0x1D080] =	vst v63  }
0x1c9: {  	_ =	swait.ge [sflag:s18], $0x2800  }
0x1ca: {  	[sflag:s18] =	ssyncset.done $0x0  }
0x1cb: {  	[sflag:s18] =	ssyncadd.s32 $0xFFFFD800  }
0x1cc: {  	[spmem:s3] =	stream.indirect.scatter.add.f32 [tilespmem:s14], [sflag:$0x5], $0x80, s25, s12, $0xb8;
	[tilespmem:$0x1D080] =	vst v63  }
0x1cd: {  	_ =	swait.ge [sflag:s19], $0x2800  }
0x1ce: {  	[sflag:s19] =	ssyncset.done $0x0  }
0x1cf: {  	[sflag:s19] =	ssyncadd.s32 $0xFFFFD800  }
0x1d0: {  	[tilespmem:s14], [sflag:$0x2] =	stream.indirect.gather [hbm4b:s1+s12], $0x80, s26, s12, $0xb8;
	[tilespmem:$0x1D080] =	vst v63  }
0x1d1: {  	_ =	swait.ge [sflag:s20], $0x2800  }
0x1d2: {  	[sflag:s20] =	ssyncset.done $0x0  }
0x1d3: {  	[sflag:s20] =	ssyncadd.s32 $0xFFFFD800  }
0x1d4: {  	[spmem:s3] =	stream.indirect.scatter.add.f32 [tilespmem:s15], [sflag:$0x6], $0x80, s28, s12, $0xb8;
	[tilespmem:$0x1D080] =	vst v63  }
0x1d5: {  	_ =	swait.ge [sflag:s21], $0x2800  }
0x1d6: {  	[sflag:s21] =	ssyncset.done $0x0  }
0x1d7: {  	[sflag:s21] =	ssyncadd.s32 $0xFFFFD800  }
0x1d8: {  	[tilespmem:s15], [sflag:$0x3] =	stream.indirect.gather [hbm4b:s1+s12], $0x80, s29, s12, $0xb8;
	[tilespmem:$0x1D080] =	vst v63  }
0x1d9: {  	_ =	swait.ge [sflag:s16], $0x2800  }
0x1da: {  	[sflag:s16] =	ssyncset.done $0x0  }
0x1db: {  	[sflag:s16] =	ssyncadd.s32 $0xFFFFD800  }
0x1dc: {  	[spmem:s3] =	stream.indirect.scatter.add.f32 [tilespmem:s13], [sflag:$0x4], $0x80, s30, s12, $0xb8;
	[tilespmem:$0x1D080] =	vst v63  }
0x1dd: {  	_ =	swait.ge [sflag:s17], $0x2800  }
0x1de: {  	[sflag:s17] =	ssyncset.done $0x0  }
0x1df: {  	[sflag:s17] =	ssyncadd.s32 $0xFFFFD800  }
0x1e0: {  	[tilespmem:s13], [sflag:$0x1] =	stream.indirect.gather [hbm4b:s1+s12], $0x80, s31, s12, $0xb8;
	[tilespmem:$0x1D080] =	vst v63  }
0x1e1: {  	_ =	swait.ge [sflag:s18], $0x2800  }
0x1e2: {  	[sflag:s18] =	ssyncset.done $0x0  }
0x1e3: {  	[sflag:s18] =	ssyncadd.s32 $0xFFFFD800  }
0x1e4: {  	[spmem:s3] =	stream.indirect.scatter.add.f32 [tilespmem:s14], [sflag:$0x5], $0x80, s2, s12, $0xb8;
	[tilespmem:$0x1D080] =	vst v63  }
0x1e5: {  	_ =	swait.ge [sflag:s19], $0x2800  }
0x1e6: {  	[sflag:s19] =	ssyncset.done $0x0  }
0x1e7: {  	[sflag:s19] =	ssyncadd.s32 $0xFFFFD800  }
0x1e8: {  	_ =	swait.ge [sflag:s20], $0x2800  }
0x1e9: {  	[sflag:s20] =	ssyncset.done $0x0  }
0x1ea: {  	[sflag:s20] =	ssyncadd.s32 $0xFFFFD800  }
0x1eb: {  	[spmem:s3] =	stream.indirect.scatter.add.f32 [tilespmem:s15], [sflag:$0x6], $0x80, s0, s12, $0xb8;
	[tilespmem:$0x1D080] =	vst v63  }
0x1ec: {  	_ =	swait.ge [sflag:s21], $0x2800  }
0x1ed: {  	[sflag:s21] =	ssyncset.done $0x0  }
0x1ee: {  	[sflag:s21] =	ssyncadd.s32 $0xFFFFD800  }
0x1ef: {  	p1 =	sne.s32 s8, $0x800;
	_ =	swait.ge [sflag:s16], $0x2800  }
.Ltmp0:
0x1f0: {  	[sflag:s16] =	ssyncset.done $0x0;
	(pc) =	sbr.rel @p1 .LBB2_2-.Ltmp0, $4  }
0x1f1: {  	[sflag:s16] =	ssyncadd.s32 $0xFFFFD800  }
0x1f2: {  	[spmem:s3] =	stream.indirect.scatter.add.f32 [tilespmem:s13], [sflag:$0x4], $0x80, s5, s12, $0xb8;
	[tilespmem:$0x1D080] =	vst v63  }
0x1f3: {  	_ =	swait.ge [sflag:s17], $0x2800  }
0x1f4: {  	s8 =	sadd.s32 $0x200, s8;
	s9 =	rddreg [dreg:$0x4];
	[sflag:s17] =	ssyncset.done $0x0  }
0x1f5: {  	[sflag:s17] =	ssyncadd.s32 $0xFFFFD800;
	s6 =	sadd.s32 s7, s9  }
0x1f6: {  	[tilespmem:s4], [sflag:$0x7] =	stream.linear.gather [hbm4b:s6+s4], $0xC80, $0x38;
	[tilespmem:$0x1D080] =	vst v63  }
0x1f7: {  	_ =	swait.ge [sflag:s10], $0xC80  }
0x1f8: {  	s9 =	rddreg [dreg:$0x5];
	[sflag:s10] =	ssyncset.done $0x0  }
0x1f9: {  	[sflag:s10] =	ssyncadd.s32 $0xFFFFF380;
	s6 =	sadd.s32 s7, s9  }
0x1fa: {  	[tilespmem:s11], [sflag:$0x7] =	stream.linear.gather [hbm4b:s6+s4], $0xC80, $0x38;
	[tilespmem:$0x1D080] =	vst v63  }
0x1fb: {  	_ =	swait.ge [sflag:s10], $0xC80  }
0x1fc: {  	[sflag:s10] =	ssyncset.done $0x0  }
0x1fd: {  	[sflag:s10] =	ssyncadd.s32 $0xFFFFF380  }
0x1fe: {  	[tilespmem:s13], [sflag:$0x1] =	stream.indirect.gather [hbm4b:s1+s12], $0x80, s4, s12, $0xb8;
	[tilespmem:$0x1D080] =	vst v63  }
0x1ff: {  	s7 =	rddreg [dreg:$0x6]  }
0x200: {  	[tilespmem:s14], [sflag:$0x2] =	stream.indirect.gather [hbm4b:s1+s12], $0x80, s7, s12, $0xb8;
	[tilespmem:$0x1D080] =	vst v63  }
0x201: {  	s8 =	rddreg [dreg:$0x7]  }
0x202: {  	[tilespmem:s15], [sflag:$0x3] =	stream.indirect.gather [hbm4b:s1+s12], $0x80, s8, s12, $0xb8;
	[tilespmem:$0x1D080] =	vst v63  }
0x203: {  	_ =	swait.ge [sflag:s16], $0x2800  }
0x204: {  	[sflag:s16] =	ssyncset.done $0x0  }
0x205: {  	[sflag:s16] =	ssyncadd.s32 $0xFFFFD800  }
0x206: {  	[spmem:s3] =	stream.indirect.scatter.add.f32 [tilespmem:s13], [sflag:$0x4], $0x80, s11, s12, $0xb8;
	[tilespmem:$0x1D080] =	vst v63  }
0x207: {  	_ =	swait.ge [sflag:s17], $0x2800  }
0x208: {  	[sflag:s17] =	ssyncset.done $0x0  }
0x209: {  	s9 =	rddreg [dreg:$0x8];
	[sflag:s17] =	ssyncadd.s32 $0xFFFFD800  }
0x20a: {  	[tilespmem:s13], [sflag:$0x1] =	stream.indirect.gather [hbm4b:s1+s12], $0x80, s9, s12, $0xb8;
	[tilespmem:$0x1D080] =	vst v63  }
0x20b: {  	_ =	swait.ge [sflag:s18], $0x2800  }
0x20c: {  	[sflag:s18] =	ssyncset.done $0x0  }
0x20d: {  	s7 =	rddreg [dreg:$0x9];
	[sflag:s18] =	ssyncadd.s32 $0xFFFFD800  }
0x20e: {  	[spmem:s3] =	stream.indirect.scatter.add.f32 [tilespmem:s14], [sflag:$0x5], $0x80, s7, s12, $0xb8;
	[tilespmem:$0x1D080] =	vst v63  }
0x20f: {  	_ =	swait.ge [sflag:s19], $0x2800  }
0x210: {  	[sflag:s19] =	ssyncset.done $0x0  }
0x211: {  	s8 =	rddreg [dreg:$0xa];
	[sflag:s19] =	ssyncadd.s32 $0xFFFFD800  }
0x212: {  	[tilespmem:s14], [sflag:$0x2] =	stream.indirect.gather [hbm4b:s1+s12], $0x80, s8, s12, $0xb8;
	[tilespmem:$0x1D080] =	vst v63  }
0x213: {  	_ =	swait.ge [sflag:s20], $0x2800  }
0x214: {  	[sflag:s20] =	ssyncset.done $0x0  }
0x215: {  	s9 =	rddreg [dreg:$0xb];
	[sflag:s20] =	ssyncadd.s32 $0xFFFFD800  }
0x216: {  	[spmem:s3] =	stream.indirect.scatter.add.f32 [tilespmem:s15], [sflag:$0x6], $0x80, s9, s12, $0xb8;
	[tilespmem:$0x1D080] =	vst v63  }
0x217: {  	_ =	swait.ge [sflag:s21], $0x2800  }
0x218: {  	[sflag:s21] =	ssyncset.done $0x0  }
0x219: {  	s7 =	rddreg [dreg:$0xc];
	[sflag:s21] =	ssyncadd.s32 $0xFFFFD800  }
0x21a: {  	[tilespmem:s15], [sflag:$0x3] =	stream.indirect.gather [hbm4b:s1+s12], $0x80, s7, s12, $0xb8;
	[tilespmem:$0x1D080] =	vst v63  }
0x21b: {  	_ =	swait.ge [sflag:s16], $0x2800  }
0x21c: {  	[sflag:s16] =	ssyncset.done $0x0  }
0x21d: {  	s8 =	rddreg [dreg:$0xd];
	[sflag:s16] =	ssyncadd.s32 $0xFFFFD800  }
0x21e: {  	[spmem:s3] =	stream.indirect.scatter.add.f32 [tilespmem:s13], [sflag:$0x4], $0x80, s8, s12, $0xb8;
	[tilespmem:$0x1D080] =	vst v63  }
0x21f: {  	_ =	swait.ge [sflag:s17], $0x2800  }
0x220: {  	[sflag:s17] =	ssyncset.done $0x0  }
0x221: {  	s9 =	rddreg [dreg:$0xe];
	[sflag:s17] =	ssyncadd.s32 $0xFFFFD800  }
0x222: {  	[tilespmem:s13], [sflag:$0x1] =	stream.indirect.gather [hbm4b:s1+s12], $0x80, s9, s12, $0xb8;
	[tilespmem:$0x1D080] =	vst v63  }
0x223: {  	_ =	swait.ge [sflag:s18], $0x2800  }
0x224: {  	[sflag:s18] =	ssyncset.done $0x0  }
0x225: {  	s7 =	rddreg [dreg:$0xf];
	[sflag:s18] =	ssyncadd.s32 $0xFFFFD800  }
0x226: {  	[spmem:s3] =	stream.indirect.scatter.add.f32 [tilespmem:s14], [sflag:$0x5], $0x80, s7, s12, $0xb8;
	[tilespmem:$0x1D080] =	vst v63  }
0x227: {  	_ =	swait.ge [sflag:s19], $0x2800  }
0x228: {  	[sflag:s19] =	ssyncset.done $0x0  }
0x229: {  	s8 =	rddreg [dreg:$0x10];
	[sflag:s19] =	ssyncadd.s32 $0xFFFFD800  }
0x22a: {  	[tilespmem:s14], [sflag:$0x2] =	stream.indirect.gather [hbm4b:s1+s12], $0x80, s8, s12, $0xb8;
	[tilespmem:$0x1D080] =	vst v63  }
0x22b: {  	_ =	swait.ge [sflag:s20], $0x2800  }
0x22c: {  	[sflag:s20] =	ssyncset.done $0x0  }
0x22d: {  	s9 =	rddreg [dreg:$0x11];
	[sflag:s20] =	ssyncadd.s32 $0xFFFFD800  }
0x22e: {  	[spmem:s3] =	stream.indirect.scatter.add.f32 [tilespmem:s15], [sflag:$0x6], $0x80, s9, s12, $0xb8;
	[tilespmem:$0x1D080] =	vst v63  }
0x22f: {  	_ =	swait.ge [sflag:s21], $0x2800  }
0x230: {  	[sflag:s21] =	ssyncset.done $0x0  }
0x231: {  	s7 =	rddreg [dreg:$0x12];
	[sflag:s21] =	ssyncadd.s32 $0xFFFFD800  }
0x232: {  	[tilespmem:s15], [sflag:$0x3] =	stream.indirect.gather [hbm4b:s1+s12], $0x80, s7, s12, $0xb8;
	[tilespmem:$0x1D080] =	vst v63  }
0x233: {  	_ =	swait.ge [sflag:s16], $0x2800  }
0x234: {  	[sflag:s16] =	ssyncset.done $0x0  }
0x235: {  	s8 =	rddreg [dreg:$0x13];
	[sflag:s16] =	ssyncadd.s32 $0xFFFFD800  }
0x236: {  	[spmem:s3] =	stream.indirect.scatter.add.f32 [tilespmem:s13], [sflag:$0x4], $0x80, s8, s12, $0xb8;
	[tilespmem:$0x1D080] =	vst v63  }
0x237: {  	_ =	swait.ge [sflag:s17], $0x2800  }
0x238: {  	[sflag:s17] =	ssyncset.done $0x0  }
0x239: {  	s9 =	rddreg [dreg:$0x14];
	[sflag:s17] =	ssyncadd.s32 $0xFFFFD800  }
0x23a: {  	[tilespmem:s13], [sflag:$0x1] =	stream.indirect.gather [hbm4b:s1+s12], $0x80, s9, s12, $0xb8;
	[tilespmem:$0x1D080] =	vst v63  }
0x23b: {  	_ =	swait.ge [sflag:s18], $0x2800  }
0x23c: {  	[sflag:s18] =	ssyncset.done $0x0  }
0x23d: {  	s7 =	rddreg [dreg:$0x15];
	[sflag:s18] =	ssyncadd.s32 $0xFFFFD800  }
0x23e: {  	[spmem:s3] =	stream.indirect.scatter.add.f32 [tilespmem:s14], [sflag:$0x5], $0x80, s7, s12, $0xb8;
	[tilespmem:$0x1D080] =	vst v63  }
0x23f: {  	_ =	swait.ge [sflag:s19], $0x2800  }
0x240: {  	[sflag:s19] =	ssyncset.done $0x0  }
0x241: {  	s8 =	rddreg [dreg:$0x16];
	[sflag:s19] =	ssyncadd.s32 $0xFFFFD800  }
0x242: {  	[tilespmem:s14], [sflag:$0x2] =	stream.indirect.gather [hbm4b:s1+s12], $0x80, s8, s12, $0xb8;
	[tilespmem:$0x1D080] =	vst v63  }
0x243: {  	_ =	swait.ge [sflag:s20], $0x2800  }
0x244: {  	[sflag:s20] =	ssyncset.done $0x0  }
0x245: {  	s9 =	rddreg [dreg:$0x17];
	[sflag:s20] =	ssyncadd.s32 $0xFFFFD800  }
0x246: {  	[spmem:s3] =	stream.indirect.scatter.add.f32 [tilespmem:s15], [sflag:$0x6], $0x80, s9, s12, $0xb8;
	[tilespmem:$0x1D080] =	vst v63  }
0x247: {  	_ =	swait.ge [sflag:s21], $0x2800  }
0x248: {  	[sflag:s21] =	ssyncset.done $0x0  }
0x249: {  	s7 =	rddreg [dreg:$0x18];
	[sflag:s21] =	ssyncadd.s32 $0xFFFFD800  }
0x24a: {  	[tilespmem:s15], [sflag:$0x3] =	stream.indirect.gather [hbm4b:s1+s12], $0x80, s7, s12, $0xb8;
	[tilespmem:$0x1D080] =	vst v63  }
0x24b: {  	_ =	swait.ge [sflag:s16], $0x2800  }
0x24c: {  	[sflag:s16] =	ssyncset.done $0x0  }
0x24d: {  	s8 =	rddreg [dreg:$0x19];
	[sflag:s16] =	ssyncadd.s32 $0xFFFFD800  }
0x24e: {  	[spmem:s3] =	stream.indirect.scatter.add.f32 [tilespmem:s13], [sflag:$0x4], $0x80, s8, s12, $0xb8;
	[tilespmem:$0x1D080] =	vst v63  }
0x24f: {  	_ =	swait.ge [sflag:s17], $0x2800  }
0x250: {  	[sflag:s17] =	ssyncset.done $0x0  }
0x251: {  	s9 =	rddreg [dreg:$0x1a];
	[sflag:s17] =	ssyncadd.s32 $0xFFFFD800  }
0x252: {  	[tilespmem:s13], [sflag:$0x1] =	stream.indirect.gather [hbm4b:s1+s12], $0x80, s9, s12, $0xb8;
	[tilespmem:$0x1D080] =	vst v63  }
0x253: {  	_ =	swait.ge [sflag:s18], $0x2800  }
0x254: {  	[sflag:s18] =	ssyncset.done $0x0  }
0x255: {  	s7 =	rddreg [dreg:$0x1b];
	[sflag:s18] =	ssyncadd.s32 $0xFFFFD800  }
0x256: {  	[spmem:s3] =	stream.indirect.scatter.add.f32 [tilespmem:s14], [sflag:$0x5], $0x80, s7, s12, $0xb8;
	[tilespmem:$0x1D080] =	vst v63  }
0x257: {  	_ =	swait.ge [sflag:s19], $0x2800  }
0x258: {  	[sflag:s19] =	ssyncset.done $0x0  }
0x259: {  	s8 =	rddreg [dreg:$0x1c];
	[sflag:s19] =	ssyncadd.s32 $0xFFFFD800  }
0x25a: {  	[tilespmem:s14], [sflag:$0x2] =	stream.indirect.gather [hbm4b:s1+s12], $0x80, s8, s12, $0xb8;
	[tilespmem:$0x1D080] =	vst v63  }
0x25b: {  	_ =	swait.ge [sflag:s20], $0x2800  }
0x25c: {  	[sflag:s20] =	ssyncset.done $0x0  }
0x25d: {  	s9 =	rddreg [dreg:$0x1d];
	[sflag:s20] =	ssyncadd.s32 $0xFFFFD800  }
0x25e: {  	[spmem:s3] =	stream.indirect.scatter.add.f32 [tilespmem:s15], [sflag:$0x6], $0x80, s9, s12, $0xb8;
	[tilespmem:$0x1D080] =	vst v63  }
0x25f: {  	_ =	swait.ge [sflag:s21], $0x2800  }
0x260: {  	[sflag:s21] =	ssyncset.done $0x0  }
0x261: {  	s7 =	rddreg [dreg:$0x1e];
	[sflag:s21] =	ssyncadd.s32 $0xFFFFD800  }
0x262: {  	[tilespmem:s15], [sflag:$0x3] =	stream.indirect.gather [hbm4b:s1+s12], $0x80, s7, s12, $0xb8;
	[tilespmem:$0x1D080] =	vst v63  }
0x263: {  	_ =	swait.ge [sflag:s16], $0x2800  }
0x264: {  	[sflag:s16] =	ssyncset.done $0x0  }
0x265: {  	s8 =	rddreg [dreg:$0x1f];
	[sflag:s16] =	ssyncadd.s32 $0xFFFFD800  }
0x266: {  	[spmem:s3] =	stream.indirect.scatter.add.f32 [tilespmem:s13], [sflag:$0x4], $0x80, s8, s12, $0xb8;
	[tilespmem:$0x1D080] =	vst v63  }
0x267: {  	_ =	swait.ge [sflag:s17], $0x2800  }
0x268: {  	s9 =	sld [smem:$0x7F1]  }
0x269: {  	[sflag:s17] =	ssyncset.done $0x0  }
0x26a: {  	[sflag:s17] =	ssyncadd.s32 $0xFFFFD800  }
0x26b: {  	[tilespmem:s13], [sflag:$0x1] =	stream.indirect.gather [hbm4b:s1+s12], $0x80, s9, s12, $0xb8;
	[tilespmem:$0x1D080] =	vst v63  }
0x26c: {  	_ =	swait.ge [sflag:s18], $0x2800  }
0x26d: {  	s7 =	sld [smem:$0x7F2]  }
0x26e: {  	[sflag:s18] =	ssyncset.done $0x0  }
0x26f: {  	[sflag:s18] =	ssyncadd.s32 $0xFFFFD800  }
0x270: {  	[spmem:s3] =	stream.indirect.scatter.add.f32 [tilespmem:s14], [sflag:$0x5], $0x80, s7, s12, $0xb8;
	[tilespmem:$0x1D080] =	vst v63  }
0x271: {  	_ =	swait.ge [sflag:s19], $0x2800  }
0x272: {  	s8 =	sld [smem:$0x7F3]  }
0x273: {  	[sflag:s19] =	ssyncset.done $0x0  }
0x274: {  	[sflag:s19] =	ssyncadd.s32 $0xFFFFD800  }
0x275: {  	[tilespmem:s14], [sflag:$0x2] =	stream.indirect.gather [hbm4b:s1+s12], $0x80, s8, s12, $0xb8;
	[tilespmem:$0x1D080] =	vst v63  }
0x276: {  	_ =	swait.ge [sflag:s20], $0x2800  }
0x277: {  	s9 =	sld [smem:$0x7F4]  }
0x278: {  	[sflag:s20] =	ssyncset.done $0x0  }
0x279: {  	[sflag:s20] =	ssyncadd.s32 $0xFFFFD800  }
0x27a: {  	[spmem:s3] =	stream.indirect.scatter.add.f32 [tilespmem:s15], [sflag:$0x6], $0x80, s9, s12, $0xb8;
	[tilespmem:$0x1D080] =	vst v63  }
0x27b: {  	_ =	swait.ge [sflag:s21], $0x2800  }
0x27c: {  	s7 =	sld [smem:$0x7F5]  }
0x27d: {  	[sflag:s21] =	ssyncset.done $0x0  }
0x27e: {  	[sflag:s21] =	ssyncadd.s32 $0xFFFFD800  }
0x27f: {  	[tilespmem:s15], [sflag:$0x3] =	stream.indirect.gather [hbm4b:s1+s12], $0x80, s7, s12, $0xb8;
	[tilespmem:$0x1D080] =	vst v63  }
0x280: {  	_ =	swait.ge [sflag:s16], $0x2800  }
0x281: {  	s8 =	sld [smem:$0x7F6]  }
0x282: {  	[sflag:s16] =	ssyncset.done $0x0  }
0x283: {  	[sflag:s16] =	ssyncadd.s32 $0xFFFFD800  }
0x284: {  	[spmem:s3] =	stream.indirect.scatter.add.f32 [tilespmem:s13], [sflag:$0x4], $0x80, s8, s12, $0xb8;
	[tilespmem:$0x1D080] =	vst v63  }
0x285: {  	_ =	swait.ge [sflag:s17], $0x2800  }
0x286: {  	s9 =	sld [smem:$0x7F7]  }
0x287: {  	[sflag:s17] =	ssyncset.done $0x0  }
0x288: {  	[sflag:s17] =	ssyncadd.s32 $0xFFFFD800  }
0x289: {  	[tilespmem:s13], [sflag:$0x1] =	stream.indirect.gather [hbm4b:s1+s12], $0x80, s9, s12, $0xb8;
	[tilespmem:$0x1D080] =	vst v63  }
0x28a: {  	_ =	swait.ge [sflag:s18], $0x2800  }
0x28b: {  	s7 =	sld [smem:$0x7F8]  }
0x28c: {  	[sflag:s18] =	ssyncset.done $0x0  }
0x28d: {  	[sflag:s18] =	ssyncadd.s32 $0xFFFFD800  }
0x28e: {  	[spmem:s3] =	stream.indirect.scatter.add.f32 [tilespmem:s14], [sflag:$0x5], $0x80, s7, s12, $0xb8;
	[tilespmem:$0x1D080] =	vst v63  }
0x28f: {  	_ =	swait.ge [sflag:s19], $0x2800  }
0x290: {  	s8 =	sld [smem:$0x7F9]  }
0x291: {  	[sflag:s19] =	ssyncset.done $0x0  }
0x292: {  	[sflag:s19] =	ssyncadd.s32 $0xFFFFD800  }
0x293: {  	[tilespmem:s14], [sflag:$0x2] =	stream.indirect.gather [hbm4b:s1+s12], $0x80, s8, s12, $0xb8;
	[tilespmem:$0x1D080] =	vst v63  }
0x294: {  	_ =	swait.ge [sflag:s20], $0x2800  }
0x295: {  	s9 =	sld [smem:$0x7FA]  }
0x296: {  	[sflag:s20] =	ssyncset.done $0x0  }
0x297: {  	[sflag:s20] =	ssyncadd.s32 $0xFFFFD800  }
0x298: {  	[spmem:s3] =	stream.indirect.scatter.add.f32 [tilespmem:s15], [sflag:$0x6], $0x80, s9, s12, $0xb8;
	[tilespmem:$0x1D080] =	vst v63  }
0x299: {  	_ =	swait.ge [sflag:s21], $0x2800  }
0x29a: {  	[sflag:s21] =	ssyncset.done $0x0  }
0x29b: {  	[sflag:s21] =	ssyncadd.s32 $0xFFFFD800  }
0x29c: {  	[tilespmem:s15], [sflag:$0x3] =	stream.indirect.gather [hbm4b:s1+s12], $0x80, s22, s12, $0xb8;
	[tilespmem:$0x1D080] =	vst v63  }
0x29d: {  	_ =	swait.ge [sflag:s16], $0x2800  }
0x29e: {  	[sflag:s16] =	ssyncset.done $0x0  }
0x29f: {  	[sflag:s16] =	ssyncadd.s32 $0xFFFFD800  }
0x2a0: {  	[spmem:s3] =	stream.indirect.scatter.add.f32 [tilespmem:s13], [sflag:$0x4], $0x80, s23, s12, $0xb8;
	[tilespmem:$0x1D080] =	vst v63  }
0x2a1: {  	_ =	swait.ge [sflag:s17], $0x2800  }
0x2a2: {  	[sflag:s17] =	ssyncset.done $0x0  }
0x2a3: {  	[sflag:s17] =	ssyncadd.s32 $0xFFFFD800  }
0x2a4: {  	[tilespmem:s13], [sflag:$0x1] =	stream.indirect.gather [hbm4b:s1+s12], $0x80, s24, s12, $0xb8;
	[tilespmem:$0x1D080] =	vst v63  }
0x2a5: {  	_ =	swait.ge [sflag:s18], $0x2800  }
0x2a6: {  	[sflag:s18] =	ssyncset.done $0x0  }
0x2a7: {  	[sflag:s18] =	ssyncadd.s32 $0xFFFFD800  }
0x2a8: {  	[spmem:s3] =	stream.indirect.scatter.add.f32 [tilespmem:s14], [sflag:$0x5], $0x80, s25, s12, $0xb8;
	[tilespmem:$0x1D080] =	vst v63  }
0x2a9: {  	_ =	swait.ge [sflag:s19], $0x2800  }
0x2aa: {  	[sflag:s19] =	ssyncset.done $0x0  }
0x2ab: {  	[sflag:s19] =	ssyncadd.s32 $0xFFFFD800  }
0x2ac: {  	[tilespmem:s14], [sflag:$0x2] =	stream.indirect.gather [hbm4b:s1+s12], $0x80, s26, s12, $0xb8;
	[tilespmem:$0x1D080] =	vst v63  }
0x2ad: {  	_ =	swait.ge [sflag:s20], $0x2800  }
0x2ae: {  	[sflag:s20] =	ssyncset.done $0x0  }
0x2af: {  	[sflag:s20] =	ssyncadd.s32 $0xFFFFD800  }
0x2b0: {  	[spmem:s3] =	stream.indirect.scatter.add.f32 [tilespmem:s15], [sflag:$0x6], $0x80, s28, s12, $0xb8;
	[tilespmem:$0x1D080] =	vst v63  }
0x2b1: {  	_ =	swait.ge [sflag:s21], $0x2800  }
0x2b2: {  	[sflag:s21] =	ssyncset.done $0x0  }
0x2b3: {  	[sflag:s21] =	ssyncadd.s32 $0xFFFFD800  }
0x2b4: {  	[tilespmem:s15], [sflag:$0x3] =	stream.indirect.gather [hbm4b:s1+s12], $0x80, s29, s12, $0xb8;
	[tilespmem:$0x1D080] =	vst v63  }
0x2b5: {  	_ =	swait.ge [sflag:s16], $0x2800  }
0x2b6: {  	[sflag:s16] =	ssyncset.done $0x0  }
0x2b7: {  	[sflag:s16] =	ssyncadd.s32 $0xFFFFD800  }
0x2b8: {  	[spmem:s3] =	stream.indirect.scatter.add.f32 [tilespmem:s13], [sflag:$0x4], $0x80, s30, s12, $0xb8;
	[tilespmem:$0x1D080] =	vst v63  }
0x2b9: {  	_ =	swait.ge [sflag:s17], $0x2800  }
0x2ba: {  	[sflag:s17] =	ssyncset.done $0x0  }
0x2bb: {  	[sflag:s17] =	ssyncadd.s32 $0xFFFFD800  }
0x2bc: {  	[tilespmem:s13], [sflag:$0x1] =	stream.indirect.gather [hbm4b:s1+s12], $0x80, s31, s12, $0xb8;
	[tilespmem:$0x1D080] =	vst v63  }
0x2bd: {  	_ =	swait.ge [sflag:s18], $0x2800  }
0x2be: {  	[sflag:s18] =	ssyncset.done $0x0  }
0x2bf: {  	[sflag:s18] =	ssyncadd.s32 $0xFFFFD800  }
0x2c0: {  	[spmem:s3] =	stream.indirect.scatter.add.f32 [tilespmem:s14], [sflag:$0x5], $0x80, s2, s12, $0xb8;
	[tilespmem:$0x1D080] =	vst v63  }
0x2c1: {  	_ =	swait.ge [sflag:s19], $0x2800  }
0x2c2: {  	[sflag:s19] =	ssyncset.done $0x0  }
0x2c3: {  	[sflag:s19] =	ssyncadd.s32 $0xFFFFD800  }
0x2c4: {  	_ =	swait.ge [sflag:s20], $0x2800  }
0x2c5: {  	[sflag:s20] =	ssyncset.done $0x0  }
0x2c6: {  	[sflag:s20] =	ssyncadd.s32 $0xFFFFD800  }
0x2c7: {  	[spmem:s3] =	stream.indirect.scatter.add.f32 [tilespmem:s15], [sflag:$0x6], $0x80, s0, s12, $0xb8;
	[tilespmem:$0x1D080] =	vst v63  }
0x2c8: {  	_ =	swait.ge [sflag:s21], $0x2800  }
0x2c9: {  	[sflag:s21] =	ssyncset.done $0x0  }
0x2ca: {  	[sflag:s21] =	ssyncadd.s32 $0xFFFFD800  }
0x2cb: {  	_ =	swait.ge [sflag:s16], $0x2800  }
0x2cc: {  	[sflag:s16] =	ssyncset.done $0x0  }
0x2cd: {  	[sflag:s16] =	ssyncadd.s32 $0xFFFFD800  }
0x2ce: {  	[spmem:s3] =	stream.indirect.scatter.add.f32 [tilespmem:s13], [sflag:$0x4], $0x80, s5, s12, $0xb8;
	[tilespmem:$0x1D080] =	vst v63  }
0x2cf: {  	_ =	swait.ge [sflag:s17], $0x2800  }
0x2d0: {  	[sflag:s17] =	ssyncset.done $0x0  }
0x2d1: {  	[sflag:s17] =	ssyncadd.s32 $0xFFFFD800  }
0x2d2: {  	[bflag:$0x0] =	sbarrier.arrive $0xFFFF  }
0x2d3: {  	s6 =	sld [smem:$0x7EF]  }
0x2d4: {  	s8 =	sld [smem:$0x7FC]  }
0x2d5: {  	s9 =	sld [smem:$0x7FD];
	_ =	sdelay $0x1  }
0x2d6: {  	s7 =	simm.s32 @!p0 $0x7  }
0x2d7: {  	[hbm:s6], [sflag:s8] =	dma.local @!p0 [spmem:s9], $0x3E80  }
0x2d8: {  	_ =	swait.ge @!p0 [sflag:s7], $0x3E80  }
0x2d9: {  	s6 =	sld [smem:$0x7FB]  }
0x2da: {  	[sflag:s7] =	ssyncset.done @!p0 $0x0;
	s7 =	sld [smem:$0x7F0];
	_ =	sdelay $0x1  }
0x2db: {  	s6 =	sadd.s32 $0x1, s6  }
0x2dc: {  	p1 =	sne.s32 s6, s7  }
.Ltmp1:
0x2dd: {  	_ = 	snop;
	(pc) =	sbr.rel @p1 .LBB2_1-.Ltmp1, $3  }
0x2de: {  	_ =	sdelay $0x1  }
0x2df: {  	[smem:$0x7FB] =	sst s6;
	s6 =	simm.s32 @!p0 $0x7  }
0x2e0: {  	[sflag:s6] =	ssyncadd.s32 @!p0 $0xFFFFC180  }
0x2e1: {  	_ =	sfence.sel $0x180000  }
0x2e2: {  	[bflag:$0x0] =	sbarrier.arrive $0xFFFF  }
0x2e3: {  	_ =	strace $0x9000004A  }
0x2e4: {  	s0 =	stileid.u32;
	[bflag:$0x2] =	sbarrier.arrive $0xFFFF  }
0x2e5: {  	p0 =	sne.s32 s0, $0x0;
	s0 =	rddreg [dreg:$0x3]  }
0x2e6: {  	s0 =	sadd.s32 @!p0 $0x100000, s0  }
0x2e7: {  	[sflag:s0] =	ssyncadd.tile.s32 @!p0 $0x1;
	_ =	shalt  }
.Lfunc_end2:
_tile_overlayer_lowered:
.L_overlay_start_2:
0x2e8: {  	(tag) =	ssettag $0x2  }
0x2e9: {  	s0 =	rddreg [dreg:$0x0];
	s2 =	stileid.u32  }
0x2ea: {  	s1 =	rddreg [dreg:$0x1];
	p0 =	sne.s32 s2, $0x0  }
0x2eb: {  	s3 =	rddreg [dreg:$0x2];
	[bflag:$0x3] =	sbarrier.arrive $0xFFFF;
	s2 =	simm.s32 @!p0 $0x1C07  }
0x2ec: {  	[timem:s3], [sflag:s2] =	dma.local @!p0 [hbm:s0], s1  }
0x2ed: {  	s0 =	simm.s32 @!p0 $0x7  }
0x2ee: {  	_ =	swait.ge @!p0 [sflag:s0], s1  }
0x2ef: {  	s1 =	ssub.s32 @!p0 $0x0, s1;
	[sflag:s0] =	ssyncset.done @!p0 $0x0  }
0x2f0: {  	[sflag:s0] =	ssyncadd.s32 @!p0 s1  }
0x2f1: {  	[bflag:$0x3] =	sbarrier.arrive $0xFFFF  }
0x2f2: {  	_ =	shalt  }

// kernel: kernel.16.cloned.1.call-start
scs
__scs_entry_jumppad:
0x0: {  	(pc) =	sbr.rel $0x88, $3  }
0x1: {  	(tag) =	ssettag $0x0;
	lr =	simm.s32 $0x1  }
0x2: {  	[smem:$0x3F97] =	sst lr;
	_ =	strace $0xD0000000  }
0x3: {  	_ = 	snop  }
0x4: {  	_ = 	snop  }
0x5: {  	_ = 	snop  }
0x6: {  	_ = 	snop  }
0x7: {  	_ = 	snop  }
__scs_overlays_trampoline_lowered:
0x8: {  	[smem:$0x3FA6] =	sst s0  }
0x9: {  	[smem:$0x3FA7] =	sst s1  }
0xa: {  	[smem:$0x3FA8] =	sst s2  }
0xb: {  	[smem:$0x3FA9] =	sst s3  }
0xc: {  	[smem:$0x3FAA] =	sst s4  }
0xd: {  	[smem:$0x3FAB] =	sst s5  }
0xe: {  	[smem:$0x3FAC] =	sst s6  }
0xf: {  	[smem:$0x3FAD] =	sst s7  }
0x10: {  	[smem:$0x3FAE] =	sst s8  }
0x11: {  	[smem:$0x3FAF] =	sst s9;
	s0 =	simm.s32 @!p0 $0x0  }
0x12: {  	s1 =	sld [smem:$0x3F95];
	s0 =	simm.s32 @p0 $0x1  }
0x13: {  	[smem:$0x3FB0] =	sst s0;
	s0 =	simm.s32 @!p1 $0x0  }
0x14: {  	s2 =	sld [smem:$0x3F94];
	s0 =	simm.s32 @p1 $0x1  }
0x15: {  	[smem:$0x3FB1] =	sst s0;
	s0 =	simm.s32 @!p2 $0x0  }
0x16: {  	s3 =	sld [smem:$0x3FDB];
	s0 =	simm.s32 @p2 $0x1  }
0x17: {  	s4 =	simm.s32 $0x1BF5;
	[smem:$0x3FB3] =	sst s0  }
0x18: {  	s0 =	sld [smem:$0x3F96];
	_ =	swait.ge [sflag:s4], $0x0  }
0x19: {  	s7 =	sld [smem:$0x3F97]  }
0x1a: {  	s8 =	sadd.s32 $0xFFFFE003, lr  }
0x1b: {  	s9 =	sadd.s32 $0xFFFFFEF7, lr;
	s5 =	simm.s32 $0xFFFFFFFF;
	p2 =	slt.u32 s8, $0xFFFFF086  }
0x1c: {  	p1 =	slt.u32 s9, $0xF7A;
	s5 =	simm.s32 @!p2 $0x0  }
0x1d: {  	s5 =	simm.s32 @p1 $0x1;
	p0 =	seq.s32 s7, s2  }
0x1e: {  	s7 =	smul.u32 @!p0 $0xF7A, s2;
	p2 =	seq.s32 @!p0 s5, $0x0  }
0x1f: {  	s9 =	smul.u32 $0xF7A, s1;
	s8 =	simm.s32 @!p0 $0x1BF5;
	p2 =	por !p2, p0  }
0x20: {  	[sflag:s8] =	ssyncset.s32 @!p0 $0xFFFFF086;
	s6 =	sadd.s32 @!p0 s3, s7;
	s7 =	simm.s32 @!p0 $0x108  }
0x21: {  	s3 =	sadd.s32 s3, s9;
	s6 =	sadd.s32 @!p0 $0x88, s6;
	s7 =	simm.s32 @p2 $0x1082  }
0x22: {  	[simem:s7], [sflag:s8] =	dma.local @!p0 [hbm:s6], $0xF7A  }
0x23: {  	s9 =	sor.u32 $0xD0000000, s2;
	s6 =	simm.s32 $0x108;
	_ =	swait.ge @!p0 [sflag:s8], $0x0  }
0x24: {  	s3 =	sadd.s32 $0x88, s3;
	s6 =	simm.s32 @!p1 $0x1082;
	[sflag:s4] =	ssyncset.s32 $0xFFFFF086  }
0x25: {  	[simem:s6], [sflag:s4] =	dma.local [hbm:s3], $0xF7A  }
0x26: {  	[smem:$0x3F97] =	sst s1;
	(tag) =	ssettag s2;
	_ =	strace s9  }
0x27: {  	s1 =	sld [smem:$0x3FA7]  }
0x28: {  	s2 =	sld [smem:$0x3FA8]  }
0x29: {  	s4 =	sld [smem:$0x3FAA]  }
0x2a: {  	p0 =	seq.s32 s5, $0x0;
	s5 =	sld [smem:$0x3FAB]  }
0x2b: {  	s6 =	sld [smem:$0x3FAC]  }
0x2c: {  	s7 =	sld [smem:$0x3FAD]  }
0x2d: {  	s3 =	simm.s32 $0x108;
	s8 =	sld [smem:$0x3FAE]  }
0x2e: {  	s3 =	simm.s32 @!p0 $0x1082;
	s9 =	sld [smem:$0x3FAF]  }
0x2f: {  	lr =	sadd.s32 s0, s3;
	s0 =	sld [smem:$0x3FA6]  }
0x30: {  	s3 =	sld [smem:$0x3FA9]  }
0x31: {  	[smem:$0x3FB2] =	sst s10  }
0x32: {  	s10 =	sld [smem:$0x3FB0];
	_ =	sdelay $0x3  }
0x33: {  	p0 =	seq.s32 s10, $0x1;
	s10 =	sld [smem:$0x3FB2];
	_ =	sdelay $0x3  }
0x34: {  	[smem:$0x3FB2] =	sst s10  }
0x35: {  	s10 =	sld [smem:$0x3FB1];
	_ =	sdelay $0x3  }
0x36: {  	p1 =	seq.s32 s10, $0x1;
	s10 =	sld [smem:$0x3FB2];
	_ =	sdelay $0x3  }
0x37: {  	[smem:$0x3FB2] =	sst s10  }
0x38: {  	s10 =	sld [smem:$0x3FB3]  }
0x39: {  	_ = 	snop;
	(pc) =	sbr.ind lr, $3  }
0x3a: {  	_ = 	snop  }
0x3b: {  	_ = 	snop  }
0x3c: {  	p2 =	seq.s32 s10, $0x1;
	s10 =	sld [smem:$0x3FB2]  }
0x3d: {  	_ =	shalt  }
0x3e: {  	_ =	shalt  }
0x3f: {  	_ =	shalt  }
0x40: {  	_ =	shalt  }
0x41: {  	_ =	shalt  }
0x42: {  	_ =	shalt  }
0x43: {  	_ =	shalt  }
0x44: {  	_ =	shalt  }
0x45: {  	_ =	shalt  }
0x46: {  	_ =	shalt  }
0x47: {  	_ =	shalt  }
0x48: {  	_ =	shalt  }
0x49: {  	_ =	shalt  }
0x4a: {  	_ =	shalt  }
0x4b: {  	_ =	shalt  }
0x4c: {  	_ =	shalt  }
0x4d: {  	_ =	shalt  }
0x4e: {  	_ =	shalt  }
0x4f: {  	_ =	shalt  }
0x50: {  	_ =	shalt  }
0x51: {  	_ =	shalt  }
0x52: {  	_ =	shalt  }
0x53: {  	_ =	shalt  }
0x54: {  	_ =	shalt  }
0x55: {  	_ =	shalt  }
0x56: {  	_ =	shalt  }
0x57: {  	_ =	shalt  }
0x58: {  	_ =	shalt  }
0x59: {  	_ =	shalt  }
0x5a: {  	_ =	shalt  }
0x5b: {  	_ =	shalt  }
0x5c: {  	_ =	shalt  }
0x5d: {  	_ =	shalt  }
0x5e: {  	_ =	shalt  }
0x5f: {  	_ =	shalt  }
0x60: {  	_ =	shalt  }
0x61: {  	_ =	shalt  }
0x62: {  	_ =	shalt  }
0x63: {  	_ =	shalt  }
0x64: {  	_ =	shalt  }
0x65: {  	_ =	shalt  }
0x66: {  	_ =	shalt  }
0x67: {  	_ =	shalt  }
0x68: {  	_ =	shalt  }
0x69: {  	_ =	shalt  }
0x6a: {  	_ =	shalt  }
0x6b: {  	_ =	shalt  }
0x6c: {  	_ =	shalt  }
0x6d: {  	_ =	shalt  }
0x6e: {  	_ =	shalt  }
0x6f: {  	_ =	shalt  }
0x70: {  	_ =	shalt  }
0x71: {  	_ =	shalt  }
0x72: {  	_ =	shalt  }
0x73: {  	_ =	shalt  }
0x74: {  	_ =	shalt  }
0x75: {  	_ =	shalt  }
0x76: {  	_ =	shalt  }
0x77: {  	_ =	shalt  }
0x78: {  	_ =	shalt  }
0x79: {  	_ =	shalt  }
0x7a: {  	_ =	shalt  }
0x7b: {  	_ =	shalt  }
0x7c: {  	_ =	shalt  }
0x7d: {  	_ =	shalt  }
0x7e: {  	_ =	shalt  }
0x7f: {  	_ =	shalt  }
0x80: {  	_ =	shalt  }
0x81: {  	_ =	shalt  }
0x82: {  	_ =	shalt  }
0x83: {  	_ =	shalt  }
0x84: {  	_ =	shalt  }
0x85: {  	_ =	shalt  }
0x86: {  	_ =	shalt  }
0x87: {  	_ =	shalt  }
.Lfunc_end0:
.L_simem_size_0:
called_computation.2_lowered:
.L_overlay_start_0:
0x88: {  	s2 =	sld [smem:$0x3FD9]  }
0x89: {  	s3 =	sld [smem:$0x3FFE];
	_ =	sdelay $0x1  }
0x8a: {  	s1 =	srdreg.scid  }
0x8b: {  	s0 =	sand.u32 $0x1, s1  }
0x8c: {  	s17 =	sshll.u32 s0, $0xA;
	s2 =	sadd.s32 s3, s2  }
0x8d: {  	s2 =	sadd.s32 s2, s17  }
0x8e: {  	[smem:$0x3FBE] =	sst s2  }
0x8f: {  	_ = 	snop  }
0x90: {  	s2 =	sld [smem:$0x3FD0];
	(tm) =	ssettm $0x1  }
0x91: {  	s18 =	sld [smem:$0x3FFB];
	_ =	sdelay $0x3  }
0x92: {  	_ =	strace s18  }
0x93: {  	s3 =	sld [smem:$0x3FFC];
	_ =	sdelay $0x3  }
0x94: {  	_ =	strace s3  }
0x95: {  	s3 =	sld [smem:$0x3FFD];
	_ =	sdelay $0x3  }
0x96: {  	_ =	strace s3  }
0x97: {  	_ =	strace $0x8FFFFFFF  }
0x98: {  	s19 =	sld [smem:$0x3FDB];
	_ =	sdelay $0x1  }
0x99: {  	s4 =	simm.s32 $_scs_section_size  }
0x9a: {  	s5 =	simm.s32 $_size__tile_overlayer_lowered;
	s6 =	simm.s32 $_tile_overlayer_lowered  }
0x9b: {  	s22 =	simm.s32 $0x1BFF;
	s21 =	sshll.u32 s6, $0x1;
	s3 =	sadd.s32 s4, s19  }
0x9c: {  	s7 =	simm.s32 $0x0;
	s20 =	sshll.u32 s5, $0x1;
	s5 =	sadd.s32 s21, s3  }
0x9d: {  	[timem:s7], [sflag:s22] =	dma.local [hbm:s5], s20  }
0x9e: {  	_ =	swait.ge [sflag:s22], s20  }
0x9f: {  	s4 =	ssub.s32 $0x0, s20;
	[sflag:s22] =	ssyncset.done $0x0  }
0xa0: {  	[sflag:s22] =	ssyncadd.s32 s4;
	_ =	sdelay $0x1  }
0xa1: {  	s23 =	simm.s32 $0x1B8B  }
0xa2: {  	_ =	swait.ge [sflag:s23], $0x1  }
0xa3: {  	[sflag:s23] =	ssyncset.done $0x0  }
0xa4: {  	s25 =	simm.s32 $0x1B8E;
	s24 =	sld [smem:$0x3FFE];
	[sflag:s23] =	ssyncadd.s32 $0xFFFFFFFF  }
0xa5: {  	s26 =	simm.s32 $execute0_lowered;
	[smem:$0x3FD2] =	sst s25  }
0xa6: {  	s5 =	sshll.u32 s26, $0x1;
	_ =	strace $0x8000004C;
	[dreg:$0x1] =	wrdreg $0xFFFFFFFF  }
0xa7: {  	s28 =	simm.s32 $_size_execute0_lowered;
	s3 =	sadd.s32 s3, s5;
	[dreg:$0x0] =	wrdreg $0x0  }
0xa8: {  	s5 =	sshll.u32 s28, $0x1;
	[dreg:$0x2] =	wrdreg s3  }
0xa9: {  	[dreg:$0x3] =	wrdreg s5  }
0xaa: {  	[dreg:$0x4] =	wrdreg $0xC0  }
0xab: {  	_ =	task [dreg:s7], $0x5FFFF  }
0xac: {  	[dreg:$0x1] =	wrdreg $0xFFFFFFFF  }
0xad: {  	[dreg:$0x0] =	wrdreg $0x60  }
0xae: {  	[dreg:$0x2] =	wrdreg s2  }
0xaf: {  	[dreg:$0x3] =	wrdreg s24  }
0xb0: {  	[dreg:$0x4] =	wrdreg $0x98000  }
0xb1: {  	[dreg:$0x5] =	wrdreg $0x9  }
0xb2: {  	_ =	task.clear_ibuf [dreg:s7], $0x6FFFF;
	_ =	strace $0x9000004C  }
0xb3: {  	s29 =	simm.s32 $0x9;
	_ =	strace $0x8000004E  }
0xb4: {  	_ =	swait.ge [sflag:s29], $0x1  }
0xb5: {  	[sflag:s29] =	ssyncadd.s32 $0xFFFFFFFF  }
0xb6: {  	_ =	strace $0x9000004E  }
0xb7: {  	_ =	sfence  }
0xb8: {  	s30 =	sld [smem:$0x0];
	_ =	sdelay $0x2  }
0xb9: {  	s31 =	sshll.u32 s1, $0xD;
	s1 =	sshrl.u32 s1, $0x2  }
0xba: {  	s3 =	sand.u32 $0x4000, s31;
	s1 =	sadd.s32 s1, s30  }
0xbb: {  	s0 =	sor.u32 s3, s0;
	s1 =	sshll.u32 s1, $0x11  }
0xbc: {  	s0 =	sor.u32 s1, s0  }
0xbd: {  	s0 =	sadd.s32 $0x8F2B, s0  }
0xbe: {  	[sflag:s0] =	ssyncadd.remote.s32 $0x1  }
0xbf: {  	_ =	sfence.sel $0xFFFF  }
0xc0: {  	[dreg:$0x0] =	wrdreg $0xFFFFFFFF;
	(pc) =	sbr.abs _section_cstart, $3  }
0xc1: {  	[dreg:$0x1] =	wrdreg $0xFFFFFFFF  }
0xc2: {  	_ =	task.clear_ibuf [dreg:s7], $0x2FFFF;
	_ =	strace $0x9FFFFFFF  }
0xc3: {  	(tm) =	ssettm $0x7FFFFFFF  }
tec
execute0_lowered:
.L_overlay_start_1:
0x0: {  	(tag) =	ssettag $0x1  }
0x1: {  	s8 =	stileid.u32  }
0x2: {  	s0 =	srdreg.scid;
	s4 =	smul.u32 $0x5000, s8  }
0x3: {  	s1 =	rddreg [dreg:$0x0];
	s0 =	sand.u32 $0x1, s0;
	s6 =	smul.u32 $0xA00, s8  }
0x4: {  	s5 =	rddreg [dreg:$0x1];
	s2 =	smul.u32 $0x50000, s0  }
0x5: {  	s3 =	rddreg [dreg:$0x2]  }
0x6: {  	s6 =	sadd.s32 s6, s5;
	s2 =	sadd.s32 s2, s4;
	s4 =	simm.s32 $0x0  }
0x7: {  	s6 =	sadd.s32 $0x55600, s6;
	[smem:$0x7FF] =	sst s4  }
0x8: {  	s7 =	simm.s32 $0x80;
	_ =	strace $0x8000004D;
	[dreg:$0x5] =	wrdreg s6  }
0x9: {  	s9 =	simm.s32 $0x100;
	[dreg:$0x6] =	wrdreg s7  }
0xa: {  	s10 =	simm.s32 $0x180;
	[dreg:$0x7] =	wrdreg s9  }
0xb: {  	s11 =	simm.s32 $0x1080;
	[dreg:$0x8] =	wrdreg s10  }
0xc: {  	s12 =	simm.s32 $0x200;
	[dreg:$0x9] =	wrdreg s11  }
0xd: {  	s13 =	simm.s32 $0x1100;
	[dreg:$0xa] =	wrdreg s12  }
0xe: {  	s14 =	simm.s32 $0x280;
	[dreg:$0xb] =	wrdreg s13  }
0xf: {  	s16 =	simm.s32 $0x1180;
	[dreg:$0xc] =	wrdreg s14  }
0x10: {  	s17 =	simm.s32 $0x300;
	[dreg:$0xd] =	wrdreg s16  }
0x11: {  	s18 =	simm.s32 $0x1200;
	s19 =	simm.s32 $0x380;
	[dreg:$0xe] =	wrdreg s17  }
0x12: {  	s20 =	simm.s32 $0x1280;
	s21 =	simm.s32 $0x400;
	[dreg:$0xf] =	wrdreg s18  }
0x13: {  	s22 =	simm.s32 $0x1300;
	s24 =	simm.s32 $0x480;
	[dreg:$0x10] =	wrdreg s19  }
0x14: {  	s26 =	simm.s32 $0x1380;
	s28 =	simm.s32 $0x1A00;
	[dreg:$0x11] =	wrdreg s20  }
0x15: {  	s15 =	smul.u32 $0x138800, s0;
	s0 =	ssub.s32 $0x2, s0;
	[dreg:$0x12] =	wrdreg s21  }
0x16: {  	s29 =	simm.s32 $0xB80;
	s23 =	sshrl.u32 s0, $0x1;
	[dreg:$0x13] =	wrdreg s22  }
0x17: {  	s30 =	simm.s32 $0x1A80;
	s0 =	ssub.s32 s0, s23;
	[dreg:$0x14] =	wrdreg s24  }
0x18: {  	s31 =	simm.s32 $0xC00;
	s0 =	smax.u32 s0, $0x1;
	[dreg:$0x15] =	wrdreg s26  }
0x19: {  	s25 =	smul.u32 $0x7D000, s8;
	s23 =	simm.s32 $0x1700;
	[smem:$0x7F0] =	sst s0  }
0x1a: {  	p0 =	sgt.u32 s8, $0x9;
	s9 =	sadd.s32 $0x3400, s5;
	[smem:$0x7F4] =	sst s23  }
0x1b: {  	s2 =	sshrl.u32 s2, $0x3;
	s11 =	simm.s32 $0x1400;
	[smem:$0x7EE] =	sst s9  }
0x1c: {  	s2 =	sadd.s32 s2, s5;
	s12 =	simm.s32 $0x580;
	[dreg:$0x17] =	wrdreg s11  }
0x1d: {  	s7 =	smul.u32 $0x1F400, s8;
	s13 =	simm.s32 $0x1480;
	[dreg:$0x18] =	wrdreg s12  }
0x1e: {  	s10 =	sshrl.u32 s25, $0x2;
	s14 =	simm.s32 $0x600;
	[dreg:$0x19] =	wrdreg s13  }
0x1f: {  	s16 =	simm.s32 $0x680;
	s17 =	simm.s32 $0x1580;
	[dreg:$0x1a] =	wrdreg s14  }
0x20: {  	s18 =	simm.s32 $0x700;
	s19 =	simm.s32 $0x1600;
	[dreg:$0x1c] =	wrdreg s16  }
0x21: {  	s20 =	simm.s32 $0x780;
	s21 =	simm.s32 $0x1680;
	[dreg:$0x1d] =	wrdreg s17  }
0x22: {  	s22 =	simm.s32 $0x800;
	s24 =	simm.s32 $0x880;
	[dreg:$0x1e] =	wrdreg s18  }
0x23: {  	s25 =	simm.s32 $0x1780;
	s26 =	simm.s32 $0x900;
	[dreg:$0x1f] =	wrdreg s19  }
0x24: {  	s23 =	simm.s32 $0x1900;
	s0 =	simm.s32 $0x1B80;
	[smem:$0x7F1] =	sst s20  }
0x25: {  	s2 =	sadd.s32 $0x5F600, s2;
	s9 =	simm.s32 $0x500;
	[smem:$0x7F2] =	sst s21  }
0x26: {  	s11 =	simm.s32 $0x1000;
	s12 =	simm.s32 $0x50;
	[smem:$0x7F3] =	sst s22  }
0x27: {  	s13 =	simm.s32 $0x2000;
	s14 =	simm.s32 $0x4800;
	[smem:$0x7F5] =	sst s24  }
0x28: {  	s16 =	simm.s32 $0x1;
	s17 =	simm.s32 $0x4;
	[smem:$0x7F6] =	sst s25  }
0x29: {  	s18 =	simm.s32 $0x2;
	[smem:$0x7F7] =	sst s26;
	s19 =	simm.s32 $0x5  }
0x2a: {  	s20 =	simm.s32 $0x3;
	s21 =	simm.s32 $0x6;
	s22 =	simm.s32 $0xA00  }
0x2b: {  	s24 =	simm.s32 $0xA80;
	[dreg:$0x4] =	wrdreg s2;
	s6 =	sadd.s32 s7, s15  }
0x2c: {  	[dreg:$0x16] =	wrdreg s9;
	s15 =	simm.s32 $0x1500;
	s2 =	sshll.u32 @!p0 s8, $0x6  }
0x2d: {  	s7 =	simm.s32 $0x0;
	s6 =	sshrl.u32 s6, $0x3;
	[dreg:$0x1b] =	wrdreg s15  }
0x2e: {  	s8 =	sor.u32 @!p0 $0x1C07, s2;
	s2 =	simm.s32 $0x1800;
	[smem:$0x7FB] =	sst s7  }
0x2f: {  	s25 =	simm.s32 $0x1980;
	s5 =	sadd.s32 s6, s5;
	[smem:$0x7F8] =	sst s2  }
0x30: {  	s6 =	sadd.s32 s10, s3;
	[smem:$0x7FC] =	sst s8;
	s5 =	sadd.s32 $0x73600, s5  }
0x31: {  	s9 =	sshrl.u32 @!p0 s6, $0x3;
	s6 =	simm.s32 $0x1880;
	[smem:$0x7EF] =	sst s5  }
0x32: {  	s26 =	simm.s32 $0xB00;
	s15 =	simm.s32 $0x7000;
	[smem:$0x7FA] =	sst s6  }
0x33: {  	s10 =	simm.s32 $0x7;
	s5 =	simm.s32 $0x980;
	[smem:$0x7FD] =	sst s9  }
0x34: {  	s2 =	simm.s32 $0x1B00;
	[smem:$0x7F9] =	sst s5;
	s5 =	simm.s32 $0x1C00  }
.LBB2_1:
0x35: {  	s6 =	sld [smem:$0x7EE];
	_ =	sdelay $0x1  }
0x36: {  	s7 =	simm.s32 @!p0 $0x7  }
0x37: {  	[spmem:s9], [sflag:s8] =	dma.local @!p0 [hbm:s6], $0x3E80  }
0x38: {  	_ =	swait.ge @!p0 [sflag:s7], $0x3E80  }
0x39: {  	[sflag:s7] =	ssyncset.done @!p0 $0x0  }
0x3a: {  	[sflag:s7] =	ssyncadd.s32 @!p0 $0xFFFFC180  }
0x3b: {  	[bflag:$0x0] =	sbarrier.arrive $0xFFFF  }
0x3c: {  	s6 =	rddreg [dreg:$0x4]  }
0x3d: {  	s7 =	sadd.s32 $0x0, s6  }
0x3e: {  	[tilespmem:s4], [sflag:$0x7] =	stream.linear.gather [hbm4b:s7+s4], $0xC80, $0x38;
	[tilespmem:$0x1D080] =	vst v63  }
0x3f: {  	_ =	swait.ge [sflag:s10], $0xC80  }
0x40: {  	s8 =	rddreg [dreg:$0x5];
	[sflag:s10] =	ssyncset.done $0x0  }
0x41: {  	[sflag:s10] =	ssyncadd.s32 $0xFFFFF380;
	s7 =	sadd.s32 $0x0, s8  }
0x42: {  	[tilespmem:s11], [sflag:$0x7] =	stream.linear.gather [hbm4b:s7+s4], $0xC80, $0x38;
	[tilespmem:$0x1D080] =	vst v63  }
0x43: {  	_ =	swait.ge [sflag:s10], $0xC80  }
0x44: {  	[sflag:s10] =	ssyncset.done $0x0  }
0x45: {  	[sflag:s10] =	ssyncadd.s32 $0xFFFFF380  }
0x46: {  	[tilespmem:s13], [sflag:$0x1] =	stream.indirect.gather [hbm4b:s1+s12], $0x80, s4, s12, $0xb8;
	[tilespmem:$0x1D080] =	vst v63  }
0x47: {  	s9 =	rddreg [dreg:$0x6]  }
0x48: {  	[tilespmem:s14], [sflag:$0x2] =	stream.indirect.gather [hbm4b:s1+s12], $0x80, s9, s12, $0xb8;
	[tilespmem:$0x1D080] =	vst v63  }
0x49: {  	s6 =	rddreg [dreg:$0x7]  }
0x4a: {  	[tilespmem:s15], [sflag:$0x3] =	stream.indirect.gather [hbm4b:s1+s12], $0x80, s6, s12, $0xb8;
	[tilespmem:$0x1D080] =	vst v63  }
0x4b: {  	_ =	swait.ge [sflag:s16], $0x2800  }
0x4c: {  	[sflag:s16] =	ssyncset.done $0x0  }
0x4d: {  	[sflag:s16] =	ssyncadd.s32 $0xFFFFD800  }
0x4e: {  	[spmem:s3] =	stream.indirect.scatter.add.f32 [tilespmem:s13], [sflag:$0x4], $0x80, s11, s12, $0xb8;
	[tilespmem:$0x1D080] =	vst v63  }
0x4f: {  	_ =	swait.ge [sflag:s17], $0x2800  }
0x50: {  	[sflag:s17] =	ssyncset.done $0x0  }
0x51: {  	s9 =	rddreg [dreg:$0x8];
	[sflag:s17] =	ssyncadd.s32 $0xFFFFD800  }
0x52: {  	[tilespmem:s13], [sflag:$0x1] =	stream.indirect.gather [hbm4b:s1+s12], $0x80, s9, s12, $0xb8;
	[tilespmem:$0x1D080] =	vst v63  }
0x53: {  	_ =	swait.ge [sflag:s18], $0x2800  }
0x54: {  	[sflag:s18] =	ssyncset.done $0x0  }
0x55: {  	s6 =	rddreg [dreg:$0x9];
	[sflag:s18] =	ssyncadd.s32 $0xFFFFD800  }
0x56: {  	[spmem:s3] =	stream.indirect.scatter.add.f32 [tilespmem:s14], [sflag:$0x5], $0x80, s6, s12, $0xb8;
	[tilespmem:$0x1D080] =	vst v63  }
0x57: {  	_ =	swait.ge [sflag:s19], $0x2800  }
0x58: {  	[sflag:s19] =	ssyncset.done $0x0  }
0x59: {  	s8 =	rddreg [dreg:$0xa];
	[sflag:s19] =	ssyncadd.s32 $0xFFFFD800  }
0x5a: {  	[tilespmem:s14], [sflag:$0x2] =	stream.indirect.gather [hbm4b:s1+s12], $0x80, s8, s12, $0xb8;
	[tilespmem:$0x1D080] =	vst v63  }
0x5b: {  	_ =	swait.ge [sflag:s20], $0x2800  }
0x5c: {  	[sflag:s20] =	ssyncset.done $0x0  }
0x5d: {  	s9 =	rddreg [dreg:$0xb];
	[sflag:s20] =	ssyncadd.s32 $0xFFFFD800  }
0x5e: {  	[spmem:s3] =	stream.indirect.scatter.add.f32 [tilespmem:s15], [sflag:$0x6], $0x80, s9, s12, $0xb8;
	[tilespmem:$0x1D080] =	vst v63  }
0x5f: {  	_ =	swait.ge [sflag:s21], $0x2800  }
0x60: {  	[sflag:s21] =	ssyncset.done $0x0  }
0x61: {  	s6 =	rddreg [dreg:$0xc];
	[sflag:s21] =	ssyncadd.s32 $0xFFFFD800  }
0x62: {  	[tilespmem:s15], [sflag:$0x3] =	stream.indirect.gather [hbm4b:s1+s12], $0x80, s6, s12, $0xb8;
	[tilespmem:$0x1D080] =	vst v63  }
0x63: {  	_ =	swait.ge [sflag:s16], $0x2800  }
0x64: {  	[sflag:s16] =	ssyncset.done $0x0  }
0x65: {  	s8 =	rddreg [dreg:$0xd];
	[sflag:s16] =	ssyncadd.s32 $0xFFFFD800  }
0x66: {  	[spmem:s3] =	stream.indirect.scatter.add.f32 [tilespmem:s13], [sflag:$0x4], $0x80, s8, s12, $0xb8;
	[tilespmem:$0x1D080] =	vst v63  }
0x67: {  	_ =	swait.ge [sflag:s17], $0x2800  }
0x68: {  	[sflag:s17] =	ssyncset.done $0x0  }
0x69: {  	s9 =	rddreg [dreg:$0xe];
	[sflag:s17] =	ssyncadd.s32 $0xFFFFD800  }
0x6a: {  	[tilespmem:s13], [sflag:$0x1] =	stream.indirect.gather [hbm4b:s1+s12], $0x80, s9, s12, $0xb8;
	[tilespmem:$0x1D080] =	vst v63  }
0x6b: {  	_ =	swait.ge [sflag:s18], $0x2800  }
0x6c: {  	[sflag:s18] =	ssyncset.done $0x0  }
0x6d: {  	s6 =	rddreg [dreg:$0xf];
	[sflag:s18] =	ssyncadd.s32 $0xFFFFD800  }
0x6e: {  	[spmem:s3] =	stream.indirect.scatter.add.f32 [tilespmem:s14], [sflag:$0x5], $0x80, s6, s12, $0xb8;
	[tilespmem:$0x1D080] =	vst v63  }
0x6f: {  	_ =	swait.ge [sflag:s19], $0x2800  }
0x70: {  	[sflag:s19] =	ssyncset.done $0x0  }
0x71: {  	s8 =	rddreg [dreg:$0x10];
	[sflag:s19] =	ssyncadd.s32 $0xFFFFD800  }
0x72: {  	[tilespmem:s14], [sflag:$0x2] =	stream.indirect.gather [hbm4b:s1+s12], $0x80, s8, s12, $0xb8;
	[tilespmem:$0x1D080] =	vst v63  }
0x73: {  	_ =	swait.ge [sflag:s20], $0x2800  }
0x74: {  	[sflag:s20] =	ssyncset.done $0x0  }
0x75: {  	s9 =	rddreg [dreg:$0x11];
	[sflag:s20] =	ssyncadd.s32 $0xFFFFD800  }
0x76: {  	[spmem:s3] =	stream.indirect.scatter.add.f32 [tilespmem:s15], [sflag:$0x6], $0x80, s9, s12, $0xb8;
	[tilespmem:$0x1D080] =	vst v63  }
0x77: {  	_ =	swait.ge [sflag:s21], $0x2800  }
0x78: {  	[sflag:s21] =	ssyncset.done $0x0  }
0x79: {  	s6 =	rddreg [dreg:$0x12];
	[sflag:s21] =	ssyncadd.s32 $0xFFFFD800  }
0x7a: {  	[tilespmem:s15], [sflag:$0x3] =	stream.indirect.gather [hbm4b:s1+s12], $0x80, s6, s12, $0xb8;
	[tilespmem:$0x1D080] =	vst v63  }
0x7b: {  	_ =	swait.ge [sflag:s16], $0x2800  }
0x7c: {  	[sflag:s16] =	ssyncset.done $0x0  }
0x7d: {  	s8 =	rddreg [dreg:$0x13];
	[sflag:s16] =	ssyncadd.s32 $0xFFFFD800  }
0x7e: {  	[spmem:s3] =	stream.indirect.scatter.add.f32 [tilespmem:s13], [sflag:$0x4], $0x80, s8, s12, $0xb8;
	[tilespmem:$0x1D080] =	vst v63  }
0x7f: {  	_ =	swait.ge [sflag:s17], $0x2800  }
0x80: {  	[sflag:s17] =	ssyncset.done $0x0  }
0x81: {  	s9 =	rddreg [dreg:$0x14];
	[sflag:s17] =	ssyncadd.s32 $0xFFFFD800  }
0x82: {  	[tilespmem:s13], [sflag:$0x1] =	stream.indirect.gather [hbm4b:s1+s12], $0x80, s9, s12, $0xb8;
	[tilespmem:$0x1D080] =	vst v63  }
0x83: {  	_ =	swait.ge [sflag:s18], $0x2800  }
0x84: {  	[sflag:s18] =	ssyncset.done $0x0  }
0x85: {  	s6 =	rddreg [dreg:$0x15];
	[sflag:s18] =	ssyncadd.s32 $0xFFFFD800  }
0x86: {  	[spmem:s3] =	stream.indirect.scatter.add.f32 [tilespmem:s14], [sflag:$0x5], $0x80, s6, s12, $0xb8;
	[tilespmem:$0x1D080] =	vst v63  }
0x87: {  	_ =	swait.ge [sflag:s19], $0x2800  }
0x88: {  	[sflag:s19] =	ssyncset.done $0x0  }
0x89: {  	s8 =	rddreg [dreg:$0x16];
	[sflag:s19] =	ssyncadd.s32 $0xFFFFD800  }
0x8a: {  	[tilespmem:s14], [sflag:$0x2] =	stream.indirect.gather [hbm4b:s1+s12], $0x80, s8, s12, $0xb8;
	[tilespmem:$0x1D080] =	vst v63  }
0x8b: {  	_ =	swait.ge [sflag:s20], $0x2800  }
0x8c: {  	[sflag:s20] =	ssyncset.done $0x0  }
0x8d: {  	s9 =	rddreg [dreg:$0x17];
	[sflag:s20] =	ssyncadd.s32 $0xFFFFD800  }
0x8e: {  	[spmem:s3] =	stream.indirect.scatter.add.f32 [tilespmem:s15], [sflag:$0x6], $0x80, s9, s12, $0xb8;
	[tilespmem:$0x1D080] =	vst v63  }
0x8f: {  	_ =	swait.ge [sflag:s21], $0x2800  }
0x90: {  	[sflag:s21] =	ssyncset.done $0x0  }
0x91: {  	s6 =	rddreg [dreg:$0x18];
	[sflag:s21] =	ssyncadd.s32 $0xFFFFD800  }
0x92: {  	[tilespmem:s15], [sflag:$0x3] =	stream.indirect.gather [hbm4b:s1+s12], $0x80, s6, s12, $0xb8;
	[tilespmem:$0x1D080] =	vst v63  }
0x93: {  	_ =	swait.ge [sflag:s16], $0x2800  }
0x94: {  	[sflag:s16] =	ssyncset.done $0x0  }
0x95: {  	s8 =	rddreg [dreg:$0x19];
	[sflag:s16] =	ssyncadd.s32 $0xFFFFD800  }
0x96: {  	[spmem:s3] =	stream.indirect.scatter.add.f32 [tilespmem:s13], [sflag:$0x4], $0x80, s8, s12, $0xb8;
	[tilespmem:$0x1D080] =	vst v63  }
0x97: {  	_ =	swait.ge [sflag:s17], $0x2800  }
0x98: {  	[sflag:s17] =	ssyncset.done $0x0  }
0x99: {  	s9 =	rddreg [dreg:$0x1a];
	[sflag:s17] =	ssyncadd.s32 $0xFFFFD800  }
0x9a: {  	[tilespmem:s13], [sflag:$0x1] =	stream.indirect.gather [hbm4b:s1+s12], $0x80, s9, s12, $0xb8;
	[tilespmem:$0x1D080] =	vst v63  }
0x9b: {  	_ =	swait.ge [sflag:s18], $0x2800  }
0x9c: {  	[sflag:s18] =	ssyncset.done $0x0  }
0x9d: {  	s6 =	rddreg [dreg:$0x1b];
	[sflag:s18] =	ssyncadd.s32 $0xFFFFD800  }
0x9e: {  	[spmem:s3] =	stream.indirect.scatter.add.f32 [tilespmem:s14], [sflag:$0x5], $0x80, s6, s12, $0xb8;
	[tilespmem:$0x1D080] =	vst v63  }
0x9f: {  	_ =	swait.ge [sflag:s19], $0x2800  }
0xa0: {  	[sflag:s19] =	ssyncset.done $0x0  }
0xa1: {  	s8 =	rddreg [dreg:$0x1c];
	[sflag:s19] =	ssyncadd.s32 $0xFFFFD800  }
0xa2: {  	[tilespmem:s14], [sflag:$0x2] =	stream.indirect.gather [hbm4b:s1+s12], $0x80, s8, s12, $0xb8;
	[tilespmem:$0x1D080] =	vst v63  }
0xa3: {  	_ =	swait.ge [sflag:s20], $0x2800  }
0xa4: {  	[sflag:s20] =	ssyncset.done $0x0  }
0xa5: {  	s9 =	rddreg [dreg:$0x1d];
	[sflag:s20] =	ssyncadd.s32 $0xFFFFD800  }
0xa6: {  	[spmem:s3] =	stream.indirect.scatter.add.f32 [tilespmem:s15], [sflag:$0x6], $0x80, s9, s12, $0xb8;
	[tilespmem:$0x1D080] =	vst v63  }
0xa7: {  	_ =	swait.ge [sflag:s21], $0x2800  }
0xa8: {  	[sflag:s21] =	ssyncset.done $0x0  }
0xa9: {  	s6 =	rddreg [dreg:$0x1e];
	[sflag:s21] =	ssyncadd.s32 $0xFFFFD800  }
0xaa: {  	[tilespmem:s15], [sflag:$0x3] =	stream.indirect.gather [hbm4b:s1+s12], $0x80, s6, s12, $0xb8;
	[tilespmem:$0x1D080] =	vst v63  }
0xab: {  	_ =	swait.ge [sflag:s16], $0x2800  }
0xac: {  	[sflag:s16] =	ssyncset.done $0x0  }
0xad: {  	s8 =	rddreg [dreg:$0x1f];
	[sflag:s16] =	ssyncadd.s32 $0xFFFFD800  }
0xae: {  	[spmem:s3] =	stream.indirect.scatter.add.f32 [tilespmem:s13], [sflag:$0x4], $0x80, s8, s12, $0xb8;
	[tilespmem:$0x1D080] =	vst v63  }
0xaf: {  	_ =	swait.ge [sflag:s17], $0x2800  }
0xb0: {  	s9 =	sld [smem:$0x7F1]  }
0xb1: {  	[sflag:s17] =	ssyncset.done $0x0  }
0xb2: {  	[sflag:s17] =	ssyncadd.s32 $0xFFFFD800  }
0xb3: {  	[tilespmem:s13], [sflag:$0x1] =	stream.indirect.gather [hbm4b:s1+s12], $0x80, s9, s12, $0xb8;
	[tilespmem:$0x1D080] =	vst v63  }
0xb4: {  	_ =	swait.ge [sflag:s18], $0x2800  }
0xb5: {  	s6 =	sld [smem:$0x7F2]  }
0xb6: {  	[sflag:s18] =	ssyncset.done $0x0  }
0xb7: {  	[sflag:s18] =	ssyncadd.s32 $0xFFFFD800  }
0xb8: {  	[spmem:s3] =	stream.indirect.scatter.add.f32 [tilespmem:s14], [sflag:$0x5], $0x80, s6, s12, $0xb8;
	[tilespmem:$0x1D080] =	vst v63  }
0xb9: {  	_ =	swait.ge [sflag:s19], $0x2800  }
0xba: {  	s8 =	sld [smem:$0x7F3]  }
0xbb: {  	[sflag:s19] =	ssyncset.done $0x0  }
0xbc: {  	[sflag:s19] =	ssyncadd.s32 $0xFFFFD800  }
0xbd: {  	[tilespmem:s14], [sflag:$0x2] =	stream.indirect.gather [hbm4b:s1+s12], $0x80, s8, s12, $0xb8;
	[tilespmem:$0x1D080] =	vst v63  }
0xbe: {  	_ =	swait.ge [sflag:s20], $0x2800  }
0xbf: {  	s9 =	sld [smem:$0x7F4]  }
0xc0: {  	[sflag:s20] =	ssyncset.done $0x0  }
0xc1: {  	[sflag:s20] =	ssyncadd.s32 $0xFFFFD800  }
0xc2: {  	[spmem:s3] =	stream.indirect.scatter.add.f32 [tilespmem:s15], [sflag:$0x6], $0x80, s9, s12, $0xb8;
	[tilespmem:$0x1D080] =	vst v63  }
0xc3: {  	_ =	swait.ge [sflag:s21], $0x2800  }
0xc4: {  	s6 =	sld [smem:$0x7F5]  }
0xc5: {  	[sflag:s21] =	ssyncset.done $0x0  }
0xc6: {  	[sflag:s21] =	ssyncadd.s32 $0xFFFFD800  }
0xc7: {  	[tilespmem:s15], [sflag:$0x3] =	stream.indirect.gather [hbm4b:s1+s12], $0x80, s6, s12, $0xb8;
	[tilespmem:$0x1D080] =	vst v63  }
0xc8: {  	_ =	swait.ge [sflag:s16], $0x2800  }
0xc9: {  	s8 =	sld [smem:$0x7F6]  }
0xca: {  	[sflag:s16] =	ssyncset.done $0x0  }
0xcb: {  	[sflag:s16] =	ssyncadd.s32 $0xFFFFD800  }
0xcc: {  	[spmem:s3] =	stream.indirect.scatter.add.f32 [tilespmem:s13], [sflag:$0x4], $0x80, s8, s12, $0xb8;
	[tilespmem:$0x1D080] =	vst v63  }
0xcd: {  	_ =	swait.ge [sflag:s17], $0x2800  }
0xce: {  	s9 =	sld [smem:$0x7F7]  }
0xcf: {  	[sflag:s17] =	ssyncset.done $0x0  }
0xd0: {  	[sflag:s17] =	ssyncadd.s32 $0xFFFFD800  }
0xd1: {  	[tilespmem:s13], [sflag:$0x1] =	stream.indirect.gather [hbm4b:s1+s12], $0x80, s9, s12, $0xb8;
	[tilespmem:$0x1D080] =	vst v63  }
0xd2: {  	_ =	swait.ge [sflag:s18], $0x2800  }
0xd3: {  	s6 =	sld [smem:$0x7F8]  }
0xd4: {  	[sflag:s18] =	ssyncset.done $0x0  }
0xd5: {  	[sflag:s18] =	ssyncadd.s32 $0xFFFFD800  }
0xd6: {  	[spmem:s3] =	stream.indirect.scatter.add.f32 [tilespmem:s14], [sflag:$0x5], $0x80, s6, s12, $0xb8;
	[tilespmem:$0x1D080] =	vst v63  }
0xd7: {  	_ =	swait.ge [sflag:s19], $0x2800  }
0xd8: {  	s8 =	sld [smem:$0x7F9]  }
0xd9: {  	[sflag:s19] =	ssyncset.done $0x0  }
0xda: {  	[sflag:s19] =	ssyncadd.s32 $0xFFFFD800  }
0xdb: {  	[tilespmem:s14], [sflag:$0x2] =	stream.indirect.gather [hbm4b:s1+s12], $0x80, s8, s12, $0xb8;
	[tilespmem:$0x1D080] =	vst v63  }
0xdc: {  	_ =	swait.ge [sflag:s20], $0x2800  }
0xdd: {  	s9 =	sld [smem:$0x7FA]  }
0xde: {  	[sflag:s20] =	ssyncset.done $0x0  }
0xdf: {  	[sflag:s20] =	ssyncadd.s32 $0xFFFFD800  }
0xe0: {  	[spmem:s3] =	stream.indirect.scatter.add.f32 [tilespmem:s15], [sflag:$0x6], $0x80, s9, s12, $0xb8;
	[tilespmem:$0x1D080] =	vst v63  }
0xe1: {  	_ =	swait.ge [sflag:s21], $0x2800  }
0xe2: {  	[sflag:s21] =	ssyncset.done $0x0  }
0xe3: {  	[sflag:s21] =	ssyncadd.s32 $0xFFFFD800  }
0xe4: {  	[tilespmem:s15], [sflag:$0x3] =	stream.indirect.gather [hbm4b:s1+s12], $0x80, s22, s12, $0xb8;
	[tilespmem:$0x1D080] =	vst v63  }
0xe5: {  	_ =	swait.ge [sflag:s16], $0x2800  }
0xe6: {  	[sflag:s16] =	ssyncset.done $0x0  }
0xe7: {  	[sflag:s16] =	ssyncadd.s32 $0xFFFFD800  }
0xe8: {  	[spmem:s3] =	stream.indirect.scatter.add.f32 [tilespmem:s13], [sflag:$0x4], $0x80, s23, s12, $0xb8;
	[tilespmem:$0x1D080] =	vst v63  }
0xe9: {  	_ =	swait.ge [sflag:s17], $0x2800  }
0xea: {  	[sflag:s17] =	ssyncset.done $0x0  }
0xeb: {  	[sflag:s17] =	ssyncadd.s32 $0xFFFFD800  }
0xec: {  	[tilespmem:s13], [sflag:$0x1] =	stream.indirect.gather [hbm4b:s1+s12], $0x80, s24, s12, $0xb8;
	[tilespmem:$0x1D080] =	vst v63  }
0xed: {  	_ =	swait.ge [sflag:s18], $0x2800  }
0xee: {  	[sflag:s18] =	ssyncset.done $0x0  }
0xef: {  	[sflag:s18] =	ssyncadd.s32 $0xFFFFD800  }
0xf0: {  	[spmem:s3] =	stream.indirect.scatter.add.f32 [tilespmem:s14], [sflag:$0x5], $0x80, s25, s12, $0xb8;
	[tilespmem:$0x1D080] =	vst v63  }
0xf1: {  	_ =	swait.ge [sflag:s19], $0x2800  }
0xf2: {  	[sflag:s19] =	ssyncset.done $0x0  }
0xf3: {  	[sflag:s19] =	ssyncadd.s32 $0xFFFFD800  }
0xf4: {  	[tilespmem:s14], [sflag:$0x2] =	stream.indirect.gather [hbm4b:s1+s12], $0x80, s26, s12, $0xb8;
	[tilespmem:$0x1D080] =	vst v63  }
0xf5: {  	_ =	swait.ge [sflag:s20], $0x2800  }
0xf6: {  	[sflag:s20] =	ssyncset.done $0x0  }
0xf7: {  	[sflag:s20] =	ssyncadd.s32 $0xFFFFD800  }
0xf8: {  	[spmem:s3] =	stream.indirect.scatter.add.f32 [tilespmem:s15], [sflag:$0x6], $0x80, s28, s12, $0xb8;
	[tilespmem:$0x1D080] =	vst v63  }
0xf9: {  	_ =	swait.ge [sflag:s21], $0x2800  }
0xfa: {  	[sflag:s21] =	ssyncset.done $0x0  }
0xfb: {  	[sflag:s21] =	ssyncadd.s32 $0xFFFFD800  }
0xfc: {  	[tilespmem:s15], [sflag:$0x3] =	stream.indirect.gather [hbm4b:s1+s12], $0x80, s29, s12, $0xb8;
	[tilespmem:$0x1D080] =	vst v63  }
0xfd: {  	_ =	swait.ge [sflag:s16], $0x2800  }
0xfe: {  	[sflag:s16] =	ssyncset.done $0x0  }
0xff: {  	[sflag:s16] =	ssyncadd.s32 $0xFFFFD800  }
0x100: {  	[spmem:s3] =	stream.indirect.scatter.add.f32 [tilespmem:s13], [sflag:$0x4], $0x80, s30, s12, $0xb8;
	[tilespmem:$0x1D080] =	vst v63  }
0x101: {  	_ =	swait.ge [sflag:s17], $0x2800  }
0x102: {  	[sflag:s17] =	ssyncset.done $0x0  }
0x103: {  	[sflag:s17] =	ssyncadd.s32 $0xFFFFD800  }
0x104: {  	[tilespmem:s13], [sflag:$0x1] =	stream.indirect.gather [hbm4b:s1+s12], $0x80, s31, s12, $0xb8;
	[tilespmem:$0x1D080] =	vst v63  }
0x105: {  	_ =	swait.ge [sflag:s18], $0x2800  }
0x106: {  	[sflag:s18] =	ssyncset.done $0x0  }
0x107: {  	[sflag:s18] =	ssyncadd.s32 $0xFFFFD800  }
0x108: {  	[spmem:s3] =	stream.indirect.scatter.add.f32 [tilespmem:s14], [sflag:$0x5], $0x80, s2, s12, $0xb8;
	[tilespmem:$0x1D080] =	vst v63  }
0x109: {  	_ =	swait.ge [sflag:s19], $0x2800  }
0x10a: {  	[sflag:s19] =	ssyncset.done $0x0  }
0x10b: {  	[sflag:s19] =	ssyncadd.s32 $0xFFFFD800  }
0x10c: {  	_ =	swait.ge [sflag:s20], $0x2800  }
0x10d: {  	[sflag:s20] =	ssyncset.done $0x0  }
0x10e: {  	[sflag:s20] =	ssyncadd.s32 $0xFFFFD800  }
0x10f: {  	[spmem:s3] =	stream.indirect.scatter.add.f32 [tilespmem:s15], [sflag:$0x6], $0x80, s0, s12, $0xb8;
	[tilespmem:$0x1D080] =	vst v63  }
0x110: {  	_ =	swait.ge [sflag:s21], $0x2800  }
0x111: {  	[sflag:s21] =	ssyncset.done $0x0  }
0x112: {  	[sflag:s21] =	ssyncadd.s32 $0xFFFFD800  }
0x113: {  	_ =	swait.ge [sflag:s16], $0x2800  }
0x114: {  	[sflag:s16] =	ssyncset.done $0x0  }
0x115: {  	[sflag:s16] =	ssyncadd.s32 $0xFFFFD800  }
0x116: {  	[spmem:s3] =	stream.indirect.scatter.add.f32 [tilespmem:s13], [sflag:$0x4], $0x80, s5, s12, $0xb8;
	[tilespmem:$0x1D080] =	vst v63  }
0x117: {  	s7 =	simm.s32 $0x200;
	_ =	swait.ge [sflag:s17], $0x2800  }
0x118: {  	s8 =	simm.s32 $0x400;
	s9 =	rddreg [dreg:$0x4];
	[sflag:s17] =	ssyncset.done $0x0  }
.LBB2_2:
0x119: {  	[sflag:s17] =	ssyncadd.s32 $0xFFFFD800;
	s9 =	sadd.s32 s7, s9  }
0x11a: {  	[tilespmem:s4], [sflag:$0x7] =	stream.linear.gather [hbm4b:s9+s4], $0xC80, $0x38;
	[tilespmem:$0x1D080] =	vst v63  }
0x11b: {  	_ =	swait.ge [sflag:s10], $0xC80  }
0x11c: {  	s9 =	rddreg [dreg:$0x5];
	[sflag:s10] =	ssyncset.done $0x0  }
0x11d: {  	[sflag:s10] =	ssyncadd.s32 $0xFFFFF380;
	s9 =	sadd.s32 s7, s9  }
0x11e: {  	[tilespmem:s11], [sflag:$0x7] =	stream.linear.gather [hbm4b:s9+s4], $0xC80, $0x38;
	[tilespmem:$0x1D080] =	vst v63  }
0x11f: {  	_ =	swait.ge [sflag:s10], $0xC80  }
0x120: {  	[sflag:s10] =	ssyncset.done $0x0  }
0x121: {  	s6 =	smov.u32 s8;
	[sflag:s10] =	ssyncadd.s32 $0xFFFFF380  }
0x122: {  	[tilespmem:s13], [sflag:$0x1] =	stream.indirect.gather [hbm4b:s1+s12], $0x80, s4, s12, $0xb8;
	[tilespmem:$0x1D080] =	vst v63  }
0x123: {  	s7 =	smov.u32 s6;
	s6 =	rddreg [dreg:$0x6]  }
0x124: {  	[tilespmem:s14], [sflag:$0x2] =	stream.indirect.gather [hbm4b:s1+s12], $0x80, s6, s12, $0xb8;
	[tilespmem:$0x1D080] =	vst v63  }
0x125: {  	s9 =	rddreg [dreg:$0x7]  }
0x126: {  	[tilespmem:s15], [sflag:$0x3] =	stream.indirect.gather [hbm4b:s1+s12], $0x80, s9, s12, $0xb8;
	[tilespmem:$0x1D080] =	vst v63  }
0x127: {  	_ =	swait.ge [sflag:s16], $0x2800  }
0x128: {  	[sflag:s16] =	ssyncset.done $0x0  }
0x129: {  	[sflag:s16] =	ssyncadd.s32 $0xFFFFD800  }
0x12a: {  	[spmem:s3] =	stream.indirect.scatter.add.f32 [tilespmem:s13], [sflag:$0x4], $0x80, s11, s12, $0xb8;
	[tilespmem:$0x1D080] =	vst v63  }
0x12b: {  	_ =	swait.ge [sflag:s17], $0x2800  }
0x12c: {  	[sflag:s17] =	ssyncset.done $0x0  }
0x12d: {  	s9 =	rddreg [dreg:$0x8];
	[sflag:s17] =	ssyncadd.s32 $0xFFFFD800  }
0x12e: {  	[tilespmem:s13], [sflag:$0x1] =	stream.indirect.gather [hbm4b:s1+s12], $0x80, s9, s12, $0xb8;
	[tilespmem:$0x1D080] =	vst v63  }
0x12f: {  	_ =	swait.ge [sflag:s18], $0x2800  }
0x130: {  	[sflag:s18] =	ssyncset.done $0x0  }
0x131: {  	s9 =	rddreg [dreg:$0x9];
	[sflag:s18] =	ssyncadd.s32 $0xFFFFD800  }
0x132: {  	[spmem:s3] =	stream.indirect.scatter.add.f32 [tilespmem:s14], [sflag:$0x5], $0x80, s9, s12, $0xb8;
	[tilespmem:$0x1D080] =	vst v63  }
0x133: {  	_ =	swait.ge [sflag:s19], $0x2800  }
0x134: {  	[sflag:s19] =	ssyncset.done $0x0  }
0x135: {  	s9 =	rddreg [dreg:$0xa];
	[sflag:s19] =	ssyncadd.s32 $0xFFFFD800  }
0x136: {  	[tilespmem:s14], [sflag:$0x2] =	stream.indirect.gather [hbm4b:s1+s12], $0x80, s9, s12, $0xb8;
	[tilespmem:$0x1D080] =	vst v63  }
0x137: {  	_ =	swait.ge [sflag:s20], $0x2800  }
0x138: {  	[sflag:s20] =	ssyncset.done $0x0  }
0x139: {  	s9 =	rddreg [dreg:$0xb];
	[sflag:s20] =	ssyncadd.s32 $0xFFFFD800  }
0x13a: {  	[spmem:s3] =	stream.indirect.scatter.add.f32 [tilespmem:s15], [sflag:$0x6], $0x80, s9, s12, $0xb8;
	[tilespmem:$0x1D080] =	vst v63  }
0x13b: {  	_ =	swait.ge [sflag:s21], $0x2800  }
0x13c: {  	[sflag:s21] =	ssyncset.done $0x0  }
0x13d: {  	s9 =	rddreg [dreg:$0xc];
	[sflag:s21] =	ssyncadd.s32 $0xFFFFD800  }
0x13e: {  	[tilespmem:s15], [sflag:$0x3] =	stream.indirect.gather [hbm4b:s1+s12], $0x80, s9, s12, $0xb8;
	[tilespmem:$0x1D080] =	vst v63  }
0x13f: {  	_ =	swait.ge [sflag:s16], $0x2800  }
0x140: {  	[sflag:s16] =	ssyncset.done $0x0  }
0x141: {  	s9 =	rddreg [dreg:$0xd];
	[sflag:s16] =	ssyncadd.s32 $0xFFFFD800  }
0x142: {  	[spmem:s3] =	stream.indirect.scatter.add.f32 [tilespmem:s13], [sflag:$0x4], $0x80, s9, s12, $0xb8;
	[tilespmem:$0x1D080] =	vst v63  }
0x143: {  	_ =	swait.ge [sflag:s17], $0x2800  }
0x144: {  	[sflag:s17] =	ssyncset.done $0x0  }
0x145: {  	s9 =	rddreg [dreg:$0xe];
	[sflag:s17] =	ssyncadd.s32 $0xFFFFD800  }
0x146: {  	[tilespmem:s13], [sflag:$0x1] =	stream.indirect.gather [hbm4b:s1+s12], $0x80, s9, s12, $0xb8;
	[tilespmem:$0x1D080] =	vst v63  }
0x147: {  	_ =	swait.ge [sflag:s18], $0x2800  }
0x148: {  	[sflag:s18] =	ssyncset.done $0x0  }
0x149: {  	s9 =	rddreg [dreg:$0xf];
	[sflag:s18] =	ssyncadd.s32 $0xFFFFD800  }
0x14a: {  	[spmem:s3] =	stream.indirect.scatter.add.f32 [tilespmem:s14], [sflag:$0x5], $0x80, s9, s12, $0xb8;
	[tilespmem:$0x1D080] =	vst v63  }
0x14b: {  	_ =	swait.ge [sflag:s19], $0x2800  }
0x14c: {  	[sflag:s19] =	ssyncset.done $0x0  }
0x14d: {  	s9 =	rddreg [dreg:$0x10];
	[sflag:s19] =	ssyncadd.s32 $0xFFFFD800  }
0x14e: {  	[tilespmem:s14], [sflag:$0x2] =	stream.indirect.gather [hbm4b:s1+s12], $0x80, s9, s12, $0xb8;
	[tilespmem:$0x1D080] =	vst v63  }
0x14f: {  	_ =	swait.ge [sflag:s20], $0x2800  }
0x150: {  	[sflag:s20] =	ssyncset.done $0x0  }
0x151: {  	s9 =	rddreg [dreg:$0x11];
	[sflag:s20] =	ssyncadd.s32 $0xFFFFD800  }
0x152: {  	[spmem:s3] =	stream.indirect.scatter.add.f32 [tilespmem:s15], [sflag:$0x6], $0x80, s9, s12, $0xb8;
	[tilespmem:$0x1D080] =	vst v63  }
0x153: {  	_ =	swait.ge [sflag:s21], $0x2800  }
0x154: {  	[sflag:s21] =	ssyncset.done $0x0  }
0x155: {  	s9 =	rddreg [dreg:$0x12];
	[sflag:s21] =	ssyncadd.s32 $0xFFFFD800  }
0x156: {  	[tilespmem:s15], [sflag:$0x3] =	stream.indirect.gather [hbm4b:s1+s12], $0x80, s9, s12, $0xb8;
	[tilespmem:$0x1D080] =	vst v63  }
0x157: {  	_ =	swait.ge [sflag:s16], $0x2800  }
0x158: {  	[sflag:s16] =	ssyncset.done $0x0  }
0x159: {  	s9 =	rddreg [dreg:$0x13];
	[sflag:s16] =	ssyncadd.s32 $0xFFFFD800  }
0x15a: {  	[spmem:s3] =	stream.indirect.scatter.add.f32 [tilespmem:s13], [sflag:$0x4], $0x80, s9, s12, $0xb8;
	[tilespmem:$0x1D080] =	vst v63  }
0x15b: {  	_ =	swait.ge [sflag:s17], $0x2800  }
0x15c: {  	[sflag:s17] =	ssyncset.done $0x0  }
0x15d: {  	s9 =	rddreg [dreg:$0x14];
	[sflag:s17] =	ssyncadd.s32 $0xFFFFD800  }
0x15e: {  	[tilespmem:s13], [sflag:$0x1] =	stream.indirect.gather [hbm4b:s1+s12], $0x80, s9, s12, $0xb8;
	[tilespmem:$0x1D080] =	vst v63  }
0x15f: {  	_ =	swait.ge [sflag:s18], $0x2800  }
0x160: {  	[sflag:s18] =	ssyncset.done $0x0  }
0x161: {  	s9 =	rddreg [dreg:$0x15];
	[sflag:s18] =	ssyncadd.s32 $0xFFFFD800  }
0x162: {  	[spmem:s3] =	stream.indirect.scatter.add.f32 [tilespmem:s14], [sflag:$0x5], $0x80, s9, s12, $0xb8;
	[tilespmem:$0x1D080] =	vst v63  }
0x163: {  	_ =	swait.ge [sflag:s19], $0x2800  }
0x164: {  	[sflag:s19] =	ssyncset.done $0x0  }
0x165: {  	s9 =	rddreg [dreg:$0x16];
	[sflag:s19] =	ssyncadd.s32 $0xFFFFD800  }
0x166: {  	[tilespmem:s14], [sflag:$0x2] =	stream.indirect.gather [hbm4b:s1+s12], $0x80, s9, s12, $0xb8;
	[tilespmem:$0x1D080] =	vst v63  }
0x167: {  	_ =	swait.ge [sflag:s20], $0x2800  }
0x168: {  	[sflag:s20] =	ssyncset.done $0x0  }
0x169: {  	s9 =	rddreg [dreg:$0x17];
	[sflag:s20] =	ssyncadd.s32 $0xFFFFD800  }
0x16a: {  	[spmem:s3] =	stream.indirect.scatter.add.f32 [tilespmem:s15], [sflag:$0x6], $0x80, s9, s12, $0xb8;
	[tilespmem:$0x1D080] =	vst v63  }
0x16b: {  	_ =	swait.ge [sflag:s21], $0x2800  }
0x16c: {  	[sflag:s21] =	ssyncset.done $0x0  }
0x16d: {  	s9 =	rddreg [dreg:$0x18];
	[sflag:s21] =	ssyncadd.s32 $0xFFFFD800  }
0x16e: {  	[tilespmem:s15], [sflag:$0x3] =	stream.indirect.gather [hbm4b:s1+s12], $0x80, s9, s12, $0xb8;
	[tilespmem:$0x1D080] =	vst v63  }
0x16f: {  	_ =	swait.ge [sflag:s16], $0x2800  }
0x170: {  	[sflag:s16] =	ssyncset.done $0x0  }
0x171: {  	s9 =	rddreg [dreg:$0x19];
	[sflag:s16] =	ssyncadd.s32 $0xFFFFD800  }
0x172: {  	[spmem:s3] =	stream.indirect.scatter.add.f32 [tilespmem:s13], [sflag:$0x4], $0x80, s9, s12, $0xb8;
	[tilespmem:$0x1D080] =	vst v63  }
0x173: {  	_ =	swait.ge [sflag:s17], $0x2800  }
0x174: {  	[sflag:s17] =	ssyncset.done $0x0  }
0x175: {  	s9 =	rddreg [dreg:$0x1a];
	[sflag:s17] =	ssyncadd.s32 $0xFFFFD800  }
0x176: {  	[tilespmem:s13], [sflag:$0x1] =	stream.indirect.gather [hbm4b:s1+s12], $0x80, s9, s12, $0xb8;
	[tilespmem:$0x1D080] =	vst v63  }
0x177: {  	_ =	swait.ge [sflag:s18], $0x2800  }
0x178: {  	[sflag:s18] =	ssyncset.done $0x0  }
0x179: {  	s9 =	rddreg [dreg:$0x1b];
	[sflag:s18] =	ssyncadd.s32 $0xFFFFD800  }
0x17a: {  	[spmem:s3] =	stream.indirect.scatter.add.f32 [tilespmem:s14], [sflag:$0x5], $0x80, s9, s12, $0xb8;
	[tilespmem:$0x1D080] =	vst v63  }
0x17b: {  	_ =	swait.ge [sflag:s19], $0x2800  }
0x17c: {  	[sflag:s19] =	ssyncset.done $0x0  }
0x17d: {  	s9 =	rddreg [dreg:$0x1c];
	[sflag:s19] =	ssyncadd.s32 $0xFFFFD800  }
0x17e: {  	[tilespmem:s14], [sflag:$0x2] =	stream.indirect.gather [hbm4b:s1+s12], $0x80, s9, s12, $0xb8;
	[tilespmem:$0x1D080] =	vst v63  }
0x17f: {  	_ =	swait.ge [sflag:s20], $0x2800  }
0x180: {  	[sflag:s20] =	ssyncset.done $0x0  }
0x181: {  	s9 =	rddreg [dreg:$0x1d];
	[sflag:s20] =	ssyncadd.s32 $0xFFFFD800  }
0x182: {  	[spmem:s3] =	stream.indirect.scatter.add.f32 [tilespmem:s15], [sflag:$0x6], $0x80, s9, s12, $0xb8;
	[tilespmem:$0x1D080] =	vst v63  }
0x183: {  	_ =	swait.ge [sflag:s21], $0x2800  }
0x184: {  	[sflag:s21] =	ssyncset.done $0x0  }
0x185: {  	s9 =	rddreg [dreg:$0x1e];
	[sflag:s21] =	ssyncadd.s32 $0xFFFFD800  }
0x186: {  	[tilespmem:s15], [sflag:$0x3] =	stream.indirect.gather [hbm4b:s1+s12], $0x80, s9, s12, $0xb8;
	[tilespmem:$0x1D080] =	vst v63  }
0x187: {  	_ =	swait.ge [sflag:s16], $0x2800  }
0x188: {  	[sflag:s16] =	ssyncset.done $0x0  }
0x189: {  	s9 =	rddreg [dreg:$0x1f];
	[sflag:s16] =	ssyncadd.s32 $0xFFFFD800  }
0x18a: {  	[spmem:s3] =	stream.indirect.scatter.add.f32 [tilespmem:s13], [sflag:$0x4], $0x80, s9, s12, $0xb8;
	[tilespmem:$0x1D080] =	vst v63  }
0x18b: {  	_ =	swait.ge [sflag:s17], $0x2800  }
0x18c: {  	s9 =	sld [smem:$0x7F1]  }
0x18d: {  	[sflag:s17] =	ssyncset.done $0x0  }
0x18e: {  	[sflag:s17] =	ssyncadd.s32 $0xFFFFD800  }
0x18f: {  	[tilespmem:s13], [sflag:$0x1] =	stream.indirect.gather [hbm4b:s1+s12], $0x80, s9, s12, $0xb8;
	[tilespmem:$0x1D080] =	vst v63  }
0x190: {  	_ =	swait.ge [sflag:s18], $0x2800  }
0x191: {  	s9 =	sld [smem:$0x7F2]  }
0x192: {  	[sflag:s18] =	ssyncset.done $0x0  }
0x193: {  	[sflag:s18] =	ssyncadd.s32 $0xFFFFD800  }
0x194: {  	[spmem:s3] =	stream.indirect.scatter.add.f32 [tilespmem:s14], [sflag:$0x5], $0x80, s9, s12, $0xb8;
	[tilespmem:$0x1D080] =	vst v63  }
0x195: {  	_ =	swait.ge [sflag:s19], $0x2800  }
0x196: {  	s9 =	sld [smem:$0x7F3]  }
0x197: {  	[sflag:s19] =	ssyncset.done $0x0  }
0x198: {  	[sflag:s19] =	ssyncadd.s32 $0xFFFFD800  }
0x199: {  	[tilespmem:s14], [sflag:$0x2] =	stream.indirect.gather [hbm4b:s1+s12], $0x80, s9, s12, $0xb8;
	[tilespmem:$0x1D080] =	vst v63  }
0x19a: {  	_ =	swait.ge [sflag:s20], $0x2800  }
0x19b: {  	s9 =	sld [smem:$0x7F4]  }
0x19c: {  	[sflag:s20] =	ssyncset.done $0x0  }
0x19d: {  	[sflag:s20] =	ssyncadd.s32 $0xFFFFD800  }
0x19e: {  	[spmem:s3] =	stream.indirect.scatter.add.f32 [tilespmem:s15], [sflag:$0x6], $0x80, s9, s12, $0xb8;
	[tilespmem:$0x1D080] =	vst v63  }
0x19f: {  	_ =	swait.ge [sflag:s21], $0x2800  }
0x1a0: {  	s9 =	sld [smem:$0x7F5]  }
0x1a1: {  	[sflag:s21] =	ssyncset.done $0x0  }
0x1a2: {  	[sflag:s21] =	ssyncadd.s32 $0xFFFFD800  }
0x1a3: {  	[tilespmem:s15], [sflag:$0x3] =	stream.indirect.gather [hbm4b:s1+s12], $0x80, s9, s12, $0xb8;
	[tilespmem:$0x1D080] =	vst v63  }
0x1a4: {  	_ =	swait.ge [sflag:s16], $0x2800  }
0x1a5: {  	s9 =	sld [smem:$0x7F6]  }
0x1a6: {  	[sflag:s16] =	ssyncset.done $0x0  }
0x1a7: {  	[sflag:s16] =	ssyncadd.s32 $0xFFFFD800  }
0x1a8: {  	[spmem:s3] =	stream.indirect.scatter.add.f32 [tilespmem:s13], [sflag:$0x4], $0x80, s9, s12, $0xb8;
	[tilespmem:$0x1D080] =	vst v63  }
0x1a9: {  	_ =	swait.ge [sflag:s17], $0x2800  }
0x1aa: {  	s9 =	sld [smem:$0x7F7]  }
0x1ab: {  	[sflag:s17] =	ssyncset.done $0x0  }
0x1ac: {  	[sflag:s17] =	ssyncadd.s32 $0xFFFFD800  }
0x1ad: {  	[tilespmem:s13], [sflag:$0x1] =	stream.indirect.gather [hbm4b:s1+s12], $0x80, s9, s12, $0xb8;
	[tilespmem:$0x1D080] =	vst v63  }
0x1ae: {  	_ =	swait.ge [sflag:s18], $0x2800  }
0x1af: {  	s9 =	sld [smem:$0x7F8]  }
0x1b0: {  	[sflag:s18] =	ssyncset.done $0x0  }
0x1b1: {  	[sflag:s18] =	ssyncadd.s32 $0xFFFFD800  }
0x1b2: {  	[spmem:s3] =	stream.indirect.scatter.add.f32 [tilespmem:s14], [sflag:$0x5], $0x80, s9, s12, $0xb8;
	[tilespmem:$0x1D080] =	vst v63  }
0x1b3: {  	_ =	swait.ge [sflag:s19], $0x2800  }
0x1b4: {  	s9 =	sld [smem:$0x7F9]  }
0x1b5: {  	[sflag:s19] =	ssyncset.done $0x0  }
0x1b6: {  	[sflag:s19] =	ssyncadd.s32 $0xFFFFD800  }
0x1b7: {  	[tilespmem:s14], [sflag:$0x2] =	stream.indirect.gather [hbm4b:s1+s12], $0x80, s9, s12, $0xb8;
	[tilespmem:$0x1D080] =	vst v63  }
0x1b8: {  	_ =	swait.ge [sflag:s20], $0x2800  }
0x1b9: {  	s9 =	sld [smem:$0x7FA]  }
0x1ba: {  	[sflag:s20] =	ssyncset.done $0x0  }
0x1bb: {  	[sflag:s20] =	ssyncadd.s32 $0xFFFFD800  }
0x1bc: {  	[spmem:s3] =	stream.indirect.scatter.add.f32 [tilespmem:s15], [sflag:$0x6], $0x80, s9, s12, $0xb8;
	[tilespmem:$0x1D080] =	vst v63  }
0x1bd: {  	_ =	swait.ge [sflag:s21], $0x2800  }
0x1be: {  	[sflag:s21] =	ssyncset.done $0x0  }
0x1bf: {  	[sflag:s21] =	ssyncadd.s32 $0xFFFFD800  }
0x1c0: {  	[tilespmem:s15], [sflag:$0x3] =	stream.indirect.gather [hbm4b:s1+s12], $0x80, s22, s12, $0xb8;
	[tilespmem:$0x1D080] =	vst v63  }
0x1c1: {  	_ =	swait.ge [sflag:s16], $0x2800  }
0x1c2: {  	[sflag:s16] =	ssyncset.done $0x0  }
0x1c3: {  	[sflag:s16] =	ssyncadd.s32 $0xFFFFD800  }
0x1c4: {  	[spmem:s3] =	stream.indirect.scatter.add.f32 [tilespmem:s13], [sflag:$0x4], $0x80, s23, s12, $0xb8;
	[tilespmem:$0x1D080] =	vst v63  }
0x1c5: {  	_ =	swait.ge [sflag:s17], $0x2800  }
0x1c6: {  	[sflag:s17] =	ssyncset.done $0x0  }
0x1c7: {  	[sflag:s17] =	ssyncadd.s32 $0xFFFFD800  }
0x1c8: {  	[tilespmem:s13], [sflag:$0x1] =	stream.indirect.gather [hbm4b:s1+s12], $0x80, s24, s12, $0xb8;
	[tilespmem:$0x1D080] =	vst v63  }
0x1c9: {  	_ =	swait.ge [sflag:s18], $0x2800  }
0x1ca: {  	[sflag:s18] =	ssyncset.done $0x0  }
0x1cb: {  	[sflag:s18] =	ssyncadd.s32 $0xFFFFD800  }
0x1cc: {  	[spmem:s3] =	stream.indirect.scatter.add.f32 [tilespmem:s14], [sflag:$0x5], $0x80, s25, s12, $0xb8;
	[tilespmem:$0x1D080] =	vst v63  }
0x1cd: {  	_ =	swait.ge [sflag:s19], $0x2800  }
0x1ce: {  	[sflag:s19] =	ssyncset.done $0x0  }
0x1cf: {  	[sflag:s19] =	ssyncadd.s32 $0xFFFFD800  }
0x1d0: {  	[tilespmem:s14], [sflag:$0x2] =	stream.indirect.gather [hbm4b:s1+s12], $0x80, s26, s12, $0xb8;
	[tilespmem:$0x1D080] =	vst v63  }
0x1d1: {  	_ =	swait.ge [sflag:s20], $0x2800  }
0x1d2: {  	[sflag:s20] =	ssyncset.done $0x0  }
0x1d3: {  	[sflag:s20] =	ssyncadd.s32 $0xFFFFD800  }
0x1d4: {  	[spmem:s3] =	stream.indirect.scatter.add.f32 [tilespmem:s15], [sflag:$0x6], $0x80, s28, s12, $0xb8;
	[tilespmem:$0x1D080] =	vst v63  }
0x1d5: {  	_ =	swait.ge [sflag:s21], $0x2800  }
0x1d6: {  	[sflag:s21] =	ssyncset.done $0x0  }
0x1d7: {  	[sflag:s21] =	ssyncadd.s32 $0xFFFFD800  }
0x1d8: {  	[tilespmem:s15], [sflag:$0x3] =	stream.indirect.gather [hbm4b:s1+s12], $0x80, s29, s12, $0xb8;
	[tilespmem:$0x1D080] =	vst v63  }
0x1d9: {  	_ =	swait.ge [sflag:s16], $0x2800  }
0x1da: {  	[sflag:s16] =	ssyncset.done $0x0  }
0x1db: {  	[sflag:s16] =	ssyncadd.s32 $0xFFFFD800  }
0x1dc: {  	[spmem:s3] =	stream.indirect.scatter.add.f32 [tilespmem:s13], [sflag:$0x4], $0x80, s30, s12, $0xb8;
	[tilespmem:$0x1D080] =	vst v63  }
0x1dd: {  	_ =	swait.ge [sflag:s17], $0x2800  }
0x1de: {  	[sflag:s17] =	ssyncset.done $0x0  }
0x1df: {  	[sflag:s17] =	ssyncadd.s32 $0xFFFFD800  }
0x1e0: {  	[tilespmem:s13], [sflag:$0x1] =	stream.indirect.gather [hbm4b:s1+s12], $0x80, s31, s12, $0xb8;
	[tilespmem:$0x1D080] =	vst v63  }
0x1e1: {  	_ =	swait.ge [sflag:s18], $0x2800  }
0x1e2: {  	[sflag:s18] =	ssyncset.done $0x0  }
0x1e3: {  	[sflag:s18] =	ssyncadd.s32 $0xFFFFD800  }
0x1e4: {  	[spmem:s3] =	stream.indirect.scatter.add.f32 [tilespmem:s14], [sflag:$0x5], $0x80, s2, s12, $0xb8;
	[tilespmem:$0x1D080] =	vst v63  }
0x1e5: {  	_ =	swait.ge [sflag:s19], $0x2800  }
0x1e6: {  	[sflag:s19] =	ssyncset.done $0x0  }
0x1e7: {  	[sflag:s19] =	ssyncadd.s32 $0xFFFFD800  }
0x1e8: {  	_ =	swait.ge [sflag:s20], $0x2800  }
0x1e9: {  	[sflag:s20] =	ssyncset.done $0x0  }
0x1ea: {  	[sflag:s20] =	ssyncadd.s32 $0xFFFFD800  }
0x1eb: {  	[spmem:s3] =	stream.indirect.scatter.add.f32 [tilespmem:s15], [sflag:$0x6], $0x80, s0, s12, $0xb8;
	[tilespmem:$0x1D080] =	vst v63  }
0x1ec: {  	_ =	swait.ge [sflag:s21], $0x2800  }
0x1ed: {  	[sflag:s21] =	ssyncset.done $0x0  }
0x1ee: {  	[sflag:s21] =	ssyncadd.s32 $0xFFFFD800  }
0x1ef: {  	p1 =	sne.s32 s8, $0x800;
	_ =	swait.ge [sflag:s16], $0x2800  }
.Ltmp0:
0x1f0: {  	[sflag:s16] =	ssyncset.done $0x0;
	(pc) =	sbr.rel @p1 .LBB2_2-.Ltmp0, $4  }
0x1f1: {  	[sflag:s16] =	ssyncadd.s32 $0xFFFFD800  }
0x1f2: {  	[spmem:s3] =	stream.indirect.scatter.add.f32 [tilespmem:s13], [sflag:$0x4], $0x80, s5, s12, $0xb8;
	[tilespmem:$0x1D080] =	vst v63  }
0x1f3: {  	_ =	swait.ge [sflag:s17], $0x2800  }
0x1f4: {  	s8 =	sadd.s32 $0x200, s8;
	s9 =	rddreg [dreg:$0x4];
	[sflag:s17] =	ssyncset.done $0x0  }
0x1f5: {  	[sflag:s17] =	ssyncadd.s32 $0xFFFFD800;
	s6 =	sadd.s32 s7, s9  }
0x1f6: {  	[tilespmem:s4], [sflag:$0x7] =	stream.linear.gather [hbm4b:s6+s4], $0xC80, $0x38;
	[tilespmem:$0x1D080] =	vst v63  }
0x1f7: {  	_ =	swait.ge [sflag:s10], $0xC80  }
0x1f8: {  	s9 =	rddreg [dreg:$0x5];
	[sflag:s10] =	ssyncset.done $0x0  }
0x1f9: {  	[sflag:s10] =	ssyncadd.s32 $0xFFFFF380;
	s6 =	sadd.s32 s7, s9  }
0x1fa: {  	[tilespmem:s11], [sflag:$0x7] =	stream.linear.gather [hbm4b:s6+s4], $0xC80, $0x38;
	[tilespmem:$0x1D080] =	vst v63  }
0x1fb: {  	_ =	swait.ge [sflag:s10], $0xC80  }
0x1fc: {  	[sflag:s10] =	ssyncset.done $0x0  }
0x1fd: {  	[sflag:s10] =	ssyncadd.s32 $0xFFFFF380  }
0x1fe: {  	[tilespmem:s13], [sflag:$0x1] =	stream.indirect.gather [hbm4b:s1+s12], $0x80, s4, s12, $0xb8;
	[tilespmem:$0x1D080] =	vst v63  }
0x1ff: {  	s7 =	rddreg [dreg:$0x6]  }
0x200: {  	[tilespmem:s14], [sflag:$0x2] =	stream.indirect.gather [hbm4b:s1+s12], $0x80, s7, s12, $0xb8;
	[tilespmem:$0x1D080] =	vst v63  }
0x201: {  	s8 =	rddreg [dreg:$0x7]  }
0x202: {  	[tilespmem:s15], [sflag:$0x3] =	stream.indirect.gather [hbm4b:s1+s12], $0x80, s8, s12, $0xb8;
	[tilespmem:$0x1D080] =	vst v63  }
0x203: {  	_ =	swait.ge [sflag:s16], $0x2800  }
0x204: {  	[sflag:s16] =	ssyncset.done $0x0  }
0x205: {  	[sflag:s16] =	ssyncadd.s32 $0xFFFFD800  }
0x206: {  	[spmem:s3] =	stream.indirect.scatter.add.f32 [tilespmem:s13], [sflag:$0x4], $0x80, s11, s12, $0xb8;
	[tilespmem:$0x1D080] =	vst v63  }
0x207: {  	_ =	swait.ge [sflag:s17], $0x2800  }
0x208: {  	[sflag:s17] =	ssyncset.done $0x0  }
0x209: {  	s9 =	rddreg [dreg:$0x8];
	[sflag:s17] =	ssyncadd.s32 $0xFFFFD800  }
0x20a: {  	[tilespmem:s13], [sflag:$0x1] =	stream.indirect.gather [hbm4b:s1+s12], $0x80, s9, s12, $0xb8;
	[tilespmem:$0x1D080] =	vst v63  }
0x20b: {  	_ =	swait.ge [sflag:s18], $0x2800  }
0x20c: {  	[sflag:s18] =	ssyncset.done $0x0  }
0x20d: {  	s7 =	rddreg [dreg:$0x9];
	[sflag:s18] =	ssyncadd.s32 $0xFFFFD800  }
0x20e: {  	[spmem:s3] =	stream.indirect.scatter.add.f32 [tilespmem:s14], [sflag:$0x5], $0x80, s7, s12, $0xb8;
	[tilespmem:$0x1D080] =	vst v63  }
0x20f: {  	_ =	swait.ge [sflag:s19], $0x2800  }
0x210: {  	[sflag:s19] =	ssyncset.done $0x0  }
0x211: {  	s8 =	rddreg [dreg:$0xa];
	[sflag:s19] =	ssyncadd.s32 $0xFFFFD800  }
0x212: {  	[tilespmem:s14], [sflag:$0x2] =	stream.indirect.gather [hbm4b:s1+s12], $0x80, s8, s12, $0xb8;
	[tilespmem:$0x1D080] =	vst v63  }
0x213: {  	_ =	swait.ge [sflag:s20], $0x2800  }
0x214: {  	[sflag:s20] =	ssyncset.done $0x0  }
0x215: {  	s9 =	rddreg [dreg:$0xb];
	[sflag:s20] =	ssyncadd.s32 $0xFFFFD800  }
0x216: {  	[spmem:s3] =	stream.indirect.scatter.add.f32 [tilespmem:s15], [sflag:$0x6], $0x80, s9, s12, $0xb8;
	[tilespmem:$0x1D080] =	vst v63  }
0x217: {  	_ =	swait.ge [sflag:s21], $0x2800  }
0x218: {  	[sflag:s21] =	ssyncset.done $0x0  }
0x219: {  	s7 =	rddreg [dreg:$0xc];
	[sflag:s21] =	ssyncadd.s32 $0xFFFFD800  }
0x21a: {  	[tilespmem:s15], [sflag:$0x3] =	stream.indirect.gather [hbm4b:s1+s12], $0x80, s7, s12, $0xb8;
	[tilespmem:$0x1D080] =	vst v63  }
0x21b: {  	_ =	swait.ge [sflag:s16], $0x2800  }
0x21c: {  	[sflag:s16] =	ssyncset.done $0x0  }
0x21d: {  	s8 =	rddreg [dreg:$0xd];
	[sflag:s16] =	ssyncadd.s32 $0xFFFFD800  }
0x21e: {  	[spmem:s3] =	stream.indirect.scatter.add.f32 [tilespmem:s13], [sflag:$0x4], $0x80, s8, s12, $0xb8;
	[tilespmem:$0x1D080] =	vst v63  }
0x21f: {  	_ =	swait.ge [sflag:s17], $0x2800  }
0x220: {  	[sflag:s17] =	ssyncset.done $0x0  }
0x221: {  	s9 =	rddreg [dreg:$0xe];
	[sflag:s17] =	ssyncadd.s32 $0xFFFFD800  }
0x222: {  	[tilespmem:s13], [sflag:$0x1] =	stream.indirect.gather [hbm4b:s1+s12], $0x80, s9, s12, $0xb8;
	[tilespmem:$0x1D080] =	vst v63  }
0x223: {  	_ =	swait.ge [sflag:s18], $0x2800  }
0x224: {  	[sflag:s18] =	ssyncset.done $0x0  }
0x225: {  	s7 =	rddreg [dreg:$0xf];
	[sflag:s18] =	ssyncadd.s32 $0xFFFFD800  }
0x226: {  	[spmem:s3] =	stream.indirect.scatter.add.f32 [tilespmem:s14], [sflag:$0x5], $0x80, s7, s12, $0xb8;
	[tilespmem:$0x1D080] =	vst v63  }
0x227: {  	_ =	swait.ge [sflag:s19], $0x2800  }
0x228: {  	[sflag:s19] =	ssyncset.done $0x0  }
0x229: {  	s8 =	rddreg [dreg:$0x10];
	[sflag:s19] =	ssyncadd.s32 $0xFFFFD800  }
0x22a: {  	[tilespmem:s14], [sflag:$0x2] =	stream.indirect.gather [hbm4b:s1+s12], $0x80, s8, s12, $0xb8;
	[tilespmem:$0x1D080] =	vst v63  }
0x22b: {  	_ =	swait.ge [sflag:s20], $0x2800  }
0x22c: {  	[sflag:s20] =	ssyncset.done $0x0  }
0x22d: {  	s9 =	rddreg [dreg:$0x11];
	[sflag:s20] =	ssyncadd.s32 $0xFFFFD800  }
0x22e: {  	[spmem:s3] =	stream.indirect.scatter.add.f32 [tilespmem:s15], [sflag:$0x6], $0x80, s9, s12, $0xb8;
	[tilespmem:$0x1D080] =	vst v63  }
0x22f: {  	_ =	swait.ge [sflag:s21], $0x2800  }
0x230: {  	[sflag:s21] =	ssyncset.done $0x0  }
0x231: {  	s7 =	rddreg [dreg:$0x12];
	[sflag:s21] =	ssyncadd.s32 $0xFFFFD800  }
0x232: {  	[tilespmem:s15], [sflag:$0x3] =	stream.indirect.gather [hbm4b:s1+s12], $0x80, s7, s12, $0xb8;
	[tilespmem:$0x1D080] =	vst v63  }
0x233: {  	_ =	swait.ge [sflag:s16], $0x2800  }
0x234: {  	[sflag:s16] =	ssyncset.done $0x0  }
0x235: {  	s8 =	rddreg [dreg:$0x13];
	[sflag:s16] =	ssyncadd.s32 $0xFFFFD800  }
0x236: {  	[spmem:s3] =	stream.indirect.scatter.add.f32 [tilespmem:s13], [sflag:$0x4], $0x80, s8, s12, $0xb8;
	[tilespmem:$0x1D080] =	vst v63  }
0x237: {  	_ =	swait.ge [sflag:s17], $0x2800  }
0x238: {  	[sflag:s17] =	ssyncset.done $0x0  }
0x239: {  	s9 =	rddreg [dreg:$0x14];
	[sflag:s17] =	ssyncadd.s32 $0xFFFFD800  }
0x23a: {  	[tilespmem:s13], [sflag:$0x1] =	stream.indirect.gather [hbm4b:s1+s12], $0x80, s9, s12, $0xb8;
	[tilespmem:$0x1D080] =	vst v63  }
0x23b: {  	_ =	swait.ge [sflag:s18], $0x2800  }
0x23c: {  	[sflag:s18] =	ssyncset.done $0x0  }
0x23d: {  	s7 =	rddreg [dreg:$0x15];
	[sflag:s18] =	ssyncadd.s32 $0xFFFFD800  }
0x23e: {  	[spmem:s3] =	stream.indirect.scatter.add.f32 [tilespmem:s14], [sflag:$0x5], $0x80, s7, s12, $0xb8;
	[tilespmem:$0x1D080] =	vst v63  }
0x23f: {  	_ =	swait.ge [sflag:s19], $0x2800  }
0x240: {  	[sflag:s19] =	ssyncset.done $0x0  }
0x241: {  	s8 =	rddreg [dreg:$0x16];
	[sflag:s19] =	ssyncadd.s32 $0xFFFFD800  }
0x242: {  	[tilespmem:s14], [sflag:$0x2] =	stream.indirect.gather [hbm4b:s1+s12], $0x80, s8, s12, $0xb8;
	[tilespmem:$0x1D080] =	vst v63  }
0x243: {  	_ =	swait.ge [sflag:s20], $0x2800  }
0x244: {  	[sflag:s20] =	ssyncset.done $0x0  }
0x245: {  	s9 =	rddreg [dreg:$0x17];
	[sflag:s20] =	ssyncadd.s32 $0xFFFFD800  }
0x246: {  	[spmem:s3] =	stream.indirect.scatter.add.f32 [tilespmem:s15], [sflag:$0x6], $0x80, s9, s12, $0xb8;
	[tilespmem:$0x1D080] =	vst v63  }
0x247: {  	_ =	swait.ge [sflag:s21], $0x2800  }
0x248: {  	[sflag:s21] =	ssyncset.done $0x0  }
0x249: {  	s7 =	rddreg [dreg:$0x18];
	[sflag:s21] =	ssyncadd.s32 $0xFFFFD800  }
0x24a: {  	[tilespmem:s15], [sflag:$0x3] =	stream.indirect.gather [hbm4b:s1+s12], $0x80, s7, s12, $0xb8;
	[tilespmem:$0x1D080] =	vst v63  }
0x24b: {  	_ =	swait.ge [sflag:s16], $0x2800  }
0x24c: {  	[sflag:s16] =	ssyncset.done $0x0  }
0x24d: {  	s8 =	rddreg [dreg:$0x19];
	[sflag:s16] =	ssyncadd.s32 $0xFFFFD800  }
0x24e: {  	[spmem:s3] =	stream.indirect.scatter.add.f32 [tilespmem:s13], [sflag:$0x4], $0x80, s8, s12, $0xb8;
	[tilespmem:$0x1D080] =	vst v63  }
0x24f: {  	_ =	swait.ge [sflag:s17], $0x2800  }
0x250: {  	[sflag:s17] =	ssyncset.done $0x0  }
0x251: {  	s9 =	rddreg [dreg:$0x1a];
	[sflag:s17] =	ssyncadd.s32 $0xFFFFD800  }
0x252: {  	[tilespmem:s13], [sflag:$0x1] =	stream.indirect.gather [hbm4b:s1+s12], $0x80, s9, s12, $0xb8;
	[tilespmem:$0x1D080] =	vst v63  }
0x253: {  	_ =	swait.ge [sflag:s18], $0x2800  }
0x254: {  	[sflag:s18] =	ssyncset.done $0x0  }
0x255: {  	s7 =	rddreg [dreg:$0x1b];
	[sflag:s18] =	ssyncadd.s32 $0xFFFFD800  }
0x256: {  	[spmem:s3] =	stream.indirect.scatter.add.f32 [tilespmem:s14], [sflag:$0x5], $0x80, s7, s12, $0xb8;
	[tilespmem:$0x1D080] =	vst v63  }
0x257: {  	_ =	swait.ge [sflag:s19], $0x2800  }
0x258: {  	[sflag:s19] =	ssyncset.done $0x0  }
0x259: {  	s8 =	rddreg [dreg:$0x1c];
	[sflag:s19] =	ssyncadd.s32 $0xFFFFD800  }
0x25a: {  	[tilespmem:s14], [sflag:$0x2] =	stream.indirect.gather [hbm4b:s1+s12], $0x80, s8, s12, $0xb8;
	[tilespmem:$0x1D080] =	vst v63  }
0x25b: {  	_ =	swait.ge [sflag:s20], $0x2800  }
0x25c: {  	[sflag:s20] =	ssyncset.done $0x0  }
0x25d: {  	s9 =	rddreg [dreg:$0x1d];
	[sflag:s20] =	ssyncadd.s32 $0xFFFFD800  }
0x25e: {  	[spmem:s3] =	stream.indirect.scatter.add.f32 [tilespmem:s15], [sflag:$0x6], $0x80, s9, s12, $0xb8;
	[tilespmem:$0x1D080] =	vst v63  }
0x25f: {  	_ =	swait.ge [sflag:s21], $0x2800  }
0x260: {  	[sflag:s21] =	ssyncset.done $0x0  }
0x261: {  	s7 =	rddreg [dreg:$0x1e];
	[sflag:s21] =	ssyncadd.s32 $0xFFFFD800  }
0x262: {  	[tilespmem:s15], [sflag:$0x3] =	stream.indirect.gather [hbm4b:s1+s12], $0x80, s7, s12, $0xb8;
	[tilespmem:$0x1D080] =	vst v63  }
0x263: {  	_ =	swait.ge [sflag:s16], $0x2800  }
0x264: {  	[sflag:s16] =	ssyncset.done $0x0  }
0x265: {  	s8 =	rddreg [dreg:$0x1f];
	[sflag:s16] =	ssyncadd.s32 $0xFFFFD800  }
0x266: {  	[spmem:s3] =	stream.indirect.scatter.add.f32 [tilespmem:s13], [sflag:$0x4], $0x80, s8, s12, $0xb8;
	[tilespmem:$0x1D080] =	vst v63  }
0x267: {  	_ =	swait.ge [sflag:s17], $0x2800  }
0x268: {  	s9 =	sld [smem:$0x7F1]  }
0x269: {  	[sflag:s17] =	ssyncset.done $0x0  }
0x26a: {  	[sflag:s17] =	ssyncadd.s32 $0xFFFFD800  }
0x26b: {  	[tilespmem:s13], [sflag:$0x1] =	stream.indirect.gather [hbm4b:s1+s12], $0x80, s9, s12, $0xb8;
	[tilespmem:$0x1D080] =	vst v63  }
0x26c: {  	_ =	swait.ge [sflag:s18], $0x2800  }
0x26d: {  	s7 =	sld [smem:$0x7F2]  }
0x26e: {  	[sflag:s18] =	ssyncset.done $0x0  }
0x26f: {  	[sflag:s18] =	ssyncadd.s32 $0xFFFFD800  }
0x270: {  	[spmem:s3] =	stream.indirect.scatter.add.f32 [tilespmem:s14], [sflag:$0x5], $0x80, s7, s12, $0xb8;
	[tilespmem:$0x1D080] =	vst v63  }
0x271: {  	_ =	swait.ge [sflag:s19], $0x2800  }
0x272: {  	s8 =	sld [smem:$0x7F3]  }
0x273: {  	[sflag:s19] =	ssyncset.done $0x0  }
0x274: {  	[sflag:s19] =	ssyncadd.s32 $0xFFFFD800  }
0x275: {  	[tilespmem:s14], [sflag:$0x2] =	stream.indirect.gather [hbm4b:s1+s12], $0x80, s8, s12, $0xb8;
	[tilespmem:$0x1D080] =	vst v63  }
0x276: {  	_ =	swait.ge [sflag:s20], $0x2800  }
0x277: {  	s9 =	sld [smem:$0x7F4]  }
0x278: {  	[sflag:s20] =	ssyncset.done $0x0  }
0x279: {  	[sflag:s20] =	ssyncadd.s32 $0xFFFFD800  }
0x27a: {  	[spmem:s3] =	stream.indirect.scatter.add.f32 [tilespmem:s15], [sflag:$0x6], $0x80, s9, s12, $0xb8;
	[tilespmem:$0x1D080] =	vst v63  }
0x27b: {  	_ =	swait.ge [sflag:s21], $0x2800  }
0x27c: {  	s7 =	sld [smem:$0x7F5]  }
0x27d: {  	[sflag:s21] =	ssyncset.done $0x0  }
0x27e: {  	[sflag:s21] =	ssyncadd.s32 $0xFFFFD800  }
0x27f: {  	[tilespmem:s15], [sflag:$0x3] =	stream.indirect.gather [hbm4b:s1+s12], $0x80, s7, s12, $0xb8;
	[tilespmem:$0x1D080] =	vst v63  }
0x280: {  	_ =	swait.ge [sflag:s16], $0x2800  }
0x281: {  	s8 =	sld [smem:$0x7F6]  }
0x282: {  	[sflag:s16] =	ssyncset.done $0x0  }
0x283: {  	[sflag:s16] =	ssyncadd.s32 $0xFFFFD800  }
0x284: {  	[spmem:s3] =	stream.indirect.scatter.add.f32 [tilespmem:s13], [sflag:$0x4], $0x80, s8, s12, $0xb8;
	[tilespmem:$0x1D080] =	vst v63  }
0x285: {  	_ =	swait.ge [sflag:s17], $0x2800  }
0x286: {  	s9 =	sld [smem:$0x7F7]  }
0x287: {  	[sflag:s17] =	ssyncset.done $0x0  }
0x288: {  	[sflag:s17] =	ssyncadd.s32 $0xFFFFD800  }
0x289: {  	[tilespmem:s13], [sflag:$0x1] =	stream.indirect.gather [hbm4b:s1+s12], $0x80, s9, s12, $0xb8;
	[tilespmem:$0x1D080] =	vst v63  }
0x28a: {  	_ =	swait.ge [sflag:s18], $0x2800  }
0x28b: {  	s7 =	sld [smem:$0x7F8]  }
0x28c: {  	[sflag:s18] =	ssyncset.done $0x0  }
0x28d: {  	[sflag:s18] =	ssyncadd.s32 $0xFFFFD800  }
0x28e: {  	[spmem:s3] =	stream.indirect.scatter.add.f32 [tilespmem:s14], [sflag:$0x5], $0x80, s7, s12, $0xb8;
	[tilespmem:$0x1D080] =	vst v63  }
0x28f: {  	_ =	swait.ge [sflag:s19], $0x2800  }
0x290: {  	s8 =	sld [smem:$0x7F9]  }
0x291: {  	[sflag:s19] =	ssyncset.done $0x0  }
0x292: {  	[sflag:s19] =	ssyncadd.s32 $0xFFFFD800  }
0x293: {  	[tilespmem:s14], [sflag:$0x2] =	stream.indirect.gather [hbm4b:s1+s12], $0x80, s8, s12, $0xb8;
	[tilespmem:$0x1D080] =	vst v63  }
0x294: {  	_ =	swait.ge [sflag:s20], $0x2800  }
0x295: {  	s9 =	sld [smem:$0x7FA]  }
0x296: {  	[sflag:s20] =	ssyncset.done $0x0  }
0x297: {  	[sflag:s20] =	ssyncadd.s32 $0xFFFFD800  }
0x298: {  	[spmem:s3] =	stream.indirect.scatter.add.f32 [tilespmem:s15], [sflag:$0x6], $0x80, s9, s12, $0xb8;
	[tilespmem:$0x1D080] =	vst v63  }
0x299: {  	_ =	swait.ge [sflag:s21], $0x2800  }
0x29a: {  	[sflag:s21] =	ssyncset.done $0x0  }
0x29b: {  	[sflag:s21] =	ssyncadd.s32 $0xFFFFD800  }
0x29c: {  	[tilespmem:s15], [sflag:$0x3] =	stream.indirect.gather [hbm4b:s1+s12], $0x80, s22, s12, $0xb8;
	[tilespmem:$0x1D080] =	vst v63  }
0x29d: {  	_ =	swait.ge [sflag:s16], $0x2800  }
0x29e: {  	[sflag:s16] =	ssyncset.done $0x0  }
0x29f: {  	[sflag:s16] =	ssyncadd.s32 $0xFFFFD800  }
0x2a0: {  	[spmem:s3] =	stream.indirect.scatter.add.f32 [tilespmem:s13], [sflag:$0x4], $0x80, s23, s12, $0xb8;
	[tilespmem:$0x1D080] =	vst v63  }
0x2a1: {  	_ =	swait.ge [sflag:s17], $0x2800  }
0x2a2: {  	[sflag:s17] =	ssyncset.done $0x0  }
0x2a3: {  	[sflag:s17] =	ssyncadd.s32 $0xFFFFD800  }
0x2a4: {  	[tilespmem:s13], [sflag:$0x1] =	stream.indirect.gather [hbm4b:s1+s12], $0x80, s24, s12, $0xb8;
	[tilespmem:$0x1D080] =	vst v63  }
0x2a5: {  	_ =	swait.ge [sflag:s18], $0x2800  }
0x2a6: {  	[sflag:s18] =	ssyncset.done $0x0  }
0x2a7: {  	[sflag:s18] =	ssyncadd.s32 $0xFFFFD800  }
0x2a8: {  	[spmem:s3] =	stream.indirect.scatter.add.f32 [tilespmem:s14], [sflag:$0x5], $0x80, s25, s12, $0xb8;
	[tilespmem:$0x1D080] =	vst v63  }
0x2a9: {  	_ =	swait.ge [sflag:s19], $0x2800  }
0x2aa: {  	[sflag:s19] =	ssyncset.done $0x0  }
0x2ab: {  	[sflag:s19] =	ssyncadd.s32 $0xFFFFD800  }
0x2ac: {  	[tilespmem:s14], [sflag:$0x2] =	stream.indirect.gather [hbm4b:s1+s12], $0x80, s26, s12, $0xb8;
	[tilespmem:$0x1D080] =	vst v63  }
0x2ad: {  	_ =	swait.ge [sflag:s20], $0x2800  }
0x2ae: {  	[sflag:s20] =	ssyncset.done $0x0  }
0x2af: {  	[sflag:s20] =	ssyncadd.s32 $0xFFFFD800  }
0x2b0: {  	[spmem:s3] =	stream.indirect.scatter.add.f32 [tilespmem:s15], [sflag:$0x6], $0x80, s28, s12, $0xb8;
	[tilespmem:$0x1D080] =	vst v63  }
0x2b1: {  	_ =	swait.ge [sflag:s21], $0x2800  }
0x2b2: {  	[sflag:s21] =	ssyncset.done $0x0  }
0x2b3: {  	[sflag:s21] =	ssyncadd.s32 $0xFFFFD800  }
0x2b4: {  	[tilespmem:s15], [sflag:$0x3] =	stream.indirect.gather [hbm4b:s1+s12], $0x80, s29, s12, $0xb8;
	[tilespmem:$0x1D080] =	vst v63  }
0x2b5: {  	_ =	swait.ge [sflag:s16], $0x2800  }
0x2b6: {  	[sflag:s16] =	ssyncset.done $0x0  }
0x2b7: {  	[sflag:s16] =	ssyncadd.s32 $0xFFFFD800  }
0x2b8: {  	[spmem:s3] =	stream.indirect.scatter.add.f32 [tilespmem:s13], [sflag:$0x4], $0x80, s30, s12, $0xb8;
	[tilespmem:$0x1D080] =	vst v63  }
0x2b9: {  	_ =	swait.ge [sflag:s17], $0x2800  }
0x2ba: {  	[sflag:s17] =	ssyncset.done $0x0  }
0x2bb: {  	[sflag:s17] =	ssyncadd.s32 $0xFFFFD800  }
0x2bc: {  	[tilespmem:s13], [sflag:$0x1] =	stream.indirect.gather [hbm4b:s1+s12], $0x80, s31, s12, $0xb8;
	[tilespmem:$0x1D080] =	vst v63  }
0x2bd: {  	_ =	swait.ge [sflag:s18], $0x2800  }
0x2be: {  	[sflag:s18] =	ssyncset.done $0x0  }
0x2bf: {  	[sflag:s18] =	ssyncadd.s32 $0xFFFFD800  }
0x2c0: {  	[spmem:s3] =	stream.indirect.scatter.add.f32 [tilespmem:s14], [sflag:$0x5], $0x80, s2, s12, $0xb8;
	[tilespmem:$0x1D080] =	vst v63  }
0x2c1: {  	_ =	swait.ge [sflag:s19], $0x2800  }
0x2c2: {  	[sflag:s19] =	ssyncset.done $0x0  }
0x2c3: {  	[sflag:s19] =	ssyncadd.s32 $0xFFFFD800  }
0x2c4: {  	_ =	swait.ge [sflag:s20], $0x2800  }
0x2c5: {  	[sflag:s20] =	ssyncset.done $0x0  }
0x2c6: {  	[sflag:s20] =	ssyncadd.s32 $0xFFFFD800  }
0x2c7: {  	[spmem:s3] =	stream.indirect.scatter.add.f32 [tilespmem:s15], [sflag:$0x6], $0x80, s0, s12, $0xb8;
	[tilespmem:$0x1D080] =	vst v63  }
0x2c8: {  	_ =	swait.ge [sflag:s21], $0x2800  }
0x2c9: {  	[sflag:s21] =	ssyncset.done $0x0  }
0x2ca: {  	[sflag:s21] =	ssyncadd.s32 $0xFFFFD800  }
0x2cb: {  	_ =	swait.ge [sflag:s16], $0x2800  }
0x2cc: {  	[sflag:s16] =	ssyncset.done $0x0  }
0x2cd: {  	[sflag:s16] =	ssyncadd.s32 $0xFFFFD800  }
0x2ce: {  	[spmem:s3] =	stream.indirect.scatter.add.f32 [tilespmem:s13], [sflag:$0x4], $0x80, s5, s12, $0xb8;
	[tilespmem:$0x1D080] =	vst v63  }
0x2cf: {  	_ =	swait.ge [sflag:s17], $0x2800  }
0x2d0: {  	[sflag:s17] =	ssyncset.done $0x0  }
0x2d1: {  	[sflag:s17] =	ssyncadd.s32 $0xFFFFD800  }
0x2d2: {  	[bflag:$0x0] =	sbarrier.arrive $0xFFFF  }
0x2d3: {  	s6 =	sld [smem:$0x7EF]  }
0x2d4: {  	s8 =	sld [smem:$0x7FC]  }
0x2d5: {  	s9 =	sld [smem:$0x7FD];
	_ =	sdelay $0x1  }
0x2d6: {  	s7 =	simm.s32 @!p0 $0x7  }
0x2d7: {  	[hbm:s6], [sflag:s8] =	dma.local @!p0 [spmem:s9], $0x3E80  }
0x2d8: {  	_ =	swait.ge @!p0 [sflag:s7], $0x3E80  }
0x2d9: {  	s6 =	sld [smem:$0x7FB]  }
0x2da: {  	[sflag:s7] =	ssyncset.done @!p0 $0x0;
	s7 =	sld [smem:$0x7F0];
	_ =	sdelay $0x1  }
0x2db: {  	s6 =	sadd.s32 $0x1, s6  }
0x2dc: {  	p1 =	sne.s32 s6, s7  }
.Ltmp1:
0x2dd: {  	_ = 	snop;
	(pc) =	sbr.rel @p1 .LBB2_1-.Ltmp1, $3  }
0x2de: {  	_ =	sdelay $0x1  }
0x2df: {  	[smem:$0x7FB] =	sst s6;
	s6 =	simm.s32 @!p0 $0x7  }
0x2e0: {  	[sflag:s6] =	ssyncadd.s32 @!p0 $0xFFFFC180  }
0x2e1: {  	_ =	sfence.sel $0x180000  }
0x2e2: {  	[bflag:$0x0] =	sbarrier.arrive $0xFFFF  }
0x2e3: {  	_ =	strace $0x9000004D  }
0x2e4: {  	s0 =	stileid.u32;
	[bflag:$0x2] =	sbarrier.arrive $0xFFFF  }
0x2e5: {  	p0 =	sne.s32 s0, $0x0;
	s0 =	rddreg [dreg:$0x3]  }
0x2e6: {  	s0 =	sadd.s32 @!p0 $0x100000, s0  }
0x2e7: {  	[sflag:s0] =	ssyncadd.tile.s32 @!p0 $0x1;
	_ =	shalt  }
.Lfunc_end2:
_tile_overlayer_lowered:
.L_overlay_start_2:
0x2e8: {  	(tag) =	ssettag $0x2  }
0x2e9: {  	s0 =	rddreg [dreg:$0x0];
	s2 =	stileid.u32  }
0x2ea: {  	s1 =	rddreg [dreg:$0x1];
	p0 =	sne.s32 s2, $0x0  }
0x2eb: {  	s3 =	rddreg [dreg:$0x2];
	[bflag:$0x3] =	sbarrier.arrive $0xFFFF;
	s2 =	simm.s32 @!p0 $0x1C07  }
0x2ec: {  	[timem:s3], [sflag:s2] =	dma.local @!p0 [hbm:s0], s1  }
0x2ed: {  	s0 =	simm.s32 @!p0 $0x7  }
0x2ee: {  	_ =	swait.ge @!p0 [sflag:s0], s1  }
0x2ef: {  	s1 =	ssub.s32 @!p0 $0x0, s1;
	[sflag:s0] =	ssyncset.done @!p0 $0x0  }
0x2f0: {  	[sflag:s0] =	ssyncadd.s32 @!p0 s1  }
0x2f1: {  	[bflag:$0x3] =	sbarrier.arrive $0xFFFF  }
0x2f2: {  	_ =	shalt  }

</sc_bundles>
